<compile_context>
chip_gen: v7x
topology: tpu7x:2x2x1
jax: 0.10.2.dev20260603
libtpu: 0.0.44.dev20260713+nightly
codegen_flags: <defaults>
</compile_context>

<pallas_src>
import functools

import jax
import jax.numpy as jnp
from jax import lax
from jax.experimental import pallas as pl
from jax.experimental.pallas import tpu as pltpu
from jax.experimental.pallas import tpu_sc as plsc

N = 10000
IN_CH = 128
OUT_CH = 128
E = 320000

NC = 2
NS = 16
NW = NC * NS

BLK = 64
NROW = 80
NBLK = 2 * NROW
TB = NW * NROW
E_PAD = TB * 128
PAD_N = 10112
ROWS_PER_SUB = PAD_N // NS
HIST_N = 10240
HROWS_PER_SUB = HIST_N // NS

_mesh = plsc.VectorSubcoreMesh(core_axis_name="c", subcore_axis_name="s")


def _zero_2d(ref, rows, cols):
    z = jnp.zeros((16,), jnp.float32)

    def body(r, _):
        for cc in range(cols // 16):
            ref[r, pl.ds(cc * 16, 16)] = z
        return 0

    lax.fori_loop(0, rows, body, 0)


def _unpack_block(packv, j, ib):
    r = j // 2
    h = (j % 2) * BLK
    for k in range(BLK // 16):
        p = packv[r, pl.ds(h + k * 16, 16)]
        ib[0, pl.ds(k * 16, 16)] = jnp.bitwise_and(p, jnp.int32(0xFFFF))
        ib[1, pl.ds(k * 16, 16)] = lax.shift_right_logical(p, jnp.int32(16))


def _stage_blocks(pack_hbm, packv, c, s):
    wid = s * NC + c
    pltpu.sync_copy(pack_hbm.at[wid], packv)


def _deg_body(pack_hbm, out_hbm, packv, dstv, zb, onesv, hist_sh, sem):
    c = lax.axis_index("c")
    s = lax.axis_index("s")

    def zbody(k, _):
        zb[pl.ds(k * 16, 16)] = jnp.zeros((16,), jnp.float32)
        return 0

    lax.fori_loop(0, HROWS_PER_SUB // 16, zbody, 0)
    for k in range(128 // 16):
        onesv[pl.ds(k * 16, 16)] = jnp.ones((16,), jnp.float32)

    pltpu.sync_copy(zb, hist_sh.at[pl.ds(s * HROWS_PER_SUB, HROWS_PER_SUB)])
    _stage_blocks(pack_hbm, packv, c, s)

    def ubody(j, _):
        for k in range(128 // 16):
            p = packv[j, pl.ds(k * 16, 16)]
            dstv[j, pl.ds(k * 16, 16)] = lax.shift_right_logical(
                p, jnp.int32(16)
            )
        return 0

    lax.fori_loop(0, NROW, ubody, 0)
    plsc.subcore_barrier()

    def fbody(j, _):
        pltpu.async_copy(onesv, hist_sh.at[dstv.at[j]], sem, add=True)
        return 0

    lax.fori_loop(0, NROW, fbody, 0)

    def wbody(j, _):
        pltpu.make_async_copy(onesv, hist_sh.at[dstv.at[0]], sem).wait()
        return 0

    lax.fori_loop(0, NROW, wbody, 0)
    plsc.subcore_barrier()
    pltpu.sync_copy(
        hist_sh.at[pl.ds(s * HROWS_PER_SUB, HROWS_PER_SUB)],
        out_hbm.at[c, pl.ds(s * HROWS_PER_SUB, HROWS_PER_SUB)],
    )


_deg_kernel = functools.partial(
    pl.kernel,
    out_type=jax.ShapeDtypeStruct((NC, HIST_N), jnp.float32),
    mesh=_mesh,
    scratch_types=[
        pltpu.VMEM((NROW, 128), jnp.int32),
        pltpu.VMEM((NROW, 128), jnp.int32),
        pltpu.VMEM((HROWS_PER_SUB,), jnp.float32),
        pltpu.VMEM((128,), jnp.float32),
        pltpu.VMEM_SHARED((HIST_N,), jnp.float32),
        pltpu.SemaphoreType.DMA,
    ],
)(_deg_body)


def _agg_body(y_hbm, pack_hbm, out_hbm, packv, ib0, ib1, ib2, ib3,
              rb0, rb1, rb2, rb3, acc_sh, sem0, sem1, sem2, sem3):
    c = lax.axis_index("c")
    s = lax.axis_index("s")

    bufs = (rb0, rb1, rb2, rb3)
    ibs = (ib0, ib1, ib2, ib3)
    sems = (sem0, sem1, sem2, sem3)

    def fire(j, k):
        _unpack_block(packv, j, ibs[k])
        pltpu.async_copy(y_hbm.at[ibs[k].at[0]], bufs[k], sems[k])

    def drain(j, k):
        pltpu.make_async_copy(y_hbm.at[ibs[k].at[0]], bufs[k], sems[k]).wait()
        pltpu.sync_copy(bufs[k], acc_sh.at[ibs[k].at[1]], add=True)

    with jax.named_scope("agg_zero"):
        _stage_blocks(pack_hbm, packv, c, s)
        fire(0, 0)
        fire(1, 1)
        fire(2, 2)
        _zero_2d(rb3, BLK, OUT_CH)
        base = s * ROWS_PER_SUB
        nz = ROWS_PER_SUB // BLK
        for t in range(nz):
            pltpu.async_copy(rb3, acc_sh.at[pl.ds(base + t * BLK, BLK)], sem3)
        rem = ROWS_PER_SUB % BLK
        if rem:
            pltpu.async_copy(
                rb3.at[pl.ds(0, rem)],
                acc_sh.at[pl.ds(base + nz * BLK, rem)],
                sem3,
            )
        for t in range(nz):
            pltpu.make_async_copy(
                rb3, acc_sh.at[pl.ds(base + t * BLK, BLK)], sem3
            ).wait()
        if rem:
            pltpu.make_async_copy(
                rb3.at[pl.ds(0, rem)],
                acc_sh.at[pl.ds(base + nz * BLK, rem)],
                sem3,
            ).wait()
        plsc.subcore_barrier()

    with jax.named_scope("agg_loop"):

        def body(i, _):
            j = 4 * i
            fire(j + 3, 3)
            drain(j, 0)

            @pl.when(j + 4 < NBLK)
            def _():
                fire(j + 4, 0)

            drain(j + 1, 1)

            @pl.when(j + 5 < NBLK)
            def _():
                fire(j + 5, 1)

            drain(j + 2, 2)

            @pl.when(j + 6 < NBLK)
            def _():
                fire(j + 6, 2)

            drain(j + 3, 3)
            return 0

        lax.fori_loop(0, NBLK // 4, body, 0)

    with jax.named_scope("agg_bar"):
        plsc.subcore_barrier()

    with jax.named_scope("agg_out"):
        pltpu.sync_copy(
            acc_sh.at[pl.ds(base, ROWS_PER_SUB)],
            out_hbm.at[c, pl.ds(base, ROWS_PER_SUB)],
        )


_agg_kernel = functools.partial(
    pl.kernel,
    out_type=jax.ShapeDtypeStruct((NC, PAD_N, OUT_CH), jnp.float32),
    mesh=_mesh,
    scratch_types=[
        pltpu.VMEM((NROW, 128), jnp.int32),
        pltpu.VMEM((2, BLK), jnp.int32),
        pltpu.VMEM((2, BLK), jnp.int32),
        pltpu.VMEM((2, BLK), jnp.int32),
        pltpu.VMEM((2, BLK), jnp.int32),
        pltpu.VMEM((BLK, OUT_CH), jnp.float32),
        pltpu.VMEM((BLK, OUT_CH), jnp.float32),
        pltpu.VMEM((BLK, OUT_CH), jnp.float32),
        pltpu.VMEM((BLK, OUT_CH), jnp.float32),
        pltpu.VMEM_SHARED((PAD_N, OUT_CH), jnp.float32),
        pltpu.SemaphoreType.DMA,
        pltpu.SemaphoreType.DMA,
        pltpu.SemaphoreType.DMA,
        pltpu.SemaphoreType.DMA,
    ],
)(_agg_body)


def _pack_body(ei_ref, pk_ref):
    src = ei_ref[0:1, :].reshape(E // 128, 128)
    dst = ei_ref[1:2, :].reshape(E // 128, 128)
    pk_ref[: E // 128, :] = jnp.left_shift(dst, 16) | src
    pr = TB - E // 128
    r2 = jax.lax.broadcasted_iota(jnp.int32, (pr, 128), 0)
    c2 = jax.lax.broadcasted_iota(jnp.int32, (pr, 128), 1)
    k = r2 * 128 + c2
    pad_src = k % N
    pad_dst = N + (k % (PAD_N - N))
    pk_ref[E // 128 :, :] = jnp.left_shift(pad_dst, 16) | pad_src


def _pack_kernel(ei):
    return pl.pallas_call(
        _pack_body,
        out_shape=jax.ShapeDtypeStruct((TB, 128), jnp.int32),
    )(ei)


def _xw_body(x_ref, w_ref, xw_ref):
    xw_ref[...] = jnp.dot(
        x_ref[...], w_ref[...], preferred_element_type=jnp.float32
    )


def _xw_kernel(x, W):
    return pl.pallas_call(
        _xw_body,
        out_shape=jax.ShapeDtypeStruct((N, OUT_CH), jnp.float32),
    )(x, W)


def _scale_body(xw_ref, deg_ref, y_ref, dis_ref):
    deg = deg_ref[0:1, :N] + deg_ref[1:2, :N] + 1.0
    dis_row = lax.rsqrt(deg)
    dis_ref[...] = dis_row
    y_ref[...] = jnp.transpose(dis_row, (1, 0)) * xw_ref[...]


def _scale_kernel(xw, deg_parts):
    return pl.pallas_call(
        _scale_body,
        out_shape=(
            jax.ShapeDtypeStruct((N, OUT_CH), jnp.float32),
            jax.ShapeDtypeStruct((1, N), jnp.float32),
        ),
    )(xw, deg_parts)


def _fin_body(a_ref, y_ref, dis_ref, b_ref, o_ref):
    acc = a_ref[0, :N, :] + a_ref[1, :N, :] + y_ref[...]
    dis = jnp.transpose(dis_ref[...], (1, 0))
    o_ref[...] = jnp.maximum(dis * acc + b_ref[...], 0.0)


def _fin_kernel(acc_parts, y, dis, b):
    return pl.pallas_call(
        _fin_body,
        out_shape=jax.ShapeDtypeStruct((N, OUT_CH), jnp.float32),
    )(acc_parts, y, dis, b)


def kernel(x, edge_index, W, b):
    ei = edge_index.astype(jnp.int32)
    packed = _pack_kernel(ei)
    pack3 = packed.reshape(NW, NROW, 128)
    xw = _xw_kernel(x, W)
    deg_parts = _deg_kernel(pack3)
    y, dis = _scale_kernel(xw, deg_parts)
    acc_parts = _agg_kernel(y, pack3)
    out = _fin_kernel(acc_parts, y, dis, b)
    return out

# --- scband reference (transcript-rebuilt; emitter-appended) ---
"""Pipeline reference for scband-gcnlayer-48060684042940 (READ-ONLY COPY).

The authoritative reference and input builder live on the scoring server;
editing this copy changes nothing except your own understanding.
"""

import jax, jax.numpy as jnp
import numpy as np

N_NODES = 10000
N_EDGES = 320000
IN_CH = 128
OUT_CH = 128


def setup_inputs(seed: int = 0) -> dict:
    key = jax.random.key(seed)
    k1, k2, k3 = jax.random.split(key, 3)
    x = jax.random.normal(k1, (N_NODES, IN_CH), dtype=jnp.float32)
    edge_index = jax.random.randint(k2, (2, N_EDGES), 0, N_NODES, dtype=jnp.int64)
    # GCNConv learned parameters (glorot-ish init)
    W = jax.random.normal(k3, (IN_CH, OUT_CH), dtype=jnp.float32) * (1.0 / np.sqrt(IN_CH))
    b = jnp.zeros((OUT_CH,), dtype=jnp.float32)
    return {"x": x, "edge_index": edge_index, "W": W, "b": b}


def reference(x, edge_index, W, b):
    # Faithful GCNConv (PyG semantics): add self-loops, symmetric normalization,
    # linear transform, scatter-add aggregation, bias, then ReLU from GCNLayer.
    n = x.shape[0]
    loop = jnp.arange(n, dtype=edge_index.dtype)
    src = jnp.concatenate([edge_index[0], loop])
    dst = jnp.concatenate([edge_index[1], loop])
    # x W
    xw = x @ W
    # degree of destination nodes (with self-loops), edge_weight = 1
    ones = jnp.ones(src.shape[0], dtype=x.dtype)
    deg = jax.ops.segment_sum(ones, dst, num_segments=n)
    deg_inv_sqrt = jnp.where(deg > 0, jax.lax.rsqrt(jnp.where(deg > 0, deg, 1.0)), 0.0)
    norm = deg_inv_sqrt[src] * deg_inv_sqrt[dst]
    # message + aggregate (scatter-add)
    msgs = xw[src] * norm[:, None]
    out = jax.ops.segment_sum(msgs, dst, num_segments=n)
    out = out + b
    return jax.nn.relu(out)

if __name__ == "__main__":
    import jax
    _d = setup_inputs()
    print(jax.jit(kernel)(*tuple(_d.values())))

</pallas_src>

<mosaic_0001>
#map = affine_map<(d0, d1) -> (0, 0, 0)>
#map1 = affine_map<(d0, d1) -> (0, 0)>
module attributes {stable_mosaic.version = 14 : i64} {
  func.func @_deg_body(%arg0: i32, %arg1: i32, %arg2: memref<32x80x128xi32, #tpu.memory_space<hbm>>, %arg3: memref<2x10240xf32, #tpu.memory_space<hbm>>, %arg4: memref<80x128xi32, #tpu.memory_space<vmem>>, %arg5: memref<80x128xi32, #tpu.memory_space<vmem>>, %arg6: memref<640xf32, #tpu.memory_space<vmem>>, %arg7: memref<128xf32, #tpu.memory_space<vmem>>, %arg8: memref<10240xf32, #tpu.memory_space<vmem_shared>>, %arg9: memref<!tpu.dma_semaphore, #tpu.memory_space<semaphore_mem>>) attributes {dimension_semantics = [#tpu.dimension_semantics<core_parallel>, #tpu.dimension_semantics<subcore_parallel>], iteration_bounds = array<i64: 2, 16>, scalar_prefetch = 0 : i64, scratch_operands = 6 : i64, tpu.core_type = #tpu.core_type<sc_vector_subcore>, window_params = [{transform_indices = #map}, {transform_indices = #map1}]} {
    %scan3A = arith.constant 0 : i32
    %scan3A_0 = arith.constant 0 : i32
    %scan3A_1 = arith.constant 40 : i32
    %scan3A_2 = arith.addi %scan3A_0, %scan3A_1 : i32
    %scan3A_3 = arith.constant 1 : i32
    %scan3A_4 = scf.for %scan3A_81 = %scan3A_0 to %scan3A_2 step %scan3A_3 iter_args(%scan3A_82 = %scan3A) -> (i32)  : i32 {
      %broadcast_in_dim3A_83 = arith.constant 0.000000e+00 : f32
      %broadcast_in_dim3A_84 = vector.broadcast %broadcast_in_dim3A_83 : f32 to vector<16xf32>
      %mul3A_85 = arith.constant 16 : i32
      %mul3A_86 = arith.muli %scan3A_81, %mul3A_85 : i32
      %swap3A_87 = arith.index_cast %mul3A_86 : i32 to index
      %swap3A_88 = tpu.vector_load %arg6[%swap3A_87] {strides = array<i32>} : memref<640xf32, #tpu.memory_space<vmem>>, vector<16xf32>,
      %swap3A_89 = vector.shape_cast %swap3A_88 : vector<16xf32> to vector<16xf32>
      %swap3A_90 = vector.shape_cast %broadcast_in_dim3A_84 : vector<16xf32> to vector<16xf32>
      tpu.vector_store %arg6[%swap3A_87], %swap3A_90 {strides = array<i32>} : memref<640xf32, #tpu.memory_space<vmem>>, vector<16xf32>,
      %scan3A_91 = arith.constant 0 : i32
      scf.yield %scan3A_91 : i32
    }
    %scan3A_5 = arith.constant 40 : i32
    %broadcast_in_dim3A = arith.constant 1.000000e+00 : f32
    %broadcast_in_dim3A_6 = vector.broadcast %broadcast_in_dim3A : f32 to vector<16xf32>
    %swap3A = arith.constant 0 : index
    %swap3A_7 = tpu.vector_load %arg7[%swap3A] {strides = array<i32>} : memref<128xf32, #tpu.memory_space<vmem>>, vector<16xf32>,
    %swap3A_8 = vector.shape_cast %swap3A_7 : vector<16xf32> to vector<16xf32>
    %swap3A_9 = vector.shape_cast %broadcast_in_dim3A_6 : vector<16xf32> to vector<16xf32>
    tpu.vector_store %arg7[%swap3A], %swap3A_9 {strides = array<i32>} : memref<128xf32, #tpu.memory_space<vmem>>, vector<16xf32>,
    %broadcast_in_dim3A_10 = arith.constant 1.000000e+00 : f32
    %broadcast_in_dim3A_11 = vector.broadcast %broadcast_in_dim3A_10 : f32 to vector<16xf32>
    %swap3A_12 = arith.constant 16 : index
    %swap3A_13 = tpu.vector_load %arg7[%swap3A_12] {strides = array<i32>} : memref<128xf32, #tpu.memory_space<vmem>>, vector<16xf32>,
    %swap3A_14 = vector.shape_cast %swap3A_13 : vector<16xf32> to vector<16xf32>
    %swap3A_15 = vector.shape_cast %broadcast_in_dim3A_11 : vector<16xf32> to vector<16xf32>
    tpu.vector_store %arg7[%swap3A_12], %swap3A_15 {strides = array<i32>} : memref<128xf32, #tpu.memory_space<vmem>>, vector<16xf32>,
    %broadcast_in_dim3A_16 = arith.constant 1.000000e+00 : f32
    %broadcast_in_dim3A_17 = vector.broadcast %broadcast_in_dim3A_16 : f32 to vector<16xf32>
    %swap3A_18 = arith.constant 32 : index
    %swap3A_19 = tpu.vector_load %arg7[%swap3A_18] {strides = array<i32>} : memref<128xf32, #tpu.memory_space<vmem>>, vector<16xf32>,
    %swap3A_20 = vector.shape_cast %swap3A_19 : vector<16xf32> to vector<16xf32>
    %swap3A_21 = vector.shape_cast %broadcast_in_dim3A_17 : vector<16xf32> to vector<16xf32>
    tpu.vector_store %arg7[%swap3A_18], %swap3A_21 {strides = array<i32>} : memref<128xf32, #tpu.memory_space<vmem>>, vector<16xf32>,
    %broadcast_in_dim3A_22 = arith.constant 1.000000e+00 : f32
    %broadcast_in_dim3A_23 = vector.broadcast %broadcast_in_dim3A_22 : f32 to vector<16xf32>
    %swap3A_24 = arith.constant 48 : index
    %swap3A_25 = tpu.vector_load %arg7[%swap3A_24] {strides = array<i32>} : memref<128xf32, #tpu.memory_space<vmem>>, vector<16xf32>,
    %swap3A_26 = vector.shape_cast %swap3A_25 : vector<16xf32> to vector<16xf32>
    %swap3A_27 = vector.shape_cast %broadcast_in_dim3A_23 : vector<16xf32> to vector<16xf32>
    tpu.vector_store %arg7[%swap3A_24], %swap3A_27 {strides = array<i32>} : memref<128xf32, #tpu.memory_space<vmem>>, vector<16xf32>,
    %broadcast_in_dim3A_28 = arith.constant 1.000000e+00 : f32
    %broadcast_in_dim3A_29 = vector.broadcast %broadcast_in_dim3A_28 : f32 to vector<16xf32>
    %swap3A_30 = arith.constant 64 : index
    %swap3A_31 = tpu.vector_load %arg7[%swap3A_30] {strides = array<i32>} : memref<128xf32, #tpu.memory_space<vmem>>, vector<16xf32>,
    %swap3A_32 = vector.shape_cast %swap3A_31 : vector<16xf32> to vector<16xf32>
    %swap3A_33 = vector.shape_cast %broadcast_in_dim3A_29 : vector<16xf32> to vector<16xf32>
    tpu.vector_store %arg7[%swap3A_30], %swap3A_33 {strides = array<i32>} : memref<128xf32, #tpu.memory_space<vmem>>, vector<16xf32>,
    %broadcast_in_dim3A_34 = arith.constant 1.000000e+00 : f32
    %broadcast_in_dim3A_35 = vector.broadcast %broadcast_in_dim3A_34 : f32 to vector<16xf32>
    %swap3A_36 = arith.constant 80 : index
    %swap3A_37 = tpu.vector_load %arg7[%swap3A_36] {strides = array<i32>} : memref<128xf32, #tpu.memory_space<vmem>>, vector<16xf32>,
    %swap3A_38 = vector.shape_cast %swap3A_37 : vector<16xf32> to vector<16xf32>
    %swap3A_39 = vector.shape_cast %broadcast_in_dim3A_35 : vector<16xf32> to vector<16xf32>
    tpu.vector_store %arg7[%swap3A_36], %swap3A_39 {strides = array<i32>} : memref<128xf32, #tpu.memory_space<vmem>>, vector<16xf32>,
    %broadcast_in_dim3A_40 = arith.constant 1.000000e+00 : f32
    %broadcast_in_dim3A_41 = vector.broadcast %broadcast_in_dim3A_40 : f32 to vector<16xf32>
    %swap3A_42 = arith.constant 96 : index
    %swap3A_43 = tpu.vector_load %arg7[%swap3A_42] {strides = array<i32>} : memref<128xf32, #tpu.memory_space<vmem>>, vector<16xf32>,
    %swap3A_44 = vector.shape_cast %swap3A_43 : vector<16xf32> to vector<16xf32>
    %swap3A_45 = vector.shape_cast %broadcast_in_dim3A_41 : vector<16xf32> to vector<16xf32>
    tpu.vector_store %arg7[%swap3A_42], %swap3A_45 {strides = array<i32>} : memref<128xf32, #tpu.memory_space<vmem>>, vector<16xf32>,
    %broadcast_in_dim3A_46 = arith.constant 1.000000e+00 : f32
    %broadcast_in_dim3A_47 = vector.broadcast %broadcast_in_dim3A_46 : f32 to vector<16xf32>
    %swap3A_48 = arith.constant 112 : index
    %swap3A_49 = tpu.vector_load %arg7[%swap3A_48] {strides = array<i32>} : memref<128xf32, #tpu.memory_space<vmem>>, vector<16xf32>,
    %swap3A_50 = vector.shape_cast %swap3A_49 : vector<16xf32> to vector<16xf32>
    %swap3A_51 = vector.shape_cast %broadcast_in_dim3A_47 : vector<16xf32> to vector<16xf32>
    tpu.vector_store %arg7[%swap3A_48], %swap3A_51 {strides = array<i32>} : memref<128xf32, #tpu.memory_space<vmem>>, vector<16xf32>,
    %mul3A = arith.constant 640 : i32
    %mul3A_52 = arith.muli %arg1, %mul3A : i32
    "tpu.region"() ({
      %run_scoped3A = tpu.sem_alloc : memref<!tpu.dma_semaphore, #tpu.memory_space<semaphore_mem>>
      %dma_start3A = tpu.memref_slice %arg8[%mul3A_52] : memref<10240xf32, #tpu.memory_space<vmem_shared>> -> memref<640xf32, #tpu.memory_space<vmem_shared>>
      %dma_start3A_81 = tpu.memref_slice %arg8[%mul3A_52] : memref<10240xf32, #tpu.memory_space<vmem_shared>> -> memref<640xf32, #tpu.memory_space<vmem_shared>>
      tpu.enqueue_dma source(%arg6 : memref<640xf32, #tpu.memory_space<vmem>>) target(%dma_start3A_81 : memref<640xf32, #tpu.memory_space<vmem_shared>>) target_semaphore(%run_scoped3A : memref<!tpu.dma_semaphore, #tpu.memory_space<semaphore_mem>>)
      %dma_wait3A = tpu.memref_slice %arg8[%mul3A_52] : memref<10240xf32, #tpu.memory_space<vmem_shared>> -> memref<640xf32, #tpu.memory_space<vmem_shared>>
      %dma_wait3A_82 = tpu.memref_slice %arg8[%mul3A_52] : memref<10240xf32, #tpu.memory_space<vmem_shared>> -> memref<640xf32, #tpu.memory_space<vmem_shared>>
      tpu.wait_dma2 semaphore(%run_scoped3A : memref<!tpu.dma_semaphore, #tpu.memory_space<semaphore_mem>>) src(%arg6 : memref<640xf32, #tpu.memory_space<vmem>>) dst(%dma_wait3A_82 : memref<640xf32, #tpu.memory_space<vmem_shared>>)
      tpu.yield
    }) : () -> ()
    %mul3A_53 = arith.constant 2 : i32
    %mul3A_54 = arith.muli %arg1, %mul3A_53 : i32
    %add3A = arith.addi %mul3A_54, %arg0 : i32
    "tpu.region"() ({
      %run_scoped3A = tpu.sem_alloc : memref<!tpu.dma_semaphore, #tpu.memory_space<semaphore_mem>>
      %dma_start3A = arith.constant 0 : i32
      %dma_start3A_81 = arith.constant 0 : i32
      %dma_start3A_82 = tpu.memref_slice %arg2[%add3A, %dma_start3A, %dma_start3A_81] : memref<32x80x128xi32, #tpu.memory_space<hbm>> -> memref<1x80x128xi32, #tpu.memory_space<hbm>>
      %dma_start3A_83 = tpu.memref_squeeze %dma_start3A_82 : memref<1x80x128xi32, #tpu.memory_space<hbm>> -> memref<80x128xi32, #tpu.memory_space<hbm>>
      %dma_start3A_84 = arith.constant 0 : i32
      %dma_start3A_85 = arith.constant 0 : i32
      %dma_start3A_86 = tpu.memref_slice %arg2[%add3A, %dma_start3A_84, %dma_start3A_85] : memref<32x80x128xi32, #tpu.memory_space<hbm>> -> memref<1x80x128xi32, #tpu.memory_space<hbm>>
      %dma_start3A_87 = tpu.memref_squeeze %dma_start3A_86 : memref<1x80x128xi32, #tpu.memory_space<hbm>> -> memref<80x128xi32, #tpu.memory_space<hbm>>
      tpu.enqueue_dma source(%dma_start3A_87 : memref<80x128xi32, #tpu.memory_space<hbm>>) target(%arg4 : memref<80x128xi32, #tpu.memory_space<vmem>>) target_semaphore(%run_scoped3A : memref<!tpu.dma_semaphore, #tpu.memory_space<semaphore_mem>>)
      %dma_wait3A = arith.constant 0 : i32
      %dma_wait3A_88 = arith.constant 0 : i32
      %dma_wait3A_89 = tpu.memref_slice %arg2[%add3A, %dma_wait3A, %dma_wait3A_88] : memref<32x80x128xi32, #tpu.memory_space<hbm>> -> memref<1x80x128xi32, #tpu.memory_space<hbm>>
      %dma_wait3A_90 = tpu.memref_squeeze %dma_wait3A_89 : memref<1x80x128xi32, #tpu.memory_space<hbm>> -> memref<80x128xi32, #tpu.memory_space<hbm>>
      %dma_wait3A_91 = arith.constant 0 : i32
      %dma_wait3A_92 = arith.constant 0 : i32
      %dma_wait3A_93 = tpu.memref_slice %arg2[%add3A, %dma_wait3A_91, %dma_wait3A_92] : memref<32x80x128xi32, #tpu.memory_space<hbm>> -> memref<1x80x128xi32, #tpu.memory_space<hbm>>
      %dma_wait3A_94 = tpu.memref_squeeze %dma_wait3A_93 : memref<1x80x128xi32, #tpu.memory_space<hbm>> -> memref<80x128xi32, #tpu.memory_space<hbm>>
      tpu.wait_dma2 semaphore(%run_scoped3A : memref<!tpu.dma_semaphore, #tpu.memory_space<semaphore_mem>>) src(%dma_wait3A_94 : memref<80x128xi32, #tpu.memory_space<hbm>>) dst(%arg4 : memref<80x128xi32, #tpu.memory_space<vmem>>)
      tpu.yield
    }) : () -> ()
    %scan3A_55 = arith.constant 0 : i32
    %scan3A_56 = arith.constant 0 : i32
    %scan3A_57 = arith.constant 80 : i32
    %scan3A_58 = arith.addi %scan3A_56, %scan3A_57 : i32
    %scan3A_59 = arith.constant 1 : i32
    %scan3A_60 = scf.for %scan3A_81 = %scan3A_56 to %scan3A_58 step %scan3A_59 iter_args(%scan3A_82 = %scan3A_55) -> (i32)  : i32 {
      %get3A = arith.index_cast %scan3A_81 : i32 to index
      %get3A_83 = arith.constant 0 : index
      %get3A_84 = tpu.vector_load %arg4[%get3A, %get3A_83] {strides = array<i32>} : memref<80x128xi32, #tpu.memory_space<vmem>>, vector<1x16xi32>,
      %get3A_85 = vector.shape_cast %get3A_84 : vector<1x16xi32> to vector<16xi32>
      %shift_right_logical3A = arith.constant 16 : i32
      %shift_right_logical3A_86 = vector.broadcast %shift_right_logical3A : i32 to vector<16xi32>
      %shift_right_logical3A_87 = arith.shrui %get3A_85, %shift_right_logical3A_86 : vector<16xi32>
      %swap3A_88 = arith.index_cast %scan3A_81 : i32 to index
      %swap3A_89 = arith.constant 0 : index
      %swap3A_90 = tpu.vector_load %arg5[%swap3A_88, %swap3A_89] {strides = array<i32>} : memref<80x128xi32, #tpu.memory_space<vmem>>, vector<1x16xi32>,
      %swap3A_91 = vector.shape_cast %swap3A_90 : vector<1x16xi32> to vector<16xi32>
      %swap3A_92 = vector.shape_cast %shift_right_logical3A_87 : vector<16xi32> to vector<1x16xi32>
      tpu.vector_store %arg5[%swap3A_88, %swap3A_89], %swap3A_92 {strides = array<i32>} : memref<80x128xi32, #tpu.memory_space<vmem>>, vector<1x16xi32>,
      %get3A_93 = arith.index_cast %scan3A_81 : i32 to index
      %get3A_94 = arith.constant 16 : index
      %get3A_95 = tpu.vector_load %arg4[%get3A_93, %get3A_94] {strides = array<i32>} : memref<80x128xi32, #tpu.memory_space<vmem>>, vector<1x16xi32>,
      %get3A_96 = vector.shape_cast %get3A_95 : vector<1x16xi32> to vector<16xi32>
      %shift_right_logical3A_97 = arith.constant 16 : i32
      %shift_right_logical3A_98 = vector.broadcast %shift_right_logical3A_97 : i32 to vector<16xi32>
      %shift_right_logical3A_99 = arith.shrui %get3A_96, %shift_right_logical3A_98 : vector<16xi32>
      %swap3A_100 = arith.index_cast %scan3A_81 : i32 to index
      %swap3A_101 = arith.constant 16 : index
      %swap3A_102 = tpu.vector_load %arg5[%swap3A_100, %swap3A_101] {strides = array<i32>} : memref<80x128xi32, #tpu.memory_space<vmem>>, vector<1x16xi32>,
      %swap3A_103 = vector.shape_cast %swap3A_102 : vector<1x16xi32> to vector<16xi32>
      %swap3A_104 = vector.shape_cast %shift_right_logical3A_99 : vector<16xi32> to vector<1x16xi32>
      tpu.vector_store %arg5[%swap3A_100, %swap3A_101], %swap3A_104 {strides = array<i32>} : memref<80x128xi32, #tpu.memory_space<vmem>>, vector<1x16xi32>,
      %get3A_105 = arith.index_cast %scan3A_81 : i32 to index
      %get3A_106 = arith.constant 32 : index
      %get3A_107 = tpu.vector_load %arg4[%get3A_105, %get3A_106] {strides = array<i32>} : memref<80x128xi32, #tpu.memory_space<vmem>>, vector<1x16xi32>,
      %get3A_108 = vector.shape_cast %get3A_107 : vector<1x16xi32> to vector<16xi32>
      %shift_right_logical3A_109 = arith.constant 16 : i32
      %shift_right_logical3A_110 = vector.broadcast %shift_right_logical3A_109 : i32 to vector<16xi32>
      %shift_right_logical3A_111 = arith.shrui %get3A_108, %shift_right_logical3A_110 : vector<16xi32>
      %swap3A_112 = arith.index_cast %scan3A_81 : i32 to index
      %swap3A_113 = arith.constant 32 : index
      %swap3A_114 = tpu.vector_load %arg5[%swap3A_112, %swap3A_113] {strides = array<i32>} : memref<80x128xi32, #tpu.memory_space<vmem>>, vector<1x16xi32>,
      %swap3A_115 = vector.shape_cast %swap3A_114 : vector<1x16xi32> to vector<16xi32>
      %swap3A_116 = vector.shape_cast %shift_right_logical3A_111 : vector<16xi32> to vector<1x16xi32>
      tpu.vector_store %arg5[%swap3A_112, %swap3A_113], %swap3A_116 {strides = array<i32>} : memref<80x128xi32, #tpu.memory_space<vmem>>, vector<1x16xi32>,
      %get3A_117 = arith.index_cast %scan3A_81 : i32 to index
      %get3A_118 = arith.constant 48 : index
      %get3A_119 = tpu.vector_load %arg4[%get3A_117, %get3A_118] {strides = array<i32>} : memref<80x128xi32, #tpu.memory_space<vmem>>, vector<1x16xi32>,
      %get3A_120 = vector.shape_cast %get3A_119 : vector<1x16xi32> to vector<16xi32>
      %shift_right_logical3A_121 = arith.constant 16 : i32
      %shift_right_logical3A_122 = vector.broadcast %shift_right_logical3A_121 : i32 to vector<16xi32>
      %shift_right_logical3A_123 = arith.shrui %get3A_120, %shift_right_logical3A_122 : vector<16xi32>
      %swap3A_124 = arith.index_cast %scan3A_81 : i32 to index
      %swap3A_125 = arith.constant 48 : index
      %swap3A_126 = tpu.vector_load %arg5[%swap3A_124, %swap3A_125] {strides = array<i32>} : memref<80x128xi32, #tpu.memory_space<vmem>>, vector<1x16xi32>,
      %swap3A_127 = vector.shape_cast %swap3A_126 : vector<1x16xi32> to vector<16xi32>
      %swap3A_128 = vector.shape_cast %shift_right_logical3A_123 : vector<16xi32> to vector<1x16xi32>
      tpu.vector_store %arg5[%swap3A_124, %swap3A_125], %swap3A_128 {strides = array<i32>} : memref<80x128xi32, #tpu.memory_space<vmem>>, vector<1x16xi32>,
      %get3A_129 = arith.index_cast %scan3A_81 : i32 to index
      %get3A_130 = arith.constant 64 : index
      %get3A_131 = tpu.vector_load %arg4[%get3A_129, %get3A_130] {strides = array<i32>} : memref<80x128xi32, #tpu.memory_space<vmem>>, vector<1x16xi32>,
      %get3A_132 = vector.shape_cast %get3A_131 : vector<1x16xi32> to vector<16xi32>
      %shift_right_logical3A_133 = arith.constant 16 : i32
      %shift_right_logical3A_134 = vector.broadcast %shift_right_logical3A_133 : i32 to vector<16xi32>
      %shift_right_logical3A_135 = arith.shrui %get3A_132, %shift_right_logical3A_134 : vector<16xi32>
      %swap3A_136 = arith.index_cast %scan3A_81 : i32 to index
      %swap3A_137 = arith.constant 64 : index
      %swap3A_138 = tpu.vector_load %arg5[%swap3A_136, %swap3A_137] {strides = array<i32>} : memref<80x128xi32, #tpu.memory_space<vmem>>, vector<1x16xi32>,
      %swap3A_139 = vector.shape_cast %swap3A_138 : vector<1x16xi32> to vector<16xi32>
      %swap3A_140 = vector.shape_cast %shift_right_logical3A_135 : vector<16xi32> to vector<1x16xi32>
      tpu.vector_store %arg5[%swap3A_136, %swap3A_137], %swap3A_140 {strides = array<i32>} : memref<80x128xi32, #tpu.memory_space<vmem>>, vector<1x16xi32>,
      %get3A_141 = arith.index_cast %scan3A_81 : i32 to index
      %get3A_142 = arith.constant 80 : index
      %get3A_143 = tpu.vector_load %arg4[%get3A_141, %get3A_142] {strides = array<i32>} : memref<80x128xi32, #tpu.memory_space<vmem>>, vector<1x16xi32>,
      %get3A_144 = vector.shape_cast %get3A_143 : vector<1x16xi32> to vector<16xi32>
      %shift_right_logical3A_145 = arith.constant 16 : i32
      %shift_right_logical3A_146 = vector.broadcast %shift_right_logical3A_145 : i32 to vector<16xi32>
      %shift_right_logical3A_147 = arith.shrui %get3A_144, %shift_right_logical3A_146 : vector<16xi32>
      %swap3A_148 = arith.index_cast %scan3A_81 : i32 to index
      %swap3A_149 = arith.constant 80 : index
      %swap3A_150 = tpu.vector_load %arg5[%swap3A_148, %swap3A_149] {strides = array<i32>} : memref<80x128xi32, #tpu.memory_space<vmem>>, vector<1x16xi32>,
      %swap3A_151 = vector.shape_cast %swap3A_150 : vector<1x16xi32> to vector<16xi32>
      %swap3A_152 = vector.shape_cast %shift_right_logical3A_147 : vector<16xi32> to vector<1x16xi32>
      tpu.vector_store %arg5[%swap3A_148, %swap3A_149], %swap3A_152 {strides = array<i32>} : memref<80x128xi32, #tpu.memory_space<vmem>>, vector<1x16xi32>,
      %get3A_153 = arith.index_cast %scan3A_81 : i32 to index
      %get3A_154 = arith.constant 96 : index
      %get3A_155 = tpu.vector_load %arg4[%get3A_153, %get3A_154] {strides = array<i32>} : memref<80x128xi32, #tpu.memory_space<vmem>>, vector<1x16xi32>,
      %get3A_156 = vector.shape_cast %get3A_155 : vector<1x16xi32> to vector<16xi32>
      %shift_right_logical3A_157 = arith.constant 16 : i32
      %shift_right_logical3A_158 = vector.broadcast %shift_right_logical3A_157 : i32 to vector<16xi32>
      %shift_right_logical3A_159 = arith.shrui %get3A_156, %shift_right_logical3A_158 : vector<16xi32>
      %swap3A_160 = arith.index_cast %scan3A_81 : i32 to index
      %swap3A_161 = arith.constant 96 : index
      %swap3A_162 = tpu.vector_load %arg5[%swap3A_160, %swap3A_161] {strides = array<i32>} : memref<80x128xi32, #tpu.memory_space<vmem>>, vector<1x16xi32>,
      %swap3A_163 = vector.shape_cast %swap3A_162 : vector<1x16xi32> to vector<16xi32>
      %swap3A_164 = vector.shape_cast %shift_right_logical3A_159 : vector<16xi32> to vector<1x16xi32>
      tpu.vector_store %arg5[%swap3A_160, %swap3A_161], %swap3A_164 {strides = array<i32>} : memref<80x128xi32, #tpu.memory_space<vmem>>, vector<1x16xi32>,
      %get3A_165 = arith.index_cast %scan3A_81 : i32 to index
      %get3A_166 = arith.constant 112 : index
      %get3A_167 = tpu.vector_load %arg4[%get3A_165, %get3A_166] {strides = array<i32>} : memref<80x128xi32, #tpu.memory_space<vmem>>, vector<1x16xi32>,
      %get3A_168 = vector.shape_cast %get3A_167 : vector<1x16xi32> to vector<16xi32>
      %shift_right_logical3A_169 = arith.constant 16 : i32
      %shift_right_logical3A_170 = vector.broadcast %shift_right_logical3A_169 : i32 to vector<16xi32>
      %shift_right_logical3A_171 = arith.shrui %get3A_168, %shift_right_logical3A_170 : vector<16xi32>
      %swap3A_172 = arith.index_cast %scan3A_81 : i32 to index
      %swap3A_173 = arith.constant 112 : index
      %swap3A_174 = tpu.vector_load %arg5[%swap3A_172, %swap3A_173] {strides = array<i32>} : memref<80x128xi32, #tpu.memory_space<vmem>>, vector<1x16xi32>,
      %swap3A_175 = vector.shape_cast %swap3A_174 : vector<1x16xi32> to vector<16xi32>
      %swap3A_176 = vector.shape_cast %shift_right_logical3A_171 : vector<16xi32> to vector<1x16xi32>
      tpu.vector_store %arg5[%swap3A_172, %swap3A_173], %swap3A_176 {strides = array<i32>} : memref<80x128xi32, #tpu.memory_space<vmem>>, vector<1x16xi32>,
      %scan3A_177 = arith.constant 0 : i32
      scf.yield %scan3A_177 : i32
    }
    %scan3A_61 = arith.constant 80 : i32
    %barrier3A = arith.constant 0 : index
    tpu.barrier barrier_id(%barrier3A)
    %scan3A_62 = arith.constant 0 : i32
    %scan3A_63 = arith.constant 0 : i32
    %scan3A_64 = arith.constant 80 : i32
    %scan3A_65 = arith.addi %scan3A_63, %scan3A_64 : i32
    %scan3A_66 = arith.constant 1 : i32
    %scan3A_67 = scf.for %scan3A_81 = %scan3A_63 to %scan3A_65 step %scan3A_66 iter_args(%scan3A_82 = %scan3A_62) -> (i32)  : i32 {
      %dma_start3A = arith.constant 0 : i32
      %dma_start3A_83 = tpu.memref_slice %arg5[%scan3A_81, %dma_start3A] : memref<80x128xi32, #tpu.memory_space<vmem>> -> memref<1x128xi32, #tpu.memory_space<vmem>>
      %dma_start3A_84 = tpu.memref_squeeze %dma_start3A_83 : memref<1x128xi32, #tpu.memory_space<vmem>> -> memref<128xi32, #tpu.memory_space<vmem>>
      %dma_start3A_85 = arith.constant 0 : i32
      %dma_start3A_86 = tpu.memref_slice %arg8[%dma_start3A_85] : memref<10240xf32, #tpu.memory_space<vmem_shared>> -> memref<10240xf32, #tpu.memory_space<vmem_shared>>
      tpu.enqueue_indirect_dma source(%arg7 : memref<128xf32, #tpu.memory_space<vmem>>) target(%dma_start3A_86 : memref<10240xf32, #tpu.memory_space<vmem_shared>>) offsets(%dma_start3A_84 : memref<128xi32, #tpu.memory_space<vmem>>) semaphore(%arg9 : memref<!tpu.dma_semaphore, #tpu.memory_space<semaphore_mem>>) {add = true}
      %scan3A_87 = arith.constant 0 : i32
      scf.yield %scan3A_87 : i32
    }
    %scan3A_68 = arith.constant 80 : i32
    %scan3A_69 = arith.constant 0 : i32
    %scan3A_70 = arith.constant 0 : i32
    %scan3A_71 = arith.constant 80 : i32
    %scan3A_72 = arith.addi %scan3A_70, %scan3A_71 : i32
    %scan3A_73 = arith.constant 1 : i32
    %scan3A_74 = scf.for %scan3A_81 = %scan3A_70 to %scan3A_72 step %scan3A_73 iter_args(%scan3A_82 = %scan3A_69) -> (i32)  : i32 {
      %dma_wait3A = arith.constant 0 : i32
      %dma_wait3A_83 = arith.constant 0 : i32
      %dma_wait3A_84 = tpu.memref_slice %arg5[%dma_wait3A, %dma_wait3A_83] : memref<80x128xi32, #tpu.memory_space<vmem>> -> memref<1x128xi32, #tpu.memory_space<vmem>>
      %dma_wait3A_85 = tpu.memref_squeeze %dma_wait3A_84 : memref<1x128xi32, #tpu.memory_space<vmem>> -> memref<128xi32, #tpu.memory_space<vmem>>
      %dma_wait3A_86 = arith.constant 0 : i32
      %dma_wait3A_87 = tpu.memref_slice %arg8[%dma_wait3A_86] : memref<10240xf32, #tpu.memory_space<vmem_shared>> -> memref<10240xf32, #tpu.memory_space<vmem_shared>>
      tpu.wait_indirect_dma semaphore(%arg9 : memref<!tpu.dma_semaphore, #tpu.memory_space<semaphore_mem>>) src(%arg7 : memref<128xf32, #tpu.memory_space<vmem>>) dst(%dma_wait3A_87 : memref<10240xf32, #tpu.memory_space<vmem_shared>>)
      %scan3A_88 = arith.constant 0 : i32
      scf.yield %scan3A_88 : i32
    }
    %scan3A_75 = arith.constant 80 : i32
    %barrier3A_76 = arith.constant 0 : index
    tpu.barrier barrier_id(%barrier3A_76)
    %mul3A_77 = arith.constant 640 : i32
    %mul3A_78 = arith.muli %arg1, %mul3A_77 : i32
    %mul3A_79 = arith.constant 640 : i32
    %mul3A_80 = arith.muli %arg1, %mul3A_79 : i32
    "tpu.region"() ({
      %run_scoped3A = tpu.sem_alloc : memref<!tpu.dma_semaphore, #tpu.memory_space<semaphore_mem>>
      %dma_start3A = tpu.memref_slice %arg3[%arg0, %mul3A_80] : memref<2x10240xf32, #tpu.memory_space<hbm>> -> memref<1x640xf32, #tpu.memory_space<hbm>>
      %dma_start3A_81 = tpu.memref_squeeze %dma_start3A : memref<1x640xf32, #tpu.memory_space<hbm>> -> memref<640xf32, #tpu.memory_space<hbm>>
      %dma_start3A_82 = tpu.memref_slice %arg8[%mul3A_78] : memref<10240xf32, #tpu.memory_space<vmem_shared>> -> memref<640xf32, #tpu.memory_space<vmem_shared>>
      tpu.enqueue_dma source(%dma_start3A_82 : memref<640xf32, #tpu.memory_space<vmem_shared>>) target(%dma_start3A_81 : memref<640xf32, #tpu.memory_space<hbm>>) target_semaphore(%run_scoped3A : memref<!tpu.dma_semaphore, #tpu.memory_space<semaphore_mem>>)
      %dma_wait3A = tpu.memref_slice %arg3[%arg0, %mul3A_80] : memref<2x10240xf32, #tpu.memory_space<hbm>> -> memref<1x640xf32, #tpu.memory_space<hbm>>
      %dma_wait3A_83 = tpu.memref_squeeze %dma_wait3A : memref<1x640xf32, #tpu.memory_space<hbm>> -> memref<640xf32, #tpu.memory_space<hbm>>
      %dma_wait3A_84 = tpu.memref_slice %arg8[%mul3A_78] : memref<10240xf32, #tpu.memory_space<vmem_shared>> -> memref<640xf32, #tpu.memory_space<vmem_shared>>
      tpu.wait_dma2 semaphore(%run_scoped3A : memref<!tpu.dma_semaphore, #tpu.memory_space<semaphore_mem>>) src(%dma_wait3A_84 : memref<640xf32, #tpu.memory_space<vmem_shared>>) dst(%dma_wait3A_83 : memref<640xf32, #tpu.memory_space<hbm>>)
      tpu.yield
    }) : () -> ()
    return
  }
}

#map = affine_map<(d0, d1) -> (0, 0)>
#map1 = affine_map<(d0, d1) -> (0, 0, 0)>
module attributes {stable_mosaic.version = 14 : i64} {
  func.func @_agg_body(%arg0: i32, %arg1: i32, %arg2: memref<10000x128xf32, #tpu.memory_space<hbm>>, %arg3: memref<32x80x128xi32, #tpu.memory_space<hbm>>, %arg4: memref<2x10112x128xf32, #tpu.memory_space<hbm>>, %arg5: memref<80x128xi32, #tpu.memory_space<vmem>>, %arg6: memref<2x64xi32, #tpu.memory_space<vmem>>, %arg7: memref<2x64xi32, #tpu.memory_space<vmem>>, %arg8: memref<2x64xi32, #tpu.memory_space<vmem>>, %arg9: memref<2x64xi32, #tpu.memory_space<vmem>>, %arg10: memref<64x128xf32, #tpu.memory_space<vmem>>, %arg11: memref<64x128xf32, #tpu.memory_space<vmem>>, %arg12: memref<64x128xf32, #tpu.memory_space<vmem>>, %arg13: memref<64x128xf32, #tpu.memory_space<vmem>>, %arg14: memref<10112x128xf32, #tpu.memory_space<vmem_shared>>, %arg15: memref<!tpu.dma_semaphore, #tpu.memory_space<semaphore_mem>>, %arg16: memref<!tpu.dma_semaphore, #tpu.memory_space<semaphore_mem>>, %arg17: memref<!tpu.dma_semaphore, #tpu.memory_space<semaphore_mem>>, %arg18: memref<!tpu.dma_semaphore, #tpu.memory_space<semaphore_mem>>) attributes {dimension_semantics = [#tpu.dimension_semantics<core_parallel>, #tpu.dimension_semantics<subcore_parallel>], iteration_bounds = array<i64: 2, 16>, scalar_prefetch = 0 : i64, scratch_operands = 14 : i64, tpu.core_type = #tpu.core_type<sc_vector_subcore>, window_params = [{transform_indices = #map}, {transform_indices = #map1}, {transform_indices = #map1}]} {
    "tpu.trace_start"() <{level = 10 : i32, message = "agg_zero"}> : () -> ()
    %mul3A = arith.constant 2 : i32
    %mul3A_0 = arith.muli %arg1, %mul3A : i32
    %add3A = arith.addi %mul3A_0, %arg0 : i32
    "tpu.region"() ({
      %run_scoped3A = tpu.sem_alloc : memref<!tpu.dma_semaphore, #tpu.memory_space<semaphore_mem>>
      %dma_start3A_441 = arith.constant 0 : i32
      %dma_start3A_442 = arith.constant 0 : i32
      %dma_start3A_443 = tpu.memref_slice %arg3[%add3A, %dma_start3A_441, %dma_start3A_442] : memref<32x80x128xi32, #tpu.memory_space<hbm>> -> memref<1x80x128xi32, #tpu.memory_space<hbm>>
      %dma_start3A_444 = tpu.memref_squeeze %dma_start3A_443 : memref<1x80x128xi32, #tpu.memory_space<hbm>> -> memref<80x128xi32, #tpu.memory_space<hbm>>
      %dma_start3A_445 = arith.constant 0 : i32
      %dma_start3A_446 = arith.constant 0 : i32
      %dma_start3A_447 = tpu.memref_slice %arg3[%add3A, %dma_start3A_445, %dma_start3A_446] : memref<32x80x128xi32, #tpu.memory_space<hbm>> -> memref<1x80x128xi32, #tpu.memory_space<hbm>>
      %dma_start3A_448 = tpu.memref_squeeze %dma_start3A_447 : memref<1x80x128xi32, #tpu.memory_space<hbm>> -> memref<80x128xi32, #tpu.memory_space<hbm>>
      tpu.enqueue_dma source(%dma_start3A_448 : memref<80x128xi32, #tpu.memory_space<hbm>>) target(%arg5 : memref<80x128xi32, #tpu.memory_space<vmem>>) target_semaphore(%run_scoped3A : memref<!tpu.dma_semaphore, #tpu.memory_space<semaphore_mem>>)
      %dma_wait3A_449 = arith.constant 0 : i32
      %dma_wait3A_450 = arith.constant 0 : i32
      %dma_wait3A_451 = tpu.memref_slice %arg3[%add3A, %dma_wait3A_449, %dma_wait3A_450] : memref<32x80x128xi32, #tpu.memory_space<hbm>> -> memref<1x80x128xi32, #tpu.memory_space<hbm>>
      %dma_wait3A_452 = tpu.memref_squeeze %dma_wait3A_451 : memref<1x80x128xi32, #tpu.memory_space<hbm>> -> memref<80x128xi32, #tpu.memory_space<hbm>>
      %dma_wait3A_453 = arith.constant 0 : i32
      %dma_wait3A_454 = arith.constant 0 : i32
      %dma_wait3A_455 = tpu.memref_slice %arg3[%add3A, %dma_wait3A_453, %dma_wait3A_454] : memref<32x80x128xi32, #tpu.memory_space<hbm>> -> memref<1x80x128xi32, #tpu.memory_space<hbm>>
      %dma_wait3A_456 = tpu.memref_squeeze %dma_wait3A_455 : memref<1x80x128xi32, #tpu.memory_space<hbm>> -> memref<80x128xi32, #tpu.memory_space<hbm>>
      tpu.wait_dma2 semaphore(%run_scoped3A : memref<!tpu.dma_semaphore, #tpu.memory_space<semaphore_mem>>) src(%dma_wait3A_456 : memref<80x128xi32, #tpu.memory_space<hbm>>) dst(%arg5 : memref<80x128xi32, #tpu.memory_space<vmem>>)
      tpu.yield
    }) : () -> ()
    %get3A = arith.constant 0 : i32
    %get3A_1 = arith.index_cast %get3A : i32 to index
    %get3A_2 = arith.constant 0 : index
    %get3A_3 = tpu.vector_load %arg5[%get3A_1, %get3A_2] {strides = array<i32>} : memref<80x128xi32, #tpu.memory_space<vmem>>, vector<1x16xi32>,
    %get3A_4 = vector.shape_cast %get3A_3 : vector<1x16xi32> to vector<16xi32>
    %and3A = arith.constant 65535 : i32
    %and3A_5 = vector.broadcast %and3A : i32 to vector<16xi32>
    %and3A_6 = arith.andi %get3A_4, %and3A_5 : vector<16xi32>
    %swap3A = arith.constant 0 : i32
    %swap3A_7 = arith.index_cast %swap3A : i32 to index
    %swap3A_8 = arith.constant 0 : index
    %swap3A_9 = tpu.vector_load %arg6[%swap3A_7, %swap3A_8] {strides = array<i32>} : memref<2x64xi32, #tpu.memory_space<vmem>>, vector<1x16xi32>,
    %swap3A_10 = vector.shape_cast %swap3A_9 : vector<1x16xi32> to vector<16xi32>
    %swap3A_11 = vector.shape_cast %and3A_6 : vector<16xi32> to vector<1x16xi32>
    tpu.vector_store %arg6[%swap3A_7, %swap3A_8], %swap3A_11 {strides = array<i32>} : memref<2x64xi32, #tpu.memory_space<vmem>>, vector<1x16xi32>,
    %shift_right_logical3A = arith.constant 16 : i32
    %shift_right_logical3A_12 = vector.broadcast %shift_right_logical3A : i32 to vector<16xi32>
    %shift_right_logical3A_13 = arith.shrui %get3A_4, %shift_right_logical3A_12 : vector<16xi32>
    %swap3A_14 = arith.constant 1 : i32
    %swap3A_15 = arith.index_cast %swap3A_14 : i32 to index
    %swap3A_16 = arith.constant 0 : index
    %swap3A_17 = tpu.vector_load %arg6[%swap3A_15, %swap3A_16] {strides = array<i32>} : memref<2x64xi32, #tpu.memory_space<vmem>>, vector<1x16xi32>,
    %swap3A_18 = vector.shape_cast %swap3A_17 : vector<1x16xi32> to vector<16xi32>
    %swap3A_19 = vector.shape_cast %shift_right_logical3A_13 : vector<16xi32> to vector<1x16xi32>
    tpu.vector_store %arg6[%swap3A_15, %swap3A_16], %swap3A_19 {strides = array<i32>} : memref<2x64xi32, #tpu.memory_space<vmem>>, vector<1x16xi32>,
    %get3A_20 = arith.constant 0 : i32
    %get3A_21 = arith.index_cast %get3A_20 : i32 to index
    %get3A_22 = arith.constant 16 : index
    %get3A_23 = tpu.vector_load %arg5[%get3A_21, %get3A_22] {strides = array<i32>} : memref<80x128xi32, #tpu.memory_space<vmem>>, vector<1x16xi32>,
    %get3A_24 = vector.shape_cast %get3A_23 : vector<1x16xi32> to vector<16xi32>
    %and3A_25 = arith.constant 65535 : i32
    %and3A_26 = vector.broadcast %and3A_25 : i32 to vector<16xi32>
    %and3A_27 = arith.andi %get3A_24, %and3A_26 : vector<16xi32>
    %swap3A_28 = arith.constant 0 : i32
    %swap3A_29 = arith.index_cast %swap3A_28 : i32 to index
    %swap3A_30 = arith.constant 16 : index
    %swap3A_31 = tpu.vector_load %arg6[%swap3A_29, %swap3A_30] {strides = array<i32>} : memref<2x64xi32, #tpu.memory_space<vmem>>, vector<1x16xi32>,
    %swap3A_32 = vector.shape_cast %swap3A_31 : vector<1x16xi32> to vector<16xi32>
    %swap3A_33 = vector.shape_cast %and3A_27 : vector<16xi32> to vector<1x16xi32>
    tpu.vector_store %arg6[%swap3A_29, %swap3A_30], %swap3A_33 {strides = array<i32>} : memref<2x64xi32, #tpu.memory_space<vmem>>, vector<1x16xi32>,
    %shift_right_logical3A_34 = arith.constant 16 : i32
    %shift_right_logical3A_35 = vector.broadcast %shift_right_logical3A_34 : i32 to vector<16xi32>
    %shift_right_logical3A_36 = arith.shrui %get3A_24, %shift_right_logical3A_35 : vector<16xi32>
    %swap3A_37 = arith.constant 1 : i32
    %swap3A_38 = arith.index_cast %swap3A_37 : i32 to index
    %swap3A_39 = arith.constant 16 : index
    %swap3A_40 = tpu.vector_load %arg6[%swap3A_38, %swap3A_39] {strides = array<i32>} : memref<2x64xi32, #tpu.memory_space<vmem>>, vector<1x16xi32>,
    %swap3A_41 = vector.shape_cast %swap3A_40 : vector<1x16xi32> to vector<16xi32>
    %swap3A_42 = vector.shape_cast %shift_right_logical3A_36 : vector<16xi32> to vector<1x16xi32>
    tpu.vector_store %arg6[%swap3A_38, %swap3A_39], %swap3A_42 {strides = array<i32>} : memref<2x64xi32, #tpu.memory_space<vmem>>, vector<1x16xi32>,
    %get3A_43 = arith.constant 0 : i32
    %get3A_44 = arith.index_cast %get3A_43 : i32 to index
    %get3A_45 = arith.constant 32 : index
    %get3A_46 = tpu.vector_load %arg5[%get3A_44, %get3A_45] {strides = array<i32>} : memref<80x128xi32, #tpu.memory_space<vmem>>, vector<1x16xi32>,
    %get3A_47 = vector.shape_cast %get3A_46 : vector<1x16xi32> to vector<16xi32>
    %and3A_48 = arith.constant 65535 : i32
    %and3A_49 = vector.broadcast %and3A_48 : i32 to vector<16xi32>
    %and3A_50 = arith.andi %get3A_47, %and3A_49 : vector<16xi32>
    %swap3A_51 = arith.constant 0 : i32
    %swap3A_52 = arith.index_cast %swap3A_51 : i32 to index
    %swap3A_53 = arith.constant 32 : index
    %swap3A_54 = tpu.vector_load %arg6[%swap3A_52, %swap3A_53] {strides = array<i32>} : memref<2x64xi32, #tpu.memory_space<vmem>>, vector<1x16xi32>,
    %swap3A_55 = vector.shape_cast %swap3A_54 : vector<1x16xi32> to vector<16xi32>
    %swap3A_56 = vector.shape_cast %and3A_50 : vector<16xi32> to vector<1x16xi32>
    tpu.vector_store %arg6[%swap3A_52, %swap3A_53], %swap3A_56 {strides = array<i32>} : memref<2x64xi32, #tpu.memory_space<vmem>>, vector<1x16xi32>,
    %shift_right_logical3A_57 = arith.constant 16 : i32
    %shift_right_logical3A_58 = vector.broadcast %shift_right_logical3A_57 : i32 to vector<16xi32>
    %shift_right_logical3A_59 = arith.shrui %get3A_47, %shift_right_logical3A_58 : vector<16xi32>
    %swap3A_60 = arith.constant 1 : i32
    %swap3A_61 = arith.index_cast %swap3A_60 : i32 to index
    %swap3A_62 = arith.constant 32 : index
    %swap3A_63 = tpu.vector_load %arg6[%swap3A_61, %swap3A_62] {strides = array<i32>} : memref<2x64xi32, #tpu.memory_space<vmem>>, vector<1x16xi32>,
    %swap3A_64 = vector.shape_cast %swap3A_63 : vector<1x16xi32> to vector<16xi32>
    %swap3A_65 = vector.shape_cast %shift_right_logical3A_59 : vector<16xi32> to vector<1x16xi32>
    tpu.vector_store %arg6[%swap3A_61, %swap3A_62], %swap3A_65 {strides = array<i32>} : memref<2x64xi32, #tpu.memory_space<vmem>>, vector<1x16xi32>,
    %get3A_66 = arith.constant 0 : i32
    %get3A_67 = arith.index_cast %get3A_66 : i32 to index
    %get3A_68 = arith.constant 48 : index
    %get3A_69 = tpu.vector_load %arg5[%get3A_67, %get3A_68] {strides = array<i32>} : memref<80x128xi32, #tpu.memory_space<vmem>>, vector<1x16xi32>,
    %get3A_70 = vector.shape_cast %get3A_69 : vector<1x16xi32> to vector<16xi32>
    %and3A_71 = arith.constant 65535 : i32
    %and3A_72 = vector.broadcast %and3A_71 : i32 to vector<16xi32>
    %and3A_73 = arith.andi %get3A_70, %and3A_72 : vector<16xi32>
    %swap3A_74 = arith.constant 0 : i32
    %swap3A_75 = arith.index_cast %swap3A_74 : i32 to index
    %swap3A_76 = arith.constant 48 : index
    %swap3A_77 = tpu.vector_load %arg6[%swap3A_75, %swap3A_76] {strides = array<i32>} : memref<2x64xi32, #tpu.memory_space<vmem>>, vector<1x16xi32>,
    %swap3A_78 = vector.shape_cast %swap3A_77 : vector<1x16xi32> to vector<16xi32>
    %swap3A_79 = vector.shape_cast %and3A_73 : vector<16xi32> to vector<1x16xi32>
    tpu.vector_store %arg6[%swap3A_75, %swap3A_76], %swap3A_79 {strides = array<i32>} : memref<2x64xi32, #tpu.memory_space<vmem>>, vector<1x16xi32>,
    %shift_right_logical3A_80 = arith.constant 16 : i32
    %shift_right_logical3A_81 = vector.broadcast %shift_right_logical3A_80 : i32 to vector<16xi32>
    %shift_right_logical3A_82 = arith.shrui %get3A_70, %shift_right_logical3A_81 : vector<16xi32>
    %swap3A_83 = arith.constant 1 : i32
    %swap3A_84 = arith.index_cast %swap3A_83 : i32 to index
    %swap3A_85 = arith.constant 48 : index
    %swap3A_86 = tpu.vector_load %arg6[%swap3A_84, %swap3A_85] {strides = array<i32>} : memref<2x64xi32, #tpu.memory_space<vmem>>, vector<1x16xi32>,
    %swap3A_87 = vector.shape_cast %swap3A_86 : vector<1x16xi32> to vector<16xi32>
    %swap3A_88 = vector.shape_cast %shift_right_logical3A_82 : vector<16xi32> to vector<1x16xi32>
    tpu.vector_store %arg6[%swap3A_84, %swap3A_85], %swap3A_88 {strides = array<i32>} : memref<2x64xi32, #tpu.memory_space<vmem>>, vector<1x16xi32>,
    %dma_start3A = arith.constant 0 : i32
    %dma_start3A_89 = arith.constant 0 : i32
    %dma_start3A_90 = tpu.memref_slice %arg6[%dma_start3A, %dma_start3A_89] : memref<2x64xi32, #tpu.memory_space<vmem>> -> memref<1x64xi32, #tpu.memory_space<vmem>>
    %dma_start3A_91 = tpu.memref_squeeze %dma_start3A_90 : memref<1x64xi32, #tpu.memory_space<vmem>> -> memref<64xi32, #tpu.memory_space<vmem>>
    %dma_start3A_92 = arith.constant 0 : i32
    %dma_start3A_93 = arith.constant 0 : i32
    %dma_start3A_94 = tpu.memref_slice %arg2[%dma_start3A_92, %dma_start3A_93] : memref<10000x128xf32, #tpu.memory_space<hbm>> -> memref<10000x128xf32, #tpu.memory_space<hbm>>
    tpu.enqueue_indirect_dma source(%dma_start3A_94 : memref<10000x128xf32, #tpu.memory_space<hbm>>) target(%arg10 : memref<64x128xf32, #tpu.memory_space<vmem>>) offsets(%dma_start3A_91 : memref<64xi32, #tpu.memory_space<vmem>>) semaphore(%arg15 : memref<!tpu.dma_semaphore, #tpu.memory_space<semaphore_mem>>)
    %get3A_95 = arith.constant 0 : i32
    %get3A_96 = arith.index_cast %get3A_95 : i32 to index
    %get3A_97 = arith.constant 64 : index
    %get3A_98 = tpu.vector_load %arg5[%get3A_96, %get3A_97] {strides = array<i32>} : memref<80x128xi32, #tpu.memory_space<vmem>>, vector<1x16xi32>,
    %get3A_99 = vector.shape_cast %get3A_98 : vector<1x16xi32> to vector<16xi32>
    %and3A_100 = arith.constant 65535 : i32
    %and3A_101 = vector.broadcast %and3A_100 : i32 to vector<16xi32>
    %and3A_102 = arith.andi %get3A_99, %and3A_101 : vector<16xi32>
    %swap3A_103 = arith.constant 0 : i32
    %swap3A_104 = arith.index_cast %swap3A_103 : i32 to index
    %swap3A_105 = arith.constant 0 : index
    %swap3A_106 = tpu.vector_load %arg7[%swap3A_104, %swap3A_105] {strides = array<i32>} : memref<2x64xi32, #tpu.memory_space<vmem>>, vector<1x16xi32>,
    %swap3A_107 = vector.shape_cast %swap3A_106 : vector<1x16xi32> to vector<16xi32>
    %swap3A_108 = vector.shape_cast %and3A_102 : vector<16xi32> to vector<1x16xi32>
    tpu.vector_store %arg7[%swap3A_104, %swap3A_105], %swap3A_108 {strides = array<i32>} : memref<2x64xi32, #tpu.memory_space<vmem>>, vector<1x16xi32>,
    %shift_right_logical3A_109 = arith.constant 16 : i32
    %shift_right_logical3A_110 = vector.broadcast %shift_right_logical3A_109 : i32 to vector<16xi32>
    %shift_right_logical3A_111 = arith.shrui %get3A_99, %shift_right_logical3A_110 : vector<16xi32>
    %swap3A_112 = arith.constant 1 : i32
    %swap3A_113 = arith.index_cast %swap3A_112 : i32 to index
    %swap3A_114 = arith.constant 0 : index
    %swap3A_115 = tpu.vector_load %arg7[%swap3A_113, %swap3A_114] {strides = array<i32>} : memref<2x64xi32, #tpu.memory_space<vmem>>, vector<1x16xi32>,
    %swap3A_116 = vector.shape_cast %swap3A_115 : vector<1x16xi32> to vector<16xi32>
    %swap3A_117 = vector.shape_cast %shift_right_logical3A_111 : vector<16xi32> to vector<1x16xi32>
    tpu.vector_store %arg7[%swap3A_113, %swap3A_114], %swap3A_117 {strides = array<i32>} : memref<2x64xi32, #tpu.memory_space<vmem>>, vector<1x16xi32>,
    %get3A_118 = arith.constant 0 : i32
    %get3A_119 = arith.index_cast %get3A_118 : i32 to index
    %get3A_120 = arith.constant 80 : index
    %get3A_121 = tpu.vector_load %arg5[%get3A_119, %get3A_120] {strides = array<i32>} : memref<80x128xi32, #tpu.memory_space<vmem>>, vector<1x16xi32>,
    %get3A_122 = vector.shape_cast %get3A_121 : vector<1x16xi32> to vector<16xi32>
    %and3A_123 = arith.constant 65535 : i32
    %and3A_124 = vector.broadcast %and3A_123 : i32 to vector<16xi32>
    %and3A_125 = arith.andi %get3A_122, %and3A_124 : vector<16xi32>
    %swap3A_126 = arith.constant 0 : i32
    %swap3A_127 = arith.index_cast %swap3A_126 : i32 to index
    %swap3A_128 = arith.constant 16 : index
    %swap3A_129 = tpu.vector_load %arg7[%swap3A_127, %swap3A_128] {strides = array<i32>} : memref<2x64xi32, #tpu.memory_space<vmem>>, vector<1x16xi32>,
    %swap3A_130 = vector.shape_cast %swap3A_129 : vector<1x16xi32> to vector<16xi32>
    %swap3A_131 = vector.shape_cast %and3A_125 : vector<16xi32> to vector<1x16xi32>
    tpu.vector_store %arg7[%swap3A_127, %swap3A_128], %swap3A_131 {strides = array<i32>} : memref<2x64xi32, #tpu.memory_space<vmem>>, vector<1x16xi32>,
    %shift_right_logical3A_132 = arith.constant 16 : i32
    %shift_right_logical3A_133 = vector.broadcast %shift_right_logical3A_132 : i32 to vector<16xi32>
    %shift_right_logical3A_134 = arith.shrui %get3A_122, %shift_right_logical3A_133 : vector<16xi32>
    %swap3A_135 = arith.constant 1 : i32
    %swap3A_136 = arith.index_cast %swap3A_135 : i32 to index
    %swap3A_137 = arith.constant 16 : index
    %swap3A_138 = tpu.vector_load %arg7[%swap3A_136, %swap3A_137] {strides = array<i32>} : memref<2x64xi32, #tpu.memory_space<vmem>>, vector<1x16xi32>,
    %swap3A_139 = vector.shape_cast %swap3A_138 : vector<1x16xi32> to vector<16xi32>
    %swap3A_140 = vector.shape_cast %shift_right_logical3A_134 : vector<16xi32> to vector<1x16xi32>
    tpu.vector_store %arg7[%swap3A_136, %swap3A_137], %swap3A_140 {strides = array<i32>} : memref<2x64xi32, #tpu.memory_space<vmem>>, vector<1x16xi32>,
    %get3A_141 = arith.constant 0 : i32
    %get3A_142 = arith.index_cast %get3A_141 : i32 to index
    %get3A_143 = arith.constant 96 : index
    %get3A_144 = tpu.vector_load %arg5[%get3A_142, %get3A_143] {strides = array<i32>} : memref<80x128xi32, #tpu.memory_space<vmem>>, vector<1x16xi32>,
    %get3A_145 = vector.shape_cast %get3A_144 : vector<1x16xi32> to vector<16xi32>
    %and3A_146 = arith.constant 65535 : i32
    %and3A_147 = vector.broadcast %and3A_146 : i32 to vector<16xi32>
    %and3A_148 = arith.andi %get3A_145, %and3A_147 : vector<16xi32>
    %swap3A_149 = arith.constant 0 : i32
    %swap3A_150 = arith.index_cast %swap3A_149 : i32 to index
    %swap3A_151 = arith.constant 32 : index
    %swap3A_152 = tpu.vector_load %arg7[%swap3A_150, %swap3A_151] {strides = array<i32>} : memref<2x64xi32, #tpu.memory_space<vmem>>, vector<1x16xi32>,
    %swap3A_153 = vector.shape_cast %swap3A_152 : vector<1x16xi32> to vector<16xi32>
    %swap3A_154 = vector.shape_cast %and3A_148 : vector<16xi32> to vector<1x16xi32>
    tpu.vector_store %arg7[%swap3A_150, %swap3A_151], %swap3A_154 {strides = array<i32>} : memref<2x64xi32, #tpu.memory_space<vmem>>, vector<1x16xi32>,
    %shift_right_logical3A_155 = arith.constant 16 : i32
    %shift_right_logical3A_156 = vector.broadcast %shift_right_logical3A_155 : i32 to vector<16xi32>
    %shift_right_logical3A_157 = arith.shrui %get3A_145, %shift_right_logical3A_156 : vector<16xi32>
    %swap3A_158 = arith.constant 1 : i32
    %swap3A_159 = arith.index_cast %swap3A_158 : i32 to index
    %swap3A_160 = arith.constant 32 : index
    %swap3A_161 = tpu.vector_load %arg7[%swap3A_159, %swap3A_160] {strides = array<i32>} : memref<2x64xi32, #tpu.memory_space<vmem>>, vector<1x16xi32>,
    %swap3A_162 = vector.shape_cast %swap3A_161 : vector<1x16xi32> to vector<16xi32>
    %swap3A_163 = vector.shape_cast %shift_right_logical3A_157 : vector<16xi32> to vector<1x16xi32>
    tpu.vector_store %arg7[%swap3A_159, %swap3A_160], %swap3A_163 {strides = array<i32>} : memref<2x64xi32, #tpu.memory_space<vmem>>, vector<1x16xi32>,
    %get3A_164 = arith.constant 0 : i32
    %get3A_165 = arith.index_cast %get3A_164 : i32 to index
    %get3A_166 = arith.constant 112 : index
    %get3A_167 = tpu.vector_load %arg5[%get3A_165, %get3A_166] {strides = array<i32>} : memref<80x128xi32, #tpu.memory_space<vmem>>, vector<1x16xi32>,
    %get3A_168 = vector.shape_cast %get3A_167 : vector<1x16xi32> to vector<16xi32>
    %and3A_169 = arith.constant 65535 : i32
    %and3A_170 = vector.broadcast %and3A_169 : i32 to vector<16xi32>
    %and3A_171 = arith.andi %get3A_168, %and3A_170 : vector<16xi32>
    %swap3A_172 = arith.constant 0 : i32
    %swap3A_173 = arith.index_cast %swap3A_172 : i32 to index
    %swap3A_174 = arith.constant 48 : index
    %swap3A_175 = tpu.vector_load %arg7[%swap3A_173, %swap3A_174] {strides = array<i32>} : memref<2x64xi32, #tpu.memory_space<vmem>>, vector<1x16xi32>,
    %swap3A_176 = vector.shape_cast %swap3A_175 : vector<1x16xi32> to vector<16xi32>
    %swap3A_177 = vector.shape_cast %and3A_171 : vector<16xi32> to vector<1x16xi32>
    tpu.vector_store %arg7[%swap3A_173, %swap3A_174], %swap3A_177 {strides = array<i32>} : memref<2x64xi32, #tpu.memory_space<vmem>>, vector<1x16xi32>,
    %shift_right_logical3A_178 = arith.constant 16 : i32
    %shift_right_logical3A_179 = vector.broadcast %shift_right_logical3A_178 : i32 to vector<16xi32>
    %shift_right_logical3A_180 = arith.shrui %get3A_168, %shift_right_logical3A_179 : vector<16xi32>
    %swap3A_181 = arith.constant 1 : i32
    %swap3A_182 = arith.index_cast %swap3A_181 : i32 to index
    %swap3A_183 = arith.constant 48 : index
    %swap3A_184 = tpu.vector_load %arg7[%swap3A_182, %swap3A_183] {strides = array<i32>} : memref<2x64xi32, #tpu.memory_space<vmem>>, vector<1x16xi32>,
    %swap3A_185 = vector.shape_cast %swap3A_184 : vector<1x16xi32> to vector<16xi32>
    %swap3A_186 = vector.shape_cast %shift_right_logical3A_180 : vector<16xi32> to vector<1x16xi32>
    tpu.vector_store %arg7[%swap3A_182, %swap3A_183], %swap3A_186 {strides = array<i32>} : memref<2x64xi32, #tpu.memory_space<vmem>>, vector<1x16xi32>,
    %dma_start3A_187 = arith.constant 0 : i32
    %dma_start3A_188 = arith.constant 0 : i32
    %dma_start3A_189 = tpu.memref_slice %arg7[%dma_start3A_187, %dma_start3A_188] : memref<2x64xi32, #tpu.memory_space<vmem>> -> memref<1x64xi32, #tpu.memory_space<vmem>>
    %dma_start3A_190 = tpu.memref_squeeze %dma_start3A_189 : memref<1x64xi32, #tpu.memory_space<vmem>> -> memref<64xi32, #tpu.memory_space<vmem>>
    %dma_start3A_191 = arith.constant 0 : i32
    %dma_start3A_192 = arith.constant 0 : i32
    %dma_start3A_193 = tpu.memref_slice %arg2[%dma_start3A_191, %dma_start3A_192] : memref<10000x128xf32, #tpu.memory_space<hbm>> -> memref<10000x128xf32, #tpu.memory_space<hbm>>
    tpu.enqueue_indirect_dma source(%dma_start3A_193 : memref<10000x128xf32, #tpu.memory_space<hbm>>) target(%arg11 : memref<64x128xf32, #tpu.memory_space<vmem>>) offsets(%dma_start3A_190 : memref<64xi32, #tpu.memory_space<vmem>>) semaphore(%arg16 : memref<!tpu.dma_semaphore, #tpu.memory_space<semaphore_mem>>)
    %get3A_194 = arith.constant 1 : i32
    %get3A_195 = arith.index_cast %get3A_194 : i32 to index
    %get3A_196 = arith.constant 0 : index
    %get3A_197 = tpu.vector_load %arg5[%get3A_195, %get3A_196] {strides = array<i32>} : memref<80x128xi32, #tpu.memory_space<vmem>>, vector<1x16xi32>,
    %get3A_198 = vector.shape_cast %get3A_197 : vector<1x16xi32> to vector<16xi32>
    %and3A_199 = arith.constant 65535 : i32
    %and3A_200 = vector.broadcast %and3A_199 : i32 to vector<16xi32>
    %and3A_201 = arith.andi %get3A_198, %and3A_200 : vector<16xi32>
    %swap3A_202 = arith.constant 0 : i32
    %swap3A_203 = arith.index_cast %swap3A_202 : i32 to index
    %swap3A_204 = arith.constant 0 : index
    %swap3A_205 = tpu.vector_load %arg8[%swap3A_203, %swap3A_204] {strides = array<i32>} : memref<2x64xi32, #tpu.memory_space<vmem>>, vector<1x16xi32>,
    %swap3A_206 = vector.shape_cast %swap3A_205 : vector<1x16xi32> to vector<16xi32>
    %swap3A_207 = vector.shape_cast %and3A_201 : vector<16xi32> to vector<1x16xi32>
    tpu.vector_store %arg8[%swap3A_203, %swap3A_204], %swap3A_207 {strides = array<i32>} : memref<2x64xi32, #tpu.memory_space<vmem>>, vector<1x16xi32>,
    %shift_right_logical3A_208 = arith.constant 16 : i32
    %shift_right_logical3A_209 = vector.broadcast %shift_right_logical3A_208 : i32 to vector<16xi32>
    %shift_right_logical3A_210 = arith.shrui %get3A_198, %shift_right_logical3A_209 : vector<16xi32>
    %swap3A_211 = arith.constant 1 : i32
    %swap3A_212 = arith.index_cast %swap3A_211 : i32 to index
    %swap3A_213 = arith.constant 0 : index
    %swap3A_214 = tpu.vector_load %arg8[%swap3A_212, %swap3A_213] {strides = array<i32>} : memref<2x64xi32, #tpu.memory_space<vmem>>, vector<1x16xi32>,
    %swap3A_215 = vector.shape_cast %swap3A_214 : vector<1x16xi32> to vector<16xi32>
    %swap3A_216 = vector.shape_cast %shift_right_logical3A_210 : vector<16xi32> to vector<1x16xi32>
    tpu.vector_store %arg8[%swap3A_212, %swap3A_213], %swap3A_216 {strides = array<i32>} : memref<2x64xi32, #tpu.memory_space<vmem>>, vector<1x16xi32>,
    %get3A_217 = arith.constant 1 : i32
    %get3A_218 = arith.index_cast %get3A_217 : i32 to index
    %get3A_219 = arith.constant 16 : index
    %get3A_220 = tpu.vector_load %arg5[%get3A_218, %get3A_219] {strides = array<i32>} : memref<80x128xi32, #tpu.memory_space<vmem>>, vector<1x16xi32>,
    %get3A_221 = vector.shape_cast %get3A_220 : vector<1x16xi32> to vector<16xi32>
    %and3A_222 = arith.constant 65535 : i32
    %and3A_223 = vector.broadcast %and3A_222 : i32 to vector<16xi32>
    %and3A_224 = arith.andi %get3A_221, %and3A_223 : vector<16xi32>
    %swap3A_225 = arith.constant 0 : i32
    %swap3A_226 = arith.index_cast %swap3A_225 : i32 to index
    %swap3A_227 = arith.constant 16 : index
    %swap3A_228 = tpu.vector_load %arg8[%swap3A_226, %swap3A_227] {strides = array<i32>} : memref<2x64xi32, #tpu.memory_space<vmem>>, vector<1x16xi32>,
    %swap3A_229 = vector.shape_cast %swap3A_228 : vector<1x16xi32> to vector<16xi32>
    %swap3A_230 = vector.shape_cast %and3A_224 : vector<16xi32> to vector<1x16xi32>
    tpu.vector_store %arg8[%swap3A_226, %swap3A_227], %swap3A_230 {strides = array<i32>} : memref<2x64xi32, #tpu.memory_space<vmem>>, vector<1x16xi32>,
    %shift_right_logical3A_231 = arith.constant 16 : i32
    %shift_right_logical3A_232 = vector.broadcast %shift_right_logical3A_231 : i32 to vector<16xi32>
    %shift_right_logical3A_233 = arith.shrui %get3A_221, %shift_right_logical3A_232 : vector<16xi32>
    %swap3A_234 = arith.constant 1 : i32
    %swap3A_235 = arith.index_cast %swap3A_234 : i32 to index
    %swap3A_236 = arith.constant 16 : index
    %swap3A_237 = tpu.vector_load %arg8[%swap3A_235, %swap3A_236] {strides = array<i32>} : memref<2x64xi32, #tpu.memory_space<vmem>>, vector<1x16xi32>,
    %swap3A_238 = vector.shape_cast %swap3A_237 : vector<1x16xi32> to vector<16xi32>
    %swap3A_239 = vector.shape_cast %shift_right_logical3A_233 : vector<16xi32> to vector<1x16xi32>
    tpu.vector_store %arg8[%swap3A_235, %swap3A_236], %swap3A_239 {strides = array<i32>} : memref<2x64xi32, #tpu.memory_space<vmem>>, vector<1x16xi32>,
    %get3A_240 = arith.constant 1 : i32
    %get3A_241 = arith.index_cast %get3A_240 : i32 to index
    %get3A_242 = arith.constant 32 : index
    %get3A_243 = tpu.vector_load %arg5[%get3A_241, %get3A_242] {strides = array<i32>} : memref<80x128xi32, #tpu.memory_space<vmem>>, vector<1x16xi32>,
    %get3A_244 = vector.shape_cast %get3A_243 : vector<1x16xi32> to vector<16xi32>
    %and3A_245 = arith.constant 65535 : i32
    %and3A_246 = vector.broadcast %and3A_245 : i32 to vector<16xi32>
    %and3A_247 = arith.andi %get3A_244, %and3A_246 : vector<16xi32>
    %swap3A_248 = arith.constant 0 : i32
    %swap3A_249 = arith.index_cast %swap3A_248 : i32 to index
    %swap3A_250 = arith.constant 32 : index
    %swap3A_251 = tpu.vector_load %arg8[%swap3A_249, %swap3A_250] {strides = array<i32>} : memref<2x64xi32, #tpu.memory_space<vmem>>, vector<1x16xi32>,
    %swap3A_252 = vector.shape_cast %swap3A_251 : vector<1x16xi32> to vector<16xi32>
    %swap3A_253 = vector.shape_cast %and3A_247 : vector<16xi32> to vector<1x16xi32>
    tpu.vector_store %arg8[%swap3A_249, %swap3A_250], %swap3A_253 {strides = array<i32>} : memref<2x64xi32, #tpu.memory_space<vmem>>, vector<1x16xi32>,
    %shift_right_logical3A_254 = arith.constant 16 : i32
    %shift_right_logical3A_255 = vector.broadcast %shift_right_logical3A_254 : i32 to vector<16xi32>
    %shift_right_logical3A_256 = arith.shrui %get3A_244, %shift_right_logical3A_255 : vector<16xi32>
    %swap3A_257 = arith.constant 1 : i32
    %swap3A_258 = arith.index_cast %swap3A_257 : i32 to index
    %swap3A_259 = arith.constant 32 : index
    %swap3A_260 = tpu.vector_load %arg8[%swap3A_258, %swap3A_259] {strides = array<i32>} : memref<2x64xi32, #tpu.memory_space<vmem>>, vector<1x16xi32>,
    %swap3A_261 = vector.shape_cast %swap3A_260 : vector<1x16xi32> to vector<16xi32>
    %swap3A_262 = vector.shape_cast %shift_right_logical3A_256 : vector<16xi32> to vector<1x16xi32>
    tpu.vector_store %arg8[%swap3A_258, %swap3A_259], %swap3A_262 {strides = array<i32>} : memref<2x64xi32, #tpu.memory_space<vmem>>, vector<1x16xi32>,
    %get3A_263 = arith.constant 1 : i32
    %get3A_264 = arith.index_cast %get3A_263 : i32 to index
    %get3A_265 = arith.constant 48 : index
    %get3A_266 = tpu.vector_load %arg5[%get3A_264, %get3A_265] {strides = array<i32>} : memref<80x128xi32, #tpu.memory_space<vmem>>, vector<1x16xi32>,
    %get3A_267 = vector.shape_cast %get3A_266 : vector<1x16xi32> to vector<16xi32>
    %and3A_268 = arith.constant 65535 : i32
    %and3A_269 = vector.broadcast %and3A_268 : i32 to vector<16xi32>
    %and3A_270 = arith.andi %get3A_267, %and3A_269 : vector<16xi32>
    %swap3A_271 = arith.constant 0 : i32
    %swap3A_272 = arith.index_cast %swap3A_271 : i32 to index
    %swap3A_273 = arith.constant 48 : index
    %swap3A_274 = tpu.vector_load %arg8[%swap3A_272, %swap3A_273] {strides = array<i32>} : memref<2x64xi32, #tpu.memory_space<vmem>>, vector<1x16xi32>,
    %swap3A_275 = vector.shape_cast %swap3A_274 : vector<1x16xi32> to vector<16xi32>
    %swap3A_276 = vector.shape_cast %and3A_270 : vector<16xi32> to vector<1x16xi32>
    tpu.vector_store %arg8[%swap3A_272, %swap3A_273], %swap3A_276 {strides = array<i32>} : memref<2x64xi32, #tpu.memory_space<vmem>>, vector<1x16xi32>,
    %shift_right_logical3A_277 = arith.constant 16 : i32
    %shift_right_logical3A_278 = vector.broadcast %shift_right_logical3A_277 : i32 to vector<16xi32>
    %shift_right_logical3A_279 = arith.shrui %get3A_267, %shift_right_logical3A_278 : vector<16xi32>
    %swap3A_280 = arith.constant 1 : i32
    %swap3A_281 = arith.index_cast %swap3A_280 : i32 to index
    %swap3A_282 = arith.constant 48 : index
    %swap3A_283 = tpu.vector_load %arg8[%swap3A_281, %swap3A_282] {strides = array<i32>} : memref<2x64xi32, #tpu.memory_space<vmem>>, vector<1x16xi32>,
    %swap3A_284 = vector.shape_cast %swap3A_283 : vector<1x16xi32> to vector<16xi32>
    %swap3A_285 = vector.shape_cast %shift_right_logical3A_279 : vector<16xi32> to vector<1x16xi32>
    tpu.vector_store %arg8[%swap3A_281, %swap3A_282], %swap3A_285 {strides = array<i32>} : memref<2x64xi32, #tpu.memory_space<vmem>>, vector<1x16xi32>,
    %dma_start3A_286 = arith.constant 0 : i32
    %dma_start3A_287 = arith.constant 0 : i32
    %dma_start3A_288 = tpu.memref_slice %arg8[%dma_start3A_286, %dma_start3A_287] : memref<2x64xi32, #tpu.memory_space<vmem>> -> memref<1x64xi32, #tpu.memory_space<vmem>>
    %dma_start3A_289 = tpu.memref_squeeze %dma_start3A_288 : memref<1x64xi32, #tpu.memory_space<vmem>> -> memref<64xi32, #tpu.memory_space<vmem>>
    %dma_start3A_290 = arith.constant 0 : i32
    %dma_start3A_291 = arith.constant 0 : i32
    %dma_start3A_292 = tpu.memref_slice %arg2[%dma_start3A_290, %dma_start3A_291] : memref<10000x128xf32, #tpu.memory_space<hbm>> -> memref<10000x128xf32, #tpu.memory_space<hbm>>
    tpu.enqueue_indirect_dma source(%dma_start3A_292 : memref<10000x128xf32, #tpu.memory_space<hbm>>) target(%arg12 : memref<64x128xf32, #tpu.memory_space<vmem>>) offsets(%dma_start3A_289 : memref<64xi32, #tpu.memory_space<vmem>>) semaphore(%arg17 : memref<!tpu.dma_semaphore, #tpu.memory_space<semaphore_mem>>)
    %broadcast_in_dim3A = arith.constant 0.000000e+00 : f32
    %broadcast_in_dim3A_293 = vector.broadcast %broadcast_in_dim3A : f32 to vector<16xf32>
    %scan3A = arith.constant 0 : i32
    %scan3A_294 = arith.constant 0 : i32
    %scan3A_295 = arith.constant 64 : i32
    %scan3A_296 = arith.addi %scan3A_294, %scan3A_295 : i32
    %scan3A_297 = arith.constant 1 : i32
    %scan3A_298 = scf.for %scan3A_441 = %scan3A_294 to %scan3A_296 step %scan3A_297 iter_args(%scan3A_442 = %scan3A) -> (i32)  : i32 {
      %swap3A_443 = arith.index_cast %scan3A_441 : i32 to index
      %swap3A_444 = arith.constant 0 : index
      %swap3A_445 = tpu.vector_load %arg13[%swap3A_443, %swap3A_444] {strides = array<i32>} : memref<64x128xf32, #tpu.memory_space<vmem>>, vector<1x16xf32>,
      %swap3A_446 = vector.shape_cast %swap3A_445 : vector<1x16xf32> to vector<16xf32>
      %swap3A_447 = vector.shape_cast %broadcast_in_dim3A_293 : vector<16xf32> to vector<1x16xf32>
      tpu.vector_store %arg13[%swap3A_443, %swap3A_444], %swap3A_447 {strides = array<i32>} : memref<64x128xf32, #tpu.memory_space<vmem>>, vector<1x16xf32>,
      %swap3A_448 = arith.index_cast %scan3A_441 : i32 to index
      %swap3A_449 = arith.constant 16 : index
      %swap3A_450 = tpu.vector_load %arg13[%swap3A_448, %swap3A_449] {strides = array<i32>} : memref<64x128xf32, #tpu.memory_space<vmem>>, vector<1x16xf32>,
      %swap3A_451 = vector.shape_cast %swap3A_450 : vector<1x16xf32> to vector<16xf32>
      %swap3A_452 = vector.shape_cast %broadcast_in_dim3A_293 : vector<16xf32> to vector<1x16xf32>
      tpu.vector_store %arg13[%swap3A_448, %swap3A_449], %swap3A_452 {strides = array<i32>} : memref<64x128xf32, #tpu.memory_space<vmem>>, vector<1x16xf32>,
      %swap3A_453 = arith.index_cast %scan3A_441 : i32 to index
      %swap3A_454 = arith.constant 32 : index
      %swap3A_455 = tpu.vector_load %arg13[%swap3A_453, %swap3A_454] {strides = array<i32>} : memref<64x128xf32, #tpu.memory_space<vmem>>, vector<1x16xf32>,
      %swap3A_456 = vector.shape_cast %swap3A_455 : vector<1x16xf32> to vector<16xf32>
      %swap3A_457 = vector.shape_cast %broadcast_in_dim3A_293 : vector<16xf32> to vector<1x16xf32>
      tpu.vector_store %arg13[%swap3A_453, %swap3A_454], %swap3A_457 {strides = array<i32>} : memref<64x128xf32, #tpu.memory_space<vmem>>, vector<1x16xf32>,
      %swap3A_458 = arith.index_cast %scan3A_441 : i32 to index
      %swap3A_459 = arith.constant 48 : index
      %swap3A_460 = tpu.vector_load %arg13[%swap3A_458, %swap3A_459] {strides = array<i32>} : memref<64x128xf32, #tpu.memory_space<vmem>>, vector<1x16xf32>,
      %swap3A_461 = vector.shape_cast %swap3A_460 : vector<1x16xf32> to vector<16xf32>
      %swap3A_462 = vector.shape_cast %broadcast_in_dim3A_293 : vector<16xf32> to vector<1x16xf32>
      tpu.vector_store %arg13[%swap3A_458, %swap3A_459], %swap3A_462 {strides = array<i32>} : memref<64x128xf32, #tpu.memory_space<vmem>>, vector<1x16xf32>,
      %swap3A_463 = arith.index_cast %scan3A_441 : i32 to index
      %swap3A_464 = arith.constant 64 : index
      %swap3A_465 = tpu.vector_load %arg13[%swap3A_463, %swap3A_464] {strides = array<i32>} : memref<64x128xf32, #tpu.memory_space<vmem>>, vector<1x16xf32>,
      %swap3A_466 = vector.shape_cast %swap3A_465 : vector<1x16xf32> to vector<16xf32>
      %swap3A_467 = vector.shape_cast %broadcast_in_dim3A_293 : vector<16xf32> to vector<1x16xf32>
      tpu.vector_store %arg13[%swap3A_463, %swap3A_464], %swap3A_467 {strides = array<i32>} : memref<64x128xf32, #tpu.memory_space<vmem>>, vector<1x16xf32>,
      %swap3A_468 = arith.index_cast %scan3A_441 : i32 to index
      %swap3A_469 = arith.constant 80 : index
      %swap3A_470 = tpu.vector_load %arg13[%swap3A_468, %swap3A_469] {strides = array<i32>} : memref<64x128xf32, #tpu.memory_space<vmem>>, vector<1x16xf32>,
      %swap3A_471 = vector.shape_cast %swap3A_470 : vector<1x16xf32> to vector<16xf32>
      %swap3A_472 = vector.shape_cast %broadcast_in_dim3A_293 : vector<16xf32> to vector<1x16xf32>
      tpu.vector_store %arg13[%swap3A_468, %swap3A_469], %swap3A_472 {strides = array<i32>} : memref<64x128xf32, #tpu.memory_space<vmem>>, vector<1x16xf32>,
      %swap3A_473 = arith.index_cast %scan3A_441 : i32 to index
      %swap3A_474 = arith.constant 96 : index
      %swap3A_475 = tpu.vector_load %arg13[%swap3A_473, %swap3A_474] {strides = array<i32>} : memref<64x128xf32, #tpu.memory_space<vmem>>, vector<1x16xf32>,
      %swap3A_476 = vector.shape_cast %swap3A_475 : vector<1x16xf32> to vector<16xf32>
      %swap3A_477 = vector.shape_cast %broadcast_in_dim3A_293 : vector<16xf32> to vector<1x16xf32>
      tpu.vector_store %arg13[%swap3A_473, %swap3A_474], %swap3A_477 {strides = array<i32>} : memref<64x128xf32, #tpu.memory_space<vmem>>, vector<1x16xf32>,
      %swap3A_478 = arith.index_cast %scan3A_441 : i32 to index
      %swap3A_479 = arith.constant 112 : index
      %swap3A_480 = tpu.vector_load %arg13[%swap3A_478, %swap3A_479] {strides = array<i32>} : memref<64x128xf32, #tpu.memory_space<vmem>>, vector<1x16xf32>,
      %swap3A_481 = vector.shape_cast %swap3A_480 : vector<1x16xf32> to vector<16xf32>
      %swap3A_482 = vector.shape_cast %broadcast_in_dim3A_293 : vector<16xf32> to vector<1x16xf32>
      tpu.vector_store %arg13[%swap3A_478, %swap3A_479], %swap3A_482 {strides = array<i32>} : memref<64x128xf32, #tpu.memory_space<vmem>>, vector<1x16xf32>,
      %scan3A_483 = arith.constant 0 : i32
      scf.yield %scan3A_483 : i32
    }
    %scan3A_299 = arith.constant 64 : i32
    %mul3A_300 = arith.constant 632 : i32
    %mul3A_301 = arith.muli %arg1, %mul3A_300 : i32
    %add3A_302 = arith.constant 0 : i32
    %add3A_303 = arith.addi %mul3A_301, %add3A_302 : i32
    %dma_start3A_304 = arith.constant 0 : i32
    %dma_start3A_305 = tpu.memref_slice %arg14[%add3A_303, %dma_start3A_304] : memref<10112x128xf32, #tpu.memory_space<vmem_shared>> -> memref<64x128xf32, #tpu.memory_space<vmem_shared>>
    %dma_start3A_306 = arith.constant 0 : i32
    %dma_start3A_307 = tpu.memref_slice %arg14[%add3A_303, %dma_start3A_306] : memref<10112x128xf32, #tpu.memory_space<vmem_shared>> -> memref<64x128xf32, #tpu.memory_space<vmem_shared>>
    tpu.enqueue_dma source(%arg13 : memref<64x128xf32, #tpu.memory_space<vmem>>) target(%dma_start3A_307 : memref<64x128xf32, #tpu.memory_space<vmem_shared>>) target_semaphore(%arg18 : memref<!tpu.dma_semaphore, #tpu.memory_space<semaphore_mem>>)
    %add3A_308 = arith.constant 64 : i32
    %add3A_309 = arith.addi %mul3A_301, %add3A_308 : i32
    %dma_start3A_310 = arith.constant 0 : i32
    %dma_start3A_311 = tpu.memref_slice %arg14[%add3A_309, %dma_start3A_310] : memref<10112x128xf32, #tpu.memory_space<vmem_shared>> -> memref<64x128xf32, #tpu.memory_space<vmem_shared>>
    %dma_start3A_312 = arith.constant 0 : i32
    %dma_start3A_313 = tpu.memref_slice %arg14[%add3A_309, %dma_start3A_312] : memref<10112x128xf32, #tpu.memory_space<vmem_shared>> -> memref<64x128xf32, #tpu.memory_space<vmem_shared>>
    tpu.enqueue_dma source(%arg13 : memref<64x128xf32, #tpu.memory_space<vmem>>) target(%dma_start3A_313 : memref<64x128xf32, #tpu.memory_space<vmem_shared>>) target_semaphore(%arg18 : memref<!tpu.dma_semaphore, #tpu.memory_space<semaphore_mem>>)
    %add3A_314 = arith.constant 128 : i32
    %add3A_315 = arith.addi %mul3A_301, %add3A_314 : i32
    %dma_start3A_316 = arith.constant 0 : i32
    %dma_start3A_317 = tpu.memref_slice %arg14[%add3A_315, %dma_start3A_316] : memref<10112x128xf32, #tpu.memory_space<vmem_shared>> -> memref<64x128xf32, #tpu.memory_space<vmem_shared>>
    %dma_start3A_318 = arith.constant 0 : i32
    %dma_start3A_319 = tpu.memref_slice %arg14[%add3A_315, %dma_start3A_318] : memref<10112x128xf32, #tpu.memory_space<vmem_shared>> -> memref<64x128xf32, #tpu.memory_space<vmem_shared>>
    tpu.enqueue_dma source(%arg13 : memref<64x128xf32, #tpu.memory_space<vmem>>) target(%dma_start3A_319 : memref<64x128xf32, #tpu.memory_space<vmem_shared>>) target_semaphore(%arg18 : memref<!tpu.dma_semaphore, #tpu.memory_space<semaphore_mem>>)
    %add3A_320 = arith.constant 192 : i32
    %add3A_321 = arith.addi %mul3A_301, %add3A_320 : i32
    %dma_start3A_322 = arith.constant 0 : i32
    %dma_start3A_323 = tpu.memref_slice %arg14[%add3A_321, %dma_start3A_322] : memref<10112x128xf32, #tpu.memory_space<vmem_shared>> -> memref<64x128xf32, #tpu.memory_space<vmem_shared>>
    %dma_start3A_324 = arith.constant 0 : i32
    %dma_start3A_325 = tpu.memref_slice %arg14[%add3A_321, %dma_start3A_324] : memref<10112x128xf32, #tpu.memory_space<vmem_shared>> -> memref<64x128xf32, #tpu.memory_space<vmem_shared>>
    tpu.enqueue_dma source(%arg13 : memref<64x128xf32, #tpu.memory_space<vmem>>) target(%dma_start3A_325 : memref<64x128xf32, #tpu.memory_space<vmem_shared>>) target_semaphore(%arg18 : memref<!tpu.dma_semaphore, #tpu.memory_space<semaphore_mem>>)
    %add3A_326 = arith.constant 256 : i32
    %add3A_327 = arith.addi %mul3A_301, %add3A_326 : i32
    %dma_start3A_328 = arith.constant 0 : i32
    %dma_start3A_329 = tpu.memref_slice %arg14[%add3A_327, %dma_start3A_328] : memref<10112x128xf32, #tpu.memory_space<vmem_shared>> -> memref<64x128xf32, #tpu.memory_space<vmem_shared>>
    %dma_start3A_330 = arith.constant 0 : i32
    %dma_start3A_331 = tpu.memref_slice %arg14[%add3A_327, %dma_start3A_330] : memref<10112x128xf32, #tpu.memory_space<vmem_shared>> -> memref<64x128xf32, #tpu.memory_space<vmem_shared>>
    tpu.enqueue_dma source(%arg13 : memref<64x128xf32, #tpu.memory_space<vmem>>) target(%dma_start3A_331 : memref<64x128xf32, #tpu.memory_space<vmem_shared>>) target_semaphore(%arg18 : memref<!tpu.dma_semaphore, #tpu.memory_space<semaphore_mem>>)
    %add3A_332 = arith.constant 320 : i32
    %add3A_333 = arith.addi %mul3A_301, %add3A_332 : i32
    %dma_start3A_334 = arith.constant 0 : i32
    %dma_start3A_335 = tpu.memref_slice %arg14[%add3A_333, %dma_start3A_334] : memref<10112x128xf32, #tpu.memory_space<vmem_shared>> -> memref<64x128xf32, #tpu.memory_space<vmem_shared>>
    %dma_start3A_336 = arith.constant 0 : i32
    %dma_start3A_337 = tpu.memref_slice %arg14[%add3A_333, %dma_start3A_336] : memref<10112x128xf32, #tpu.memory_space<vmem_shared>> -> memref<64x128xf32, #tpu.memory_space<vmem_shared>>
    tpu.enqueue_dma source(%arg13 : memref<64x128xf32, #tpu.memory_space<vmem>>) target(%dma_start3A_337 : memref<64x128xf32, #tpu.memory_space<vmem_shared>>) target_semaphore(%arg18 : memref<!tpu.dma_semaphore, #tpu.memory_space<semaphore_mem>>)
    %add3A_338 = arith.constant 384 : i32
    %add3A_339 = arith.addi %mul3A_301, %add3A_338 : i32
    %dma_start3A_340 = arith.constant 0 : i32
    %dma_start3A_341 = tpu.memref_slice %arg14[%add3A_339, %dma_start3A_340] : memref<10112x128xf32, #tpu.memory_space<vmem_shared>> -> memref<64x128xf32, #tpu.memory_space<vmem_shared>>
    %dma_start3A_342 = arith.constant 0 : i32
    %dma_start3A_343 = tpu.memref_slice %arg14[%add3A_339, %dma_start3A_342] : memref<10112x128xf32, #tpu.memory_space<vmem_shared>> -> memref<64x128xf32, #tpu.memory_space<vmem_shared>>
    tpu.enqueue_dma source(%arg13 : memref<64x128xf32, #tpu.memory_space<vmem>>) target(%dma_start3A_343 : memref<64x128xf32, #tpu.memory_space<vmem_shared>>) target_semaphore(%arg18 : memref<!tpu.dma_semaphore, #tpu.memory_space<semaphore_mem>>)
    %add3A_344 = arith.constant 448 : i32
    %add3A_345 = arith.addi %mul3A_301, %add3A_344 : i32
    %dma_start3A_346 = arith.constant 0 : i32
    %dma_start3A_347 = tpu.memref_slice %arg14[%add3A_345, %dma_start3A_346] : memref<10112x128xf32, #tpu.memory_space<vmem_shared>> -> memref<64x128xf32, #tpu.memory_space<vmem_shared>>
    %dma_start3A_348 = arith.constant 0 : i32
    %dma_start3A_349 = tpu.memref_slice %arg14[%add3A_345, %dma_start3A_348] : memref<10112x128xf32, #tpu.memory_space<vmem_shared>> -> memref<64x128xf32, #tpu.memory_space<vmem_shared>>
    tpu.enqueue_dma source(%arg13 : memref<64x128xf32, #tpu.memory_space<vmem>>) target(%dma_start3A_349 : memref<64x128xf32, #tpu.memory_space<vmem_shared>>) target_semaphore(%arg18 : memref<!tpu.dma_semaphore, #tpu.memory_space<semaphore_mem>>)
    %add3A_350 = arith.constant 512 : i32
    %add3A_351 = arith.addi %mul3A_301, %add3A_350 : i32
    %dma_start3A_352 = arith.constant 0 : i32
    %dma_start3A_353 = tpu.memref_slice %arg14[%add3A_351, %dma_start3A_352] : memref<10112x128xf32, #tpu.memory_space<vmem_shared>> -> memref<64x128xf32, #tpu.memory_space<vmem_shared>>
    %dma_start3A_354 = arith.constant 0 : i32
    %dma_start3A_355 = tpu.memref_slice %arg14[%add3A_351, %dma_start3A_354] : memref<10112x128xf32, #tpu.memory_space<vmem_shared>> -> memref<64x128xf32, #tpu.memory_space<vmem_shared>>
    tpu.enqueue_dma source(%arg13 : memref<64x128xf32, #tpu.memory_space<vmem>>) target(%dma_start3A_355 : memref<64x128xf32, #tpu.memory_space<vmem_shared>>) target_semaphore(%arg18 : memref<!tpu.dma_semaphore, #tpu.memory_space<semaphore_mem>>)
    %add3A_356 = arith.constant 576 : i32
    %add3A_357 = arith.addi %mul3A_301, %add3A_356 : i32
    %dma_start3A_358 = arith.constant 0 : i32
    %dma_start3A_359 = arith.constant 0 : i32
    %dma_start3A_360 = tpu.memref_slice %arg13[%dma_start3A_358, %dma_start3A_359] : memref<64x128xf32, #tpu.memory_space<vmem>> -> memref<56x128xf32, #tpu.memory_space<vmem>>
    %dma_start3A_361 = arith.constant 0 : i32
    %dma_start3A_362 = tpu.memref_slice %arg14[%add3A_357, %dma_start3A_361] : memref<10112x128xf32, #tpu.memory_space<vmem_shared>> -> memref<56x128xf32, #tpu.memory_space<vmem_shared>>
    %dma_start3A_363 = arith.constant 0 : i32
    %dma_start3A_364 = tpu.memref_slice %arg14[%add3A_357, %dma_start3A_363] : memref<10112x128xf32, #tpu.memory_space<vmem_shared>> -> memref<56x128xf32, #tpu.memory_space<vmem_shared>>
    %dma_start3A_365 = arith.constant 0 : i32
    %dma_start3A_366 = arith.constant 0 : i32
    %dma_start3A_367 = tpu.memref_slice %arg13[%dma_start3A_365, %dma_start3A_366] : memref<64x128xf32, #tpu.memory_space<vmem>> -> memref<56x128xf32, #tpu.memory_space<vmem>>
    tpu.enqueue_dma source(%dma_start3A_367 : memref<56x128xf32, #tpu.memory_space<vmem>>) target(%dma_start3A_364 : memref<56x128xf32, #tpu.memory_space<vmem_shared>>) target_semaphore(%arg18 : memref<!tpu.dma_semaphore, #tpu.memory_space<semaphore_mem>>)
    %add3A_368 = arith.constant 0 : i32
    %add3A_369 = arith.addi %mul3A_301, %add3A_368 : i32
    %dma_wait3A = arith.constant 0 : i32
    %dma_wait3A_370 = tpu.memref_slice %arg14[%add3A_369, %dma_wait3A] : memref<10112x128xf32, #tpu.memory_space<vmem_shared>> -> memref<64x128xf32, #tpu.memory_space<vmem_shared>>
    %dma_wait3A_371 = arith.constant 0 : i32
    %dma_wait3A_372 = tpu.memref_slice %arg14[%add3A_369, %dma_wait3A_371] : memref<10112x128xf32, #tpu.memory_space<vmem_shared>> -> memref<64x128xf32, #tpu.memory_space<vmem_shared>>
    tpu.wait_dma2 semaphore(%arg18 : memref<!tpu.dma_semaphore, #tpu.memory_space<semaphore_mem>>) src(%arg13 : memref<64x128xf32, #tpu.memory_space<vmem>>) dst(%dma_wait3A_372 : memref<64x128xf32, #tpu.memory_space<vmem_shared>>)
    %add3A_373 = arith.constant 64 : i32
    %add3A_374 = arith.addi %mul3A_301, %add3A_373 : i32
    %dma_wait3A_375 = arith.constant 0 : i32
    %dma_wait3A_376 = tpu.memref_slice %arg14[%add3A_374, %dma_wait3A_375] : memref<10112x128xf32, #tpu.memory_space<vmem_shared>> -> memref<64x128xf32, #tpu.memory_space<vmem_shared>>
    %dma_wait3A_377 = arith.constant 0 : i32
    %dma_wait3A_378 = tpu.memref_slice %arg14[%add3A_374, %dma_wait3A_377] : memref<10112x128xf32, #tpu.memory_space<vmem_shared>> -> memref<64x128xf32, #tpu.memory_space<vmem_shared>>
    tpu.wait_dma2 semaphore(%arg18 : memref<!tpu.dma_semaphore, #tpu.memory_space<semaphore_mem>>) src(%arg13 : memref<64x128xf32, #tpu.memory_space<vmem>>) dst(%dma_wait3A_378 : memref<64x128xf32, #tpu.memory_space<vmem_shared>>)
    %add3A_379 = arith.constant 128 : i32
    %add3A_380 = arith.addi %mul3A_301, %add3A_379 : i32
    %dma_wait3A_381 = arith.constant 0 : i32
    %dma_wait3A_382 = tpu.memref_slice %arg14[%add3A_380, %dma_wait3A_381] : memref<10112x128xf32, #tpu.memory_space<vmem_shared>> -> memref<64x128xf32, #tpu.memory_space<vmem_shared>>
    %dma_wait3A_383 = arith.constant 0 : i32
    %dma_wait3A_384 = tpu.memref_slice %arg14[%add3A_380, %dma_wait3A_383] : memref<10112x128xf32, #tpu.memory_space<vmem_shared>> -> memref<64x128xf32, #tpu.memory_space<vmem_shared>>
    tpu.wait_dma2 semaphore(%arg18 : memref<!tpu.dma_semaphore, #tpu.memory_space<semaphore_mem>>) src(%arg13 : memref<64x128xf32, #tpu.memory_space<vmem>>) dst(%dma_wait3A_384 : memref<64x128xf32, #tpu.memory_space<vmem_shared>>)
    %add3A_385 = arith.constant 192 : i32
    %add3A_386 = arith.addi %mul3A_301, %add3A_385 : i32
    %dma_wait3A_387 = arith.constant 0 : i32
    %dma_wait3A_388 = tpu.memref_slice %arg14[%add3A_386, %dma_wait3A_387] : memref<10112x128xf32, #tpu.memory_space<vmem_shared>> -> memref<64x128xf32, #tpu.memory_space<vmem_shared>>
    %dma_wait3A_389 = arith.constant 0 : i32
    %dma_wait3A_390 = tpu.memref_slice %arg14[%add3A_386, %dma_wait3A_389] : memref<10112x128xf32, #tpu.memory_space<vmem_shared>> -> memref<64x128xf32, #tpu.memory_space<vmem_shared>>
    tpu.wait_dma2 semaphore(%arg18 : memref<!tpu.dma_semaphore, #tpu.memory_space<semaphore_mem>>) src(%arg13 : memref<64x128xf32, #tpu.memory_space<vmem>>) dst(%dma_wait3A_390 : memref<64x128xf32, #tpu.memory_space<vmem_shared>>)
    %add3A_391 = arith.constant 256 : i32
    %add3A_392 = arith.addi %mul3A_301, %add3A_391 : i32
    %dma_wait3A_393 = arith.constant 0 : i32
    %dma_wait3A_394 = tpu.memref_slice %arg14[%add3A_392, %dma_wait3A_393] : memref<10112x128xf32, #tpu.memory_space<vmem_shared>> -> memref<64x128xf32, #tpu.memory_space<vmem_shared>>
    %dma_wait3A_395 = arith.constant 0 : i32
    %dma_wait3A_396 = tpu.memref_slice %arg14[%add3A_392, %dma_wait3A_395] : memref<10112x128xf32, #tpu.memory_space<vmem_shared>> -> memref<64x128xf32, #tpu.memory_space<vmem_shared>>
    tpu.wait_dma2 semaphore(%arg18 : memref<!tpu.dma_semaphore, #tpu.memory_space<semaphore_mem>>) src(%arg13 : memref<64x128xf32, #tpu.memory_space<vmem>>) dst(%dma_wait3A_396 : memref<64x128xf32, #tpu.memory_space<vmem_shared>>)
    %add3A_397 = arith.constant 320 : i32
    %add3A_398 = arith.addi %mul3A_301, %add3A_397 : i32
    %dma_wait3A_399 = arith.constant 0 : i32
    %dma_wait3A_400 = tpu.memref_slice %arg14[%add3A_398, %dma_wait3A_399] : memref<10112x128xf32, #tpu.memory_space<vmem_shared>> -> memref<64x128xf32, #tpu.memory_space<vmem_shared>>
    %dma_wait3A_401 = arith.constant 0 : i32
    %dma_wait3A_402 = tpu.memref_slice %arg14[%add3A_398, %dma_wait3A_401] : memref<10112x128xf32, #tpu.memory_space<vmem_shared>> -> memref<64x128xf32, #tpu.memory_space<vmem_shared>>
    tpu.wait_dma2 semaphore(%arg18 : memref<!tpu.dma_semaphore, #tpu.memory_space<semaphore_mem>>) src(%arg13 : memref<64x128xf32, #tpu.memory_space<vmem>>) dst(%dma_wait3A_402 : memref<64x128xf32, #tpu.memory_space<vmem_shared>>)
    %add3A_403 = arith.constant 384 : i32
    %add3A_404 = arith.addi %mul3A_301, %add3A_403 : i32
    %dma_wait3A_405 = arith.constant 0 : i32
    %dma_wait3A_406 = tpu.memref_slice %arg14[%add3A_404, %dma_wait3A_405] : memref<10112x128xf32, #tpu.memory_space<vmem_shared>> -> memref<64x128xf32, #tpu.memory_space<vmem_shared>>
    %dma_wait3A_407 = arith.constant 0 : i32
    %dma_wait3A_408 = tpu.memref_slice %arg14[%add3A_404, %dma_wait3A_407] : memref<10112x128xf32, #tpu.memory_space<vmem_shared>> -> memref<64x128xf32, #tpu.memory_space<vmem_shared>>
    tpu.wait_dma2 semaphore(%arg18 : memref<!tpu.dma_semaphore, #tpu.memory_space<semaphore_mem>>) src(%arg13 : memref<64x128xf32, #tpu.memory_space<vmem>>) dst(%dma_wait3A_408 : memref<64x128xf32, #tpu.memory_space<vmem_shared>>)
    %add3A_409 = arith.constant 448 : i32
    %add3A_410 = arith.addi %mul3A_301, %add3A_409 : i32
    %dma_wait3A_411 = arith.constant 0 : i32
    %dma_wait3A_412 = tpu.memref_slice %arg14[%add3A_410, %dma_wait3A_411] : memref<10112x128xf32, #tpu.memory_space<vmem_shared>> -> memref<64x128xf32, #tpu.memory_space<vmem_shared>>
    %dma_wait3A_413 = arith.constant 0 : i32
    %dma_wait3A_414 = tpu.memref_slice %arg14[%add3A_410, %dma_wait3A_413] : memref<10112x128xf32, #tpu.memory_space<vmem_shared>> -> memref<64x128xf32, #tpu.memory_space<vmem_shared>>
    tpu.wait_dma2 semaphore(%arg18 : memref<!tpu.dma_semaphore, #tpu.memory_space<semaphore_mem>>) src(%arg13 : memref<64x128xf32, #tpu.memory_space<vmem>>) dst(%dma_wait3A_414 : memref<64x128xf32, #tpu.memory_space<vmem_shared>>)
    %add3A_415 = arith.constant 512 : i32
    %add3A_416 = arith.addi %mul3A_301, %add3A_415 : i32
    %dma_wait3A_417 = arith.constant 0 : i32
    %dma_wait3A_418 = tpu.memref_slice %arg14[%add3A_416, %dma_wait3A_417] : memref<10112x128xf32, #tpu.memory_space<vmem_shared>> -> memref<64x128xf32, #tpu.memory_space<vmem_shared>>
    %dma_wait3A_419 = arith.constant 0 : i32
    %dma_wait3A_420 = tpu.memref_slice %arg14[%add3A_416, %dma_wait3A_419] : memref<10112x128xf32, #tpu.memory_space<vmem_shared>> -> memref<64x128xf32, #tpu.memory_space<vmem_shared>>
    tpu.wait_dma2 semaphore(%arg18 : memref<!tpu.dma_semaphore, #tpu.memory_space<semaphore_mem>>) src(%arg13 : memref<64x128xf32, #tpu.memory_space<vmem>>) dst(%dma_wait3A_420 : memref<64x128xf32, #tpu.memory_space<vmem_shared>>)
    %add3A_421 = arith.constant 576 : i32
    %add3A_422 = arith.addi %mul3A_301, %add3A_421 : i32
    %dma_wait3A_423 = arith.constant 0 : i32
    %dma_wait3A_424 = arith.constant 0 : i32
    %dma_wait3A_425 = tpu.memref_slice %arg13[%dma_wait3A_423, %dma_wait3A_424] : memref<64x128xf32, #tpu.memory_space<vmem>> -> memref<56x128xf32, #tpu.memory_space<vmem>>
    %dma_wait3A_426 = arith.constant 0 : i32
    %dma_wait3A_427 = tpu.memref_slice %arg14[%add3A_422, %dma_wait3A_426] : memref<10112x128xf32, #tpu.memory_space<vmem_shared>> -> memref<56x128xf32, #tpu.memory_space<vmem_shared>>
    %dma_wait3A_428 = arith.constant 0 : i32
    %dma_wait3A_429 = tpu.memref_slice %arg14[%add3A_422, %dma_wait3A_428] : memref<10112x128xf32, #tpu.memory_space<vmem_shared>> -> memref<56x128xf32, #tpu.memory_space<vmem_shared>>
    %dma_wait3A_430 = arith.constant 0 : i32
    %dma_wait3A_431 = arith.constant 0 : i32
    %dma_wait3A_432 = tpu.memref_slice %arg13[%dma_wait3A_430, %dma_wait3A_431] : memref<64x128xf32, #tpu.memory_space<vmem>> -> memref<56x128xf32, #tpu.memory_space<vmem>>
    tpu.wait_dma2 semaphore(%arg18 : memref<!tpu.dma_semaphore, #tpu.memory_space<semaphore_mem>>) src(%dma_wait3A_432 : memref<56x128xf32, #tpu.memory_space<vmem>>) dst(%dma_wait3A_429 : memref<56x128xf32, #tpu.memory_space<vmem_shared>>)
    %barrier3A = arith.constant 0 : index
    tpu.barrier barrier_id(%barrier3A)
    "tpu.trace_stop"() : () -> ()
    "tpu.trace_start"() <{level = 10 : i32, message = "agg_loop"}> : () -> ()
    %scan3A_433 = arith.constant 0 : i32
    %scan3A_434 = arith.constant 0 : i32
    %scan3A_435 = arith.constant 40 : i32
    %scan3A_436 = arith.addi %scan3A_434, %scan3A_435 : i32
    %scan3A_437 = arith.constant 1 : i32
    %scan3A_438 = scf.for %scan3A_441 = %scan3A_434 to %scan3A_436 step %scan3A_437 iter_args(%scan3A_442 = %scan3A_433) -> (i32)  : i32 {
      %mul3A_443 = arith.constant 4 : i32
      %mul3A_444 = arith.muli %mul3A_443, %scan3A_441 : i32
      %add3A_445 = arith.constant 3 : i32
      %add3A_446 = arith.addi %mul3A_444, %add3A_445 : i32
      %jit3A = arith.constant 2 : i32
      %div3A = arith.divsi %add3A_446, %jit3A : i32
      %sign3A = arith.constant 0 : i32
      %sign3A_447 = arith.cmpi sgt, %add3A_446, %sign3A : i32
      %sign3A_448 = arith.extui %sign3A_447 : i1 to i32
      %sign3A_449 = arith.constant 0 : i32
      %sign3A_450 = arith.cmpi slt, %add3A_446, %sign3A_449 : i32
      %sign3A_451 = arith.extui %sign3A_450 : i1 to i32
      %sign3A_452 = arith.subi %sign3A_448, %sign3A_451 : i32
      %sign3A_453 = arith.constant 0 : i32
      %sign3A_454 = arith.cmpi sgt, %jit3A, %sign3A_453 : i32
      %sign3A_455 = arith.extui %sign3A_454 : i1 to i32
      %sign3A_456 = arith.constant 0 : i32
      %sign3A_457 = arith.cmpi slt, %jit3A, %sign3A_456 : i32
      %sign3A_458 = arith.extui %sign3A_457 : i1 to i32
      %sign3A_459 = arith.subi %sign3A_455, %sign3A_458 : i32
      %ne3A = arith.cmpi ne, %sign3A_452, %sign3A_459 : i32
      %rem3A = arith.remsi %add3A_446, %jit3A : i32
      %ne3A_460 = arith.constant 0 : i32
      %ne3A_461 = arith.cmpi ne, %rem3A, %ne3A_460 : i32
      %and3A_462 = arith.andi %ne3A, %ne3A_461 : i1
      %sub3A = arith.constant 1 : i32
      %sub3A_463 = arith.subi %div3A, %sub3A : i32
      %select_n3A = arith.select %and3A_462, %sub3A_463, %div3A : i32
      %jit3A_464 = arith.constant 2 : i32
      %eq3A = arith.constant 0 : i32
      %eq3A_465 = arith.cmpi eq, %jit3A_464, %eq3A : i32
      %jit3A_466 = arith.constant 1 : i32
      %select_n3A_467 = arith.select %eq3A_465, %jit3A_466, %jit3A_464 : i32
      %rem3A_468 = arith.remsi %add3A_446, %select_n3A_467 : i32
      %ne3A_469 = arith.constant 0 : i32
      %ne3A_470 = arith.cmpi ne, %rem3A_468, %ne3A_469 : i32
      %lt3A = arith.constant 0 : i32
      %lt3A_471 = arith.cmpi slt, %rem3A_468, %lt3A : i32
      %lt3A_472 = arith.constant 0 : i32
      %lt3A_473 = arith.cmpi slt, %select_n3A_467, %lt3A_472 : i32
      %ne3A_474 = arith.xori %lt3A_471, %lt3A_473 : i1
      %and3A_475 = arith.andi %ne3A_474, %ne3A_470 : i1
      %add3A_476 = arith.addi %rem3A_468, %select_n3A_467 : i32
      %select_n3A_477 = arith.select %and3A_475, %add3A_476, %rem3A_468 : i32
      %mul3A_478 = arith.constant 64 : i32
      %mul3A_479 = arith.muli %select_n3A_477, %mul3A_478 : i32
      %add3A_480 = arith.constant 0 : i32
      %add3A_481 = arith.addi %mul3A_479, %add3A_480 : i32
      %get3A_482 = arith.index_cast %select_n3A : i32 to index
      %get3A_483 = arith.index_cast %add3A_481 : i32 to index
      %get3A_484 = tpu.vector_load %arg5[%get3A_482, %get3A_483] {strides = array<i32>} : memref<80x128xi32, #tpu.memory_space<vmem>>, vector<1x16xi32>,
      %get3A_485 = vector.shape_cast %get3A_484 : vector<1x16xi32> to vector<16xi32>
      %and3A_486 = arith.constant 65535 : i32
      %and3A_487 = vector.broadcast %and3A_486 : i32 to vector<16xi32>
      %and3A_488 = arith.andi %get3A_485, %and3A_487 : vector<16xi32>
      %swap3A_489 = arith.constant 0 : i32
      %swap3A_490 = arith.index_cast %swap3A_489 : i32 to index
      %swap3A_491 = arith.constant 0 : index
      %swap3A_492 = tpu.vector_load %arg9[%swap3A_490, %swap3A_491] {strides = array<i32>} : memref<2x64xi32, #tpu.memory_space<vmem>>, vector<1x16xi32>,
      %swap3A_493 = vector.shape_cast %swap3A_492 : vector<1x16xi32> to vector<16xi32>
      %swap3A_494 = vector.shape_cast %and3A_488 : vector<16xi32> to vector<1x16xi32>
      tpu.vector_store %arg9[%swap3A_490, %swap3A_491], %swap3A_494 {strides = array<i32>} : memref<2x64xi32, #tpu.memory_space<vmem>>, vector<1x16xi32>,
      %shift_right_logical3A_495 = arith.constant 16 : i32
      %shift_right_logical3A_496 = vector.broadcast %shift_right_logical3A_495 : i32 to vector<16xi32>
      %shift_right_logical3A_497 = arith.shrui %get3A_485, %shift_right_logical3A_496 : vector<16xi32>
      %swap3A_498 = arith.constant 1 : i32
      %swap3A_499 = arith.index_cast %swap3A_498 : i32 to index
      %swap3A_500 = arith.constant 0 : index
      %swap3A_501 = tpu.vector_load %arg9[%swap3A_499, %swap3A_500] {strides = array<i32>} : memref<2x64xi32, #tpu.memory_space<vmem>>, vector<1x16xi32>,
      %swap3A_502 = vector.shape_cast %swap3A_501 : vector<1x16xi32> to vector<16xi32>
      %swap3A_503 = vector.shape_cast %shift_right_logical3A_497 : vector<16xi32> to vector<1x16xi32>
      tpu.vector_store %arg9[%swap3A_499, %swap3A_500], %swap3A_503 {strides = array<i32>} : memref<2x64xi32, #tpu.memory_space<vmem>>, vector<1x16xi32>,
      %add3A_504 = arith.constant 16 : i32
      %add3A_505 = arith.addi %mul3A_479, %add3A_504 : i32
      %get3A_506 = arith.index_cast %select_n3A : i32 to index
      %get3A_507 = arith.index_cast %add3A_505 : i32 to index
      %get3A_508 = tpu.vector_load %arg5[%get3A_506, %get3A_507] {strides = array<i32>} : memref<80x128xi32, #tpu.memory_space<vmem>>, vector<1x16xi32>,
      %get3A_509 = vector.shape_cast %get3A_508 : vector<1x16xi32> to vector<16xi32>
      %and3A_510 = arith.constant 65535 : i32
      %and3A_511 = vector.broadcast %and3A_510 : i32 to vector<16xi32>
      %and3A_512 = arith.andi %get3A_509, %and3A_511 : vector<16xi32>
      %swap3A_513 = arith.constant 0 : i32
      %swap3A_514 = arith.index_cast %swap3A_513 : i32 to index
      %swap3A_515 = arith.constant 16 : index
      %swap3A_516 = tpu.vector_load %arg9[%swap3A_514, %swap3A_515] {strides = array<i32>} : memref<2x64xi32, #tpu.memory_space<vmem>>, vector<1x16xi32>,
      %swap3A_517 = vector.shape_cast %swap3A_516 : vector<1x16xi32> to vector<16xi32>
      %swap3A_518 = vector.shape_cast %and3A_512 : vector<16xi32> to vector<1x16xi32>
      tpu.vector_store %arg9[%swap3A_514, %swap3A_515], %swap3A_518 {strides = array<i32>} : memref<2x64xi32, #tpu.memory_space<vmem>>, vector<1x16xi32>,
      %shift_right_logical3A_519 = arith.constant 16 : i32
      %shift_right_logical3A_520 = vector.broadcast %shift_right_logical3A_519 : i32 to vector<16xi32>
      %shift_right_logical3A_521 = arith.shrui %get3A_509, %shift_right_logical3A_520 : vector<16xi32>
      %swap3A_522 = arith.constant 1 : i32
      %swap3A_523 = arith.index_cast %swap3A_522 : i32 to index
      %swap3A_524 = arith.constant 16 : index
      %swap3A_525 = tpu.vector_load %arg9[%swap3A_523, %swap3A_524] {strides = array<i32>} : memref<2x64xi32, #tpu.memory_space<vmem>>, vector<1x16xi32>,
      %swap3A_526 = vector.shape_cast %swap3A_525 : vector<1x16xi32> to vector<16xi32>
      %swap3A_527 = vector.shape_cast %shift_right_logical3A_521 : vector<16xi32> to vector<1x16xi32>
      tpu.vector_store %arg9[%swap3A_523, %swap3A_524], %swap3A_527 {strides = array<i32>} : memref<2x64xi32, #tpu.memory_space<vmem>>, vector<1x16xi32>,
      %add3A_528 = arith.constant 32 : i32
      %add3A_529 = arith.addi %mul3A_479, %add3A_528 : i32
      %get3A_530 = arith.index_cast %select_n3A : i32 to index
      %get3A_531 = arith.index_cast %add3A_529 : i32 to index
      %get3A_532 = tpu.vector_load %arg5[%get3A_530, %get3A_531] {strides = array<i32>} : memref<80x128xi32, #tpu.memory_space<vmem>>, vector<1x16xi32>,
      %get3A_533 = vector.shape_cast %get3A_532 : vector<1x16xi32> to vector<16xi32>
      %and3A_534 = arith.constant 65535 : i32
      %and3A_535 = vector.broadcast %and3A_534 : i32 to vector<16xi32>
      %and3A_536 = arith.andi %get3A_533, %and3A_535 : vector<16xi32>
      %swap3A_537 = arith.constant 0 : i32
      %swap3A_538 = arith.index_cast %swap3A_537 : i32 to index
      %swap3A_539 = arith.constant 32 : index
      %swap3A_540 = tpu.vector_load %arg9[%swap3A_538, %swap3A_539] {strides = array<i32>} : memref<2x64xi32, #tpu.memory_space<vmem>>, vector<1x16xi32>,
      %swap3A_541 = vector.shape_cast %swap3A_540 : vector<1x16xi32> to vector<16xi32>
      %swap3A_542 = vector.shape_cast %and3A_536 : vector<16xi32> to vector<1x16xi32>
      tpu.vector_store %arg9[%swap3A_538, %swap3A_539], %swap3A_542 {strides = array<i32>} : memref<2x64xi32, #tpu.memory_space<vmem>>, vector<1x16xi32>,
      %shift_right_logical3A_543 = arith.constant 16 : i32
      %shift_right_logical3A_544 = vector.broadcast %shift_right_logical3A_543 : i32 to vector<16xi32>
      %shift_right_logical3A_545 = arith.shrui %get3A_533, %shift_right_logical3A_544 : vector<16xi32>
      %swap3A_546 = arith.constant 1 : i32
      %swap3A_547 = arith.index_cast %swap3A_546 : i32 to index
      %swap3A_548 = arith.constant 32 : index
      %swap3A_549 = tpu.vector_load %arg9[%swap3A_547, %swap3A_548] {strides = array<i32>} : memref<2x64xi32, #tpu.memory_space<vmem>>, vector<1x16xi32>,
      %swap3A_550 = vector.shape_cast %swap3A_549 : vector<1x16xi32> to vector<16xi32>
      %swap3A_551 = vector.shape_cast %shift_right_logical3A_545 : vector<16xi32> to vector<1x16xi32>
      tpu.vector_store %arg9[%swap3A_547, %swap3A_548], %swap3A_551 {strides = array<i32>} : memref<2x64xi32, #tpu.memory_space<vmem>>, vector<1x16xi32>,
      %add3A_552 = arith.constant 48 : i32
      %add3A_553 = arith.addi %mul3A_479, %add3A_552 : i32
      %get3A_554 = arith.index_cast %select_n3A : i32 to index
      %get3A_555 = arith.index_cast %add3A_553 : i32 to index
      %get3A_556 = tpu.vector_load %arg5[%get3A_554, %get3A_555] {strides = array<i32>} : memref<80x128xi32, #tpu.memory_space<vmem>>, vector<1x16xi32>,
      %get3A_557 = vector.shape_cast %get3A_556 : vector<1x16xi32> to vector<16xi32>
      %and3A_558 = arith.constant 65535 : i32
      %and3A_559 = vector.broadcast %and3A_558 : i32 to vector<16xi32>
      %and3A_560 = arith.andi %get3A_557, %and3A_559 : vector<16xi32>
      %swap3A_561 = arith.constant 0 : i32
      %swap3A_562 = arith.index_cast %swap3A_561 : i32 to index
      %swap3A_563 = arith.constant 48 : index
      %swap3A_564 = tpu.vector_load %arg9[%swap3A_562, %swap3A_563] {strides = array<i32>} : memref<2x64xi32, #tpu.memory_space<vmem>>, vector<1x16xi32>,
      %swap3A_565 = vector.shape_cast %swap3A_564 : vector<1x16xi32> to vector<16xi32>
      %swap3A_566 = vector.shape_cast %and3A_560 : vector<16xi32> to vector<1x16xi32>
      tpu.vector_store %arg9[%swap3A_562, %swap3A_563], %swap3A_566 {strides = array<i32>} : memref<2x64xi32, #tpu.memory_space<vmem>>, vector<1x16xi32>,
      %shift_right_logical3A_567 = arith.constant 16 : i32
      %shift_right_logical3A_568 = vector.broadcast %shift_right_logical3A_567 : i32 to vector<16xi32>
      %shift_right_logical3A_569 = arith.shrui %get3A_557, %shift_right_logical3A_568 : vector<16xi32>
      %swap3A_570 = arith.constant 1 : i32
      %swap3A_571 = arith.index_cast %swap3A_570 : i32 to index
      %swap3A_572 = arith.constant 48 : index
      %swap3A_573 = tpu.vector_load %arg9[%swap3A_571, %swap3A_572] {strides = array<i32>} : memref<2x64xi32, #tpu.memory_space<vmem>>, vector<1x16xi32>,
      %swap3A_574 = vector.shape_cast %swap3A_573 : vector<1x16xi32> to vector<16xi32>
      %swap3A_575 = vector.shape_cast %shift_right_logical3A_569 : vector<16xi32> to vector<1x16xi32>
      tpu.vector_store %arg9[%swap3A_571, %swap3A_572], %swap3A_575 {strides = array<i32>} : memref<2x64xi32, #tpu.memory_space<vmem>>, vector<1x16xi32>,
      %dma_start3A_576 = arith.constant 0 : i32
      %dma_start3A_577 = arith.constant 0 : i32
      %dma_start3A_578 = tpu.memref_slice %arg9[%dma_start3A_576, %dma_start3A_577] : memref<2x64xi32, #tpu.memory_space<vmem>> -> memref<1x64xi32, #tpu.memory_space<vmem>>
      %dma_start3A_579 = tpu.memref_squeeze %dma_start3A_578 : memref<1x64xi32, #tpu.memory_space<vmem>> -> memref<64xi32, #tpu.memory_space<vmem>>
      %dma_start3A_580 = arith.constant 0 : i32
      %dma_start3A_581 = arith.constant 0 : i32
      %dma_start3A_582 = tpu.memref_slice %arg2[%dma_start3A_580, %dma_start3A_581] : memref<10000x128xf32, #tpu.memory_space<hbm>> -> memref<10000x128xf32, #tpu.memory_space<hbm>>
      tpu.enqueue_indirect_dma source(%dma_start3A_582 : memref<10000x128xf32, #tpu.memory_space<hbm>>) target(%arg13 : memref<64x128xf32, #tpu.memory_space<vmem>>) offsets(%dma_start3A_579 : memref<64xi32, #tpu.memory_space<vmem>>) semaphore(%arg18 : memref<!tpu.dma_semaphore, #tpu.memory_space<semaphore_mem>>)
      %dma_wait3A_583 = arith.constant 0 : i32
      %dma_wait3A_584 = arith.constant 0 : i32
      %dma_wait3A_585 = tpu.memref_slice %arg6[%dma_wait3A_583, %dma_wait3A_584] : memref<2x64xi32, #tpu.memory_space<vmem>> -> memref<1x64xi32, #tpu.memory_space<vmem>>
      %dma_wait3A_586 = tpu.memref_squeeze %dma_wait3A_585 : memref<1x64xi32, #tpu.memory_space<vmem>> -> memref<64xi32, #tpu.memory_space<vmem>>
      %dma_wait3A_587 = arith.constant 0 : i32
      %dma_wait3A_588 = arith.constant 0 : i32
      %dma_wait3A_589 = tpu.memref_slice %arg2[%dma_wait3A_587, %dma_wait3A_588] : memref<10000x128xf32, #tpu.memory_space<hbm>> -> memref<10000x128xf32, #tpu.memory_space<hbm>>
      tpu.wait_indirect_dma semaphore(%arg15 : memref<!tpu.dma_semaphore, #tpu.memory_space<semaphore_mem>>) src(%dma_wait3A_589 : memref<10000x128xf32, #tpu.memory_space<hbm>>) dst(%arg10 : memref<64x128xf32, #tpu.memory_space<vmem>>)
      %run_scoped3A = arith.constant 1 : i32
      "tpu.region"() ({
        %run_scoped3A_640 = tpu.sem_alloc : memref<!tpu.dma_semaphore, #tpu.memory_space<semaphore_mem>>
        %dma_start3A_641 = arith.constant 0 : i32
        %dma_start3A_642 = tpu.memref_slice %arg6[%run_scoped3A, %dma_start3A_641] : memref<2x64xi32, #tpu.memory_space<vmem>> -> memref<1x64xi32, #tpu.memory_space<vmem>>
        %dma_start3A_643 = tpu.memref_squeeze %dma_start3A_642 : memref<1x64xi32, #tpu.memory_space<vmem>> -> memref<64xi32, #tpu.memory_space<vmem>>
        %dma_start3A_644 = arith.constant 0 : i32
        %dma_start3A_645 = arith.constant 0 : i32
        %dma_start3A_646 = tpu.memref_slice %arg14[%dma_start3A_644, %dma_start3A_645] : memref<10112x128xf32, #tpu.memory_space<vmem_shared>> -> memref<10112x128xf32, #tpu.memory_space<vmem_shared>>
        tpu.enqueue_indirect_dma source(%arg10 : memref<64x128xf32, #tpu.memory_space<vmem>>) target(%dma_start3A_646 : memref<10112x128xf32, #tpu.memory_space<vmem_shared>>) offsets(%dma_start3A_643 : memref<64xi32, #tpu.memory_space<vmem>>) semaphore(%run_scoped3A_640 : memref<!tpu.dma_semaphore, #tpu.memory_space<semaphore_mem>>) {add = true}
        %dma_wait3A_647 = arith.constant 0 : i32
        %dma_wait3A_648 = tpu.memref_slice %arg6[%run_scoped3A, %dma_wait3A_647] : memref<2x64xi32, #tpu.memory_space<vmem>> -> memref<1x64xi32, #tpu.memory_space<vmem>>
        %dma_wait3A_649 = tpu.memref_squeeze %dma_wait3A_648 : memref<1x64xi32, #tpu.memory_space<vmem>> -> memref<64xi32, #tpu.memory_space<vmem>>
        %dma_wait3A_650 = arith.constant 0 : i32
        %dma_wait3A_651 = arith.constant 0 : i32
        %dma_wait3A_652 = tpu.memref_slice %arg14[%dma_wait3A_650, %dma_wait3A_651] : memref<10112x128xf32, #tpu.memory_space<vmem_shared>> -> memref<10112x128xf32, #tpu.memory_space<vmem_shared>>
        tpu.wait_indirect_dma semaphore(%run_scoped3A_640 : memref<!tpu.dma_semaphore, #tpu.memory_space<semaphore_mem>>) src(%arg10 : memref<64x128xf32, #tpu.memory_space<vmem>>) dst(%dma_wait3A_652 : memref<10112x128xf32, #tpu.memory_space<vmem_shared>>)
        tpu.yield
      }) : () -> ()
      %add3A_590 = arith.constant 4 : i32
      %add3A_591 = arith.addi %mul3A_444, %add3A_590 : i32
      %lt3A_592 = arith.constant 160 : i32
      %lt3A_593 = arith.cmpi slt, %add3A_591, %lt3A_592 : i32
      %convert_element_type3A = arith.extui %lt3A_593 : i1 to i32
      %cond3A = arith.constant 0 : i32
      %cond3A_594 = arith.cmpi ne, %convert_element_type3A, %cond3A : i32
      scf.if %cond3A_594 {
        %add3A_640 = arith.constant 4 : i32
        %add3A_641 = arith.addi %mul3A_444, %add3A_640 : i32
        %jit3A_642 = arith.constant 2 : i32
        %div3A_643 = arith.divsi %add3A_641, %jit3A_642 : i32
        %sign3A_644 = arith.constant 0 : i32
        %sign3A_645 = arith.cmpi sgt, %add3A_641, %sign3A_644 : i32
        %sign3A_646 = arith.extui %sign3A_645 : i1 to i32
        %sign3A_647 = arith.constant 0 : i32
        %sign3A_648 = arith.cmpi slt, %add3A_641, %sign3A_647 : i32
        %sign3A_649 = arith.extui %sign3A_648 : i1 to i32
        %sign3A_650 = arith.subi %sign3A_646, %sign3A_649 : i32
        %sign3A_651 = arith.constant 0 : i32
        %sign3A_652 = arith.cmpi sgt, %jit3A_642, %sign3A_651 : i32
        %sign3A_653 = arith.extui %sign3A_652 : i1 to i32
        %sign3A_654 = arith.constant 0 : i32
        %sign3A_655 = arith.cmpi slt, %jit3A_642, %sign3A_654 : i32
        %sign3A_656 = arith.extui %sign3A_655 : i1 to i32
        %sign3A_657 = arith.subi %sign3A_653, %sign3A_656 : i32
        %ne3A_658 = arith.cmpi ne, %sign3A_650, %sign3A_657 : i32
        %rem3A_659 = arith.remsi %add3A_641, %jit3A_642 : i32
        %ne3A_660 = arith.constant 0 : i32
        %ne3A_661 = arith.cmpi ne, %rem3A_659, %ne3A_660 : i32
        %and3A_662 = arith.andi %ne3A_658, %ne3A_661 : i1
        %sub3A_663 = arith.constant 1 : i32
        %sub3A_664 = arith.subi %div3A_643, %sub3A_663 : i32
        %select_n3A_665 = arith.select %and3A_662, %sub3A_664, %div3A_643 : i32
        %jit3A_666 = arith.constant 2 : i32
        %eq3A_667 = arith.constant 0 : i32
        %eq3A_668 = arith.cmpi eq, %jit3A_666, %eq3A_667 : i32
        %jit3A_669 = arith.constant 1 : i32
        %select_n3A_670 = arith.select %eq3A_668, %jit3A_669, %jit3A_666 : i32
        %rem3A_671 = arith.remsi %add3A_641, %select_n3A_670 : i32
        %ne3A_672 = arith.constant 0 : i32
        %ne3A_673 = arith.cmpi ne, %rem3A_671, %ne3A_672 : i32
        %lt3A_674 = arith.constant 0 : i32
        %lt3A_675 = arith.cmpi slt, %rem3A_671, %lt3A_674 : i32
        %lt3A_676 = arith.constant 0 : i32
        %lt3A_677 = arith.cmpi slt, %select_n3A_670, %lt3A_676 : i32
        %ne3A_678 = arith.xori %lt3A_675, %lt3A_677 : i1
        %and3A_679 = arith.andi %ne3A_678, %ne3A_673 : i1
        %add3A_680 = arith.addi %rem3A_671, %select_n3A_670 : i32
        %select_n3A_681 = arith.select %and3A_679, %add3A_680, %rem3A_671 : i32
        %mul3A_682 = arith.constant 64 : i32
        %mul3A_683 = arith.muli %select_n3A_681, %mul3A_682 : i32
        %add3A_684 = arith.constant 0 : i32
        %add3A_685 = arith.addi %mul3A_683, %add3A_684 : i32
        %get3A_686 = arith.index_cast %select_n3A_665 : i32 to index
        %get3A_687 = arith.index_cast %add3A_685 : i32 to index
        %get3A_688 = tpu.vector_load %arg5[%get3A_686, %get3A_687] {strides = array<i32>} : memref<80x128xi32, #tpu.memory_space<vmem>>, vector<1x16xi32>,
        %get3A_689 = vector.shape_cast %get3A_688 : vector<1x16xi32> to vector<16xi32>
        %and3A_690 = arith.constant 65535 : i32
        %and3A_691 = vector.broadcast %and3A_690 : i32 to vector<16xi32>
        %and3A_692 = arith.andi %get3A_689, %and3A_691 : vector<16xi32>
        %swap3A_693 = arith.constant 0 : i32
        %swap3A_694 = arith.index_cast %swap3A_693 : i32 to index
        %swap3A_695 = arith.constant 0 : index
        %swap3A_696 = tpu.vector_load %arg6[%swap3A_694, %swap3A_695] {strides = array<i32>} : memref<2x64xi32, #tpu.memory_space<vmem>>, vector<1x16xi32>,
        %swap3A_697 = vector.shape_cast %swap3A_696 : vector<1x16xi32> to vector<16xi32>
        %swap3A_698 = vector.shape_cast %and3A_692 : vector<16xi32> to vector<1x16xi32>
        tpu.vector_store %arg6[%swap3A_694, %swap3A_695], %swap3A_698 {strides = array<i32>} : memref<2x64xi32, #tpu.memory_space<vmem>>, vector<1x16xi32>,
        %shift_right_logical3A_699 = arith.constant 16 : i32
        %shift_right_logical3A_700 = vector.broadcast %shift_right_logical3A_699 : i32 to vector<16xi32>
        %shift_right_logical3A_701 = arith.shrui %get3A_689, %shift_right_logical3A_700 : vector<16xi32>
        %swap3A_702 = arith.constant 1 : i32
        %swap3A_703 = arith.index_cast %swap3A_702 : i32 to index
        %swap3A_704 = arith.constant 0 : index
        %swap3A_705 = tpu.vector_load %arg6[%swap3A_703, %swap3A_704] {strides = array<i32>} : memref<2x64xi32, #tpu.memory_space<vmem>>, vector<1x16xi32>,
        %swap3A_706 = vector.shape_cast %swap3A_705 : vector<1x16xi32> to vector<16xi32>
        %swap3A_707 = vector.shape_cast %shift_right_logical3A_701 : vector<16xi32> to vector<1x16xi32>
        tpu.vector_store %arg6[%swap3A_703, %swap3A_704], %swap3A_707 {strides = array<i32>} : memref<2x64xi32, #tpu.memory_space<vmem>>, vector<1x16xi32>,
        %add3A_708 = arith.constant 16 : i32
        %add3A_709 = arith.addi %mul3A_683, %add3A_708 : i32
        %get3A_710 = arith.index_cast %select_n3A_665 : i32 to index
        %get3A_711 = arith.index_cast %add3A_709 : i32 to index
        %get3A_712 = tpu.vector_load %arg5[%get3A_710, %get3A_711] {strides = array<i32>} : memref<80x128xi32, #tpu.memory_space<vmem>>, vector<1x16xi32>,
        %get3A_713 = vector.shape_cast %get3A_712 : vector<1x16xi32> to vector<16xi32>
        %and3A_714 = arith.constant 65535 : i32
        %and3A_715 = vector.broadcast %and3A_714 : i32 to vector<16xi32>
        %and3A_716 = arith.andi %get3A_713, %and3A_715 : vector<16xi32>
        %swap3A_717 = arith.constant 0 : i32
        %swap3A_718 = arith.index_cast %swap3A_717 : i32 to index
        %swap3A_719 = arith.constant 16 : index
        %swap3A_720 = tpu.vector_load %arg6[%swap3A_718, %swap3A_719] {strides = array<i32>} : memref<2x64xi32, #tpu.memory_space<vmem>>, vector<1x16xi32>,
        %swap3A_721 = vector.shape_cast %swap3A_720 : vector<1x16xi32> to vector<16xi32>
        %swap3A_722 = vector.shape_cast %and3A_716 : vector<16xi32> to vector<1x16xi32>
        tpu.vector_store %arg6[%swap3A_718, %swap3A_719], %swap3A_722 {strides = array<i32>} : memref<2x64xi32, #tpu.memory_space<vmem>>, vector<1x16xi32>,
        %shift_right_logical3A_723 = arith.constant 16 : i32
        %shift_right_logical3A_724 = vector.broadcast %shift_right_logical3A_723 : i32 to vector<16xi32>
        %shift_right_logical3A_725 = arith.shrui %get3A_713, %shift_right_logical3A_724 : vector<16xi32>
        %swap3A_726 = arith.constant 1 : i32
        %swap3A_727 = arith.index_cast %swap3A_726 : i32 to index
        %swap3A_728 = arith.constant 16 : index
        %swap3A_729 = tpu.vector_load %arg6[%swap3A_727, %swap3A_728] {strides = array<i32>} : memref<2x64xi32, #tpu.memory_space<vmem>>, vector<1x16xi32>,
        %swap3A_730 = vector.shape_cast %swap3A_729 : vector<1x16xi32> to vector<16xi32>
        %swap3A_731 = vector.shape_cast %shift_right_logical3A_725 : vector<16xi32> to vector<1x16xi32>
        tpu.vector_store %arg6[%swap3A_727, %swap3A_728], %swap3A_731 {strides = array<i32>} : memref<2x64xi32, #tpu.memory_space<vmem>>, vector<1x16xi32>,
        %add3A_732 = arith.constant 32 : i32
        %add3A_733 = arith.addi %mul3A_683, %add3A_732 : i32
        %get3A_734 = arith.index_cast %select_n3A_665 : i32 to index
        %get3A_735 = arith.index_cast %add3A_733 : i32 to index
        %get3A_736 = tpu.vector_load %arg5[%get3A_734, %get3A_735] {strides = array<i32>} : memref<80x128xi32, #tpu.memory_space<vmem>>, vector<1x16xi32>,
        %get3A_737 = vector.shape_cast %get3A_736 : vector<1x16xi32> to vector<16xi32>
        %and3A_738 = arith.constant 65535 : i32
        %and3A_739 = vector.broadcast %and3A_738 : i32 to vector<16xi32>
        %and3A_740 = arith.andi %get3A_737, %and3A_739 : vector<16xi32>
        %swap3A_741 = arith.constant 0 : i32
        %swap3A_742 = arith.index_cast %swap3A_741 : i32 to index
        %swap3A_743 = arith.constant 32 : index
        %swap3A_744 = tpu.vector_load %arg6[%swap3A_742, %swap3A_743] {strides = array<i32>} : memref<2x64xi32, #tpu.memory_space<vmem>>, vector<1x16xi32>,
        %swap3A_745 = vector.shape_cast %swap3A_744 : vector<1x16xi32> to vector<16xi32>
        %swap3A_746 = vector.shape_cast %and3A_740 : vector<16xi32> to vector<1x16xi32>
        tpu.vector_store %arg6[%swap3A_742, %swap3A_743], %swap3A_746 {strides = array<i32>} : memref<2x64xi32, #tpu.memory_space<vmem>>, vector<1x16xi32>,
        %shift_right_logical3A_747 = arith.constant 16 : i32
        %shift_right_logical3A_748 = vector.broadcast %shift_right_logical3A_747 : i32 to vector<16xi32>
        %shift_right_logical3A_749 = arith.shrui %get3A_737, %shift_right_logical3A_748 : vector<16xi32>
        %swap3A_750 = arith.constant 1 : i32
        %swap3A_751 = arith.index_cast %swap3A_750 : i32 to index
        %swap3A_752 = arith.constant 32 : index
        %swap3A_753 = tpu.vector_load %arg6[%swap3A_751, %swap3A_752] {strides = array<i32>} : memref<2x64xi32, #tpu.memory_space<vmem>>, vector<1x16xi32>,
        %swap3A_754 = vector.shape_cast %swap3A_753 : vector<1x16xi32> to vector<16xi32>
        %swap3A_755 = vector.shape_cast %shift_right_logical3A_749 : vector<16xi32> to vector<1x16xi32>
        tpu.vector_store %arg6[%swap3A_751, %swap3A_752], %swap3A_755 {strides = array<i32>} : memref<2x64xi32, #tpu.memory_space<vmem>>, vector<1x16xi32>,
        %add3A_756 = arith.constant 48 : i32
        %add3A_757 = arith.addi %mul3A_683, %add3A_756 : i32
        %get3A_758 = arith.index_cast %select_n3A_665 : i32 to index
        %get3A_759 = arith.index_cast %add3A_757 : i32 to index
        %get3A_760 = tpu.vector_load %arg5[%get3A_758, %get3A_759] {strides = array<i32>} : memref<80x128xi32, #tpu.memory_space<vmem>>, vector<1x16xi32>,
        %get3A_761 = vector.shape_cast %get3A_760 : vector<1x16xi32> to vector<16xi32>
        %and3A_762 = arith.constant 65535 : i32
        %and3A_763 = vector.broadcast %and3A_762 : i32 to vector<16xi32>
        %and3A_764 = arith.andi %get3A_761, %and3A_763 : vector<16xi32>
        %swap3A_765 = arith.constant 0 : i32
        %swap3A_766 = arith.index_cast %swap3A_765 : i32 to index
        %swap3A_767 = arith.constant 48 : index
        %swap3A_768 = tpu.vector_load %arg6[%swap3A_766, %swap3A_767] {strides = array<i32>} : memref<2x64xi32, #tpu.memory_space<vmem>>, vector<1x16xi32>,
        %swap3A_769 = vector.shape_cast %swap3A_768 : vector<1x16xi32> to vector<16xi32>
        %swap3A_770 = vector.shape_cast %and3A_764 : vector<16xi32> to vector<1x16xi32>
        tpu.vector_store %arg6[%swap3A_766, %swap3A_767], %swap3A_770 {strides = array<i32>} : memref<2x64xi32, #tpu.memory_space<vmem>>, vector<1x16xi32>,
        %shift_right_logical3A_771 = arith.constant 16 : i32
        %shift_right_logical3A_772 = vector.broadcast %shift_right_logical3A_771 : i32 to vector<16xi32>
        %shift_right_logical3A_773 = arith.shrui %get3A_761, %shift_right_logical3A_772 : vector<16xi32>
        %swap3A_774 = arith.constant 1 : i32
        %swap3A_775 = arith.index_cast %swap3A_774 : i32 to index
        %swap3A_776 = arith.constant 48 : index
        %swap3A_777 = tpu.vector_load %arg6[%swap3A_775, %swap3A_776] {strides = array<i32>} : memref<2x64xi32, #tpu.memory_space<vmem>>, vector<1x16xi32>,
        %swap3A_778 = vector.shape_cast %swap3A_777 : vector<1x16xi32> to vector<16xi32>
        %swap3A_779 = vector.shape_cast %shift_right_logical3A_773 : vector<16xi32> to vector<1x16xi32>
        tpu.vector_store %arg6[%swap3A_775, %swap3A_776], %swap3A_779 {strides = array<i32>} : memref<2x64xi32, #tpu.memory_space<vmem>>, vector<1x16xi32>,
        %dma_start3A_780 = arith.constant 0 : i32
        %dma_start3A_781 = arith.constant 0 : i32
        %dma_start3A_782 = tpu.memref_slice %arg6[%dma_start3A_780, %dma_start3A_781] : memref<2x64xi32, #tpu.memory_space<vmem>> -> memref<1x64xi32, #tpu.memory_space<vmem>>
        %dma_start3A_783 = tpu.memref_squeeze %dma_start3A_782 : memref<1x64xi32, #tpu.memory_space<vmem>> -> memref<64xi32, #tpu.memory_space<vmem>>
        %dma_start3A_784 = arith.constant 0 : i32
        %dma_start3A_785 = arith.constant 0 : i32
        %dma_start3A_786 = tpu.memref_slice %arg2[%dma_start3A_784, %dma_start3A_785] : memref<10000x128xf32, #tpu.memory_space<hbm>> -> memref<10000x128xf32, #tpu.memory_space<hbm>>
        tpu.enqueue_indirect_dma source(%dma_start3A_786 : memref<10000x128xf32, #tpu.memory_space<hbm>>) target(%arg10 : memref<64x128xf32, #tpu.memory_space<vmem>>) offsets(%dma_start3A_783 : memref<64xi32, #tpu.memory_space<vmem>>) semaphore(%arg15 : memref<!tpu.dma_semaphore, #tpu.memory_space<semaphore_mem>>)
      } else {
      }
      %add3A_595 = arith.constant 1 : i32
      %add3A_596 = arith.addi %mul3A_444, %add3A_595 : i32
      %dma_wait3A_597 = arith.constant 0 : i32
      %dma_wait3A_598 = arith.constant 0 : i32
      %dma_wait3A_599 = tpu.memref_slice %arg7[%dma_wait3A_597, %dma_wait3A_598] : memref<2x64xi32, #tpu.memory_space<vmem>> -> memref<1x64xi32, #tpu.memory_space<vmem>>
      %dma_wait3A_600 = tpu.memref_squeeze %dma_wait3A_599 : memref<1x64xi32, #tpu.memory_space<vmem>> -> memref<64xi32, #tpu.memory_space<vmem>>
      %dma_wait3A_601 = arith.constant 0 : i32
      %dma_wait3A_602 = arith.constant 0 : i32
      %dma_wait3A_603 = tpu.memref_slice %arg2[%dma_wait3A_601, %dma_wait3A_602] : memref<10000x128xf32, #tpu.memory_space<hbm>> -> memref<10000x128xf32, #tpu.memory_space<hbm>>
      tpu.wait_indirect_dma semaphore(%arg16 : memref<!tpu.dma_semaphore, #tpu.memory_space<semaphore_mem>>) src(%dma_wait3A_603 : memref<10000x128xf32, #tpu.memory_space<hbm>>) dst(%arg11 : memref<64x128xf32, #tpu.memory_space<vmem>>)
      %run_scoped3A_604 = arith.constant 1 : i32
      "tpu.region"() ({
        %run_scoped3A_640 = tpu.sem_alloc : memref<!tpu.dma_semaphore, #tpu.memory_space<semaphore_mem>>
        %dma_start3A_641 = arith.constant 0 : i32
        %dma_start3A_642 = tpu.memref_slice %arg7[%run_scoped3A_604, %dma_start3A_641] : memref<2x64xi32, #tpu.memory_space<vmem>> -> memref<1x64xi32, #tpu.memory_space<vmem>>
        %dma_start3A_643 = tpu.memref_squeeze %dma_start3A_642 : memref<1x64xi32, #tpu.memory_space<vmem>> -> memref<64xi32, #tpu.memory_space<vmem>>
        %dma_start3A_644 = arith.constant 0 : i32
        %dma_start3A_645 = arith.constant 0 : i32
        %dma_start3A_646 = tpu.memref_slice %arg14[%dma_start3A_644, %dma_start3A_645] : memref<10112x128xf32, #tpu.memory_space<vmem_shared>> -> memref<10112x128xf32, #tpu.memory_space<vmem_shared>>
        tpu.enqueue_indirect_dma source(%arg11 : memref<64x128xf32, #tpu.memory_space<vmem>>) target(%dma_start3A_646 : memref<10112x128xf32, #tpu.memory_space<vmem_shared>>) offsets(%dma_start3A_643 : memref<64xi32, #tpu.memory_space<vmem>>) semaphore(%run_scoped3A_640 : memref<!tpu.dma_semaphore, #tpu.memory_space<semaphore_mem>>) {add = true}
        %dma_wait3A_647 = arith.constant 0 : i32
        %dma_wait3A_648 = tpu.memref_slice %arg7[%run_scoped3A_604, %dma_wait3A_647] : memref<2x64xi32, #tpu.memory_space<vmem>> -> memref<1x64xi32, #tpu.memory_space<vmem>>
        %dma_wait3A_649 = tpu.memref_squeeze %dma_wait3A_648 : memref<1x64xi32, #tpu.memory_space<vmem>> -> memref<64xi32, #tpu.memory_space<vmem>>
        %dma_wait3A_650 = arith.constant 0 : i32
        %dma_wait3A_651 = arith.constant 0 : i32
        %dma_wait3A_652 = tpu.memref_slice %arg14[%dma_wait3A_650, %dma_wait3A_651] : memref<10112x128xf32, #tpu.memory_space<vmem_shared>> -> memref<10112x128xf32, #tpu.memory_space<vmem_shared>>
        tpu.wait_indirect_dma semaphore(%run_scoped3A_640 : memref<!tpu.dma_semaphore, #tpu.memory_space<semaphore_mem>>) src(%arg11 : memref<64x128xf32, #tpu.memory_space<vmem>>) dst(%dma_wait3A_652 : memref<10112x128xf32, #tpu.memory_space<vmem_shared>>)
        tpu.yield
      }) : () -> ()
      %add3A_605 = arith.constant 5 : i32
      %add3A_606 = arith.addi %mul3A_444, %add3A_605 : i32
      %lt3A_607 = arith.constant 160 : i32
      %lt3A_608 = arith.cmpi slt, %add3A_606, %lt3A_607 : i32
      %convert_element_type3A_609 = arith.extui %lt3A_608 : i1 to i32
      %cond3A_610 = arith.constant 0 : i32
      %cond3A_611 = arith.cmpi ne, %convert_element_type3A_609, %cond3A_610 : i32
      scf.if %cond3A_611 {
        %add3A_640 = arith.constant 5 : i32
        %add3A_641 = arith.addi %mul3A_444, %add3A_640 : i32
        %jit3A_642 = arith.constant 2 : i32
        %div3A_643 = arith.divsi %add3A_641, %jit3A_642 : i32
        %sign3A_644 = arith.constant 0 : i32
        %sign3A_645 = arith.cmpi sgt, %add3A_641, %sign3A_644 : i32
        %sign3A_646 = arith.extui %sign3A_645 : i1 to i32
        %sign3A_647 = arith.constant 0 : i32
        %sign3A_648 = arith.cmpi slt, %add3A_641, %sign3A_647 : i32
        %sign3A_649 = arith.extui %sign3A_648 : i1 to i32
        %sign3A_650 = arith.subi %sign3A_646, %sign3A_649 : i32
        %sign3A_651 = arith.constant 0 : i32
        %sign3A_652 = arith.cmpi sgt, %jit3A_642, %sign3A_651 : i32
        %sign3A_653 = arith.extui %sign3A_652 : i1 to i32
        %sign3A_654 = arith.constant 0 : i32
        %sign3A_655 = arith.cmpi slt, %jit3A_642, %sign3A_654 : i32
        %sign3A_656 = arith.extui %sign3A_655 : i1 to i32
        %sign3A_657 = arith.subi %sign3A_653, %sign3A_656 : i32
        %ne3A_658 = arith.cmpi ne, %sign3A_650, %sign3A_657 : i32
        %rem3A_659 = arith.remsi %add3A_641, %jit3A_642 : i32
        %ne3A_660 = arith.constant 0 : i32
        %ne3A_661 = arith.cmpi ne, %rem3A_659, %ne3A_660 : i32
        %and3A_662 = arith.andi %ne3A_658, %ne3A_661 : i1
        %sub3A_663 = arith.constant 1 : i32
        %sub3A_664 = arith.subi %div3A_643, %sub3A_663 : i32
        %select_n3A_665 = arith.select %and3A_662, %sub3A_664, %div3A_643 : i32
        %jit3A_666 = arith.constant 2 : i32
        %eq3A_667 = arith.constant 0 : i32
        %eq3A_668 = arith.cmpi eq, %jit3A_666, %eq3A_667 : i32
        %jit3A_669 = arith.constant 1 : i32
        %select_n3A_670 = arith.select %eq3A_668, %jit3A_669, %jit3A_666 : i32
        %rem3A_671 = arith.remsi %add3A_641, %select_n3A_670 : i32
        %ne3A_672 = arith.constant 0 : i32
        %ne3A_673 = arith.cmpi ne, %rem3A_671, %ne3A_672 : i32
        %lt3A_674 = arith.constant 0 : i32
        %lt3A_675 = arith.cmpi slt, %rem3A_671, %lt3A_674 : i32
        %lt3A_676 = arith.constant 0 : i32
        %lt3A_677 = arith.cmpi slt, %select_n3A_670, %lt3A_676 : i32
        %ne3A_678 = arith.xori %lt3A_675, %lt3A_677 : i1
        %and3A_679 = arith.andi %ne3A_678, %ne3A_673 : i1
        %add3A_680 = arith.addi %rem3A_671, %select_n3A_670 : i32
        %select_n3A_681 = arith.select %and3A_679, %add3A_680, %rem3A_671 : i32
        %mul3A_682 = arith.constant 64 : i32
        %mul3A_683 = arith.muli %select_n3A_681, %mul3A_682 : i32
        %add3A_684 = arith.constant 0 : i32
        %add3A_685 = arith.addi %mul3A_683, %add3A_684 : i32
        %get3A_686 = arith.index_cast %select_n3A_665 : i32 to index
        %get3A_687 = arith.index_cast %add3A_685 : i32 to index
        %get3A_688 = tpu.vector_load %arg5[%get3A_686, %get3A_687] {strides = array<i32>} : memref<80x128xi32, #tpu.memory_space<vmem>>, vector<1x16xi32>,
        %get3A_689 = vector.shape_cast %get3A_688 : vector<1x16xi32> to vector<16xi32>
        %and3A_690 = arith.constant 65535 : i32
        %and3A_691 = vector.broadcast %and3A_690 : i32 to vector<16xi32>
        %and3A_692 = arith.andi %get3A_689, %and3A_691 : vector<16xi32>
        %swap3A_693 = arith.constant 0 : i32
        %swap3A_694 = arith.index_cast %swap3A_693 : i32 to index
        %swap3A_695 = arith.constant 0 : index
        %swap3A_696 = tpu.vector_load %arg7[%swap3A_694, %swap3A_695] {strides = array<i32>} : memref<2x64xi32, #tpu.memory_space<vmem>>, vector<1x16xi32>,
        %swap3A_697 = vector.shape_cast %swap3A_696 : vector<1x16xi32> to vector<16xi32>
        %swap3A_698 = vector.shape_cast %and3A_692 : vector<16xi32> to vector<1x16xi32>
        tpu.vector_store %arg7[%swap3A_694, %swap3A_695], %swap3A_698 {strides = array<i32>} : memref<2x64xi32, #tpu.memory_space<vmem>>, vector<1x16xi32>,
        %shift_right_logical3A_699 = arith.constant 16 : i32
        %shift_right_logical3A_700 = vector.broadcast %shift_right_logical3A_699 : i32 to vector<16xi32>
        %shift_right_logical3A_701 = arith.shrui %get3A_689, %shift_right_logical3A_700 : vector<16xi32>
        %swap3A_702 = arith.constant 1 : i32
        %swap3A_703 = arith.index_cast %swap3A_702 : i32 to index
        %swap3A_704 = arith.constant 0 : index
        %swap3A_705 = tpu.vector_load %arg7[%swap3A_703, %swap3A_704] {strides = array<i32>} : memref<2x64xi32, #tpu.memory_space<vmem>>, vector<1x16xi32>,
        %swap3A_706 = vector.shape_cast %swap3A_705 : vector<1x16xi32> to vector<16xi32>
        %swap3A_707 = vector.shape_cast %shift_right_logical3A_701 : vector<16xi32> to vector<1x16xi32>
        tpu.vector_store %arg7[%swap3A_703, %swap3A_704], %swap3A_707 {strides = array<i32>} : memref<2x64xi32, #tpu.memory_space<vmem>>, vector<1x16xi32>,
        %add3A_708 = arith.constant 16 : i32
        %add3A_709 = arith.addi %mul3A_683, %add3A_708 : i32
        %get3A_710 = arith.index_cast %select_n3A_665 : i32 to index
        %get3A_711 = arith.index_cast %add3A_709 : i32 to index
        %get3A_712 = tpu.vector_load %arg5[%get3A_710, %get3A_711] {strides = array<i32>} : memref<80x128xi32, #tpu.memory_space<vmem>>, vector<1x16xi32>,
        %get3A_713 = vector.shape_cast %get3A_712 : vector<1x16xi32> to vector<16xi32>
        %and3A_714 = arith.constant 65535 : i32
        %and3A_715 = vector.broadcast %and3A_714 : i32 to vector<16xi32>
        %and3A_716 = arith.andi %get3A_713, %and3A_715 : vector<16xi32>
        %swap3A_717 = arith.constant 0 : i32
        %swap3A_718 = arith.index_cast %swap3A_717 : i32 to index
        %swap3A_719 = arith.constant 16 : index
        %swap3A_720 = tpu.vector_load %arg7[%swap3A_718, %swap3A_719] {strides = array<i32>} : memref<2x64xi32, #tpu.memory_space<vmem>>, vector<1x16xi32>,
        %swap3A_721 = vector.shape_cast %swap3A_720 : vector<1x16xi32> to vector<16xi32>
        %swap3A_722 = vector.shape_cast %and3A_716 : vector<16xi32> to vector<1x16xi32>
        tpu.vector_store %arg7[%swap3A_718, %swap3A_719], %swap3A_722 {strides = array<i32>} : memref<2x64xi32, #tpu.memory_space<vmem>>, vector<1x16xi32>,
        %shift_right_logical3A_723 = arith.constant 16 : i32
        %shift_right_logical3A_724 = vector.broadcast %shift_right_logical3A_723 : i32 to vector<16xi32>
        %shift_right_logical3A_725 = arith.shrui %get3A_713, %shift_right_logical3A_724 : vector<16xi32>
        %swap3A_726 = arith.constant 1 : i32
        %swap3A_727 = arith.index_cast %swap3A_726 : i32 to index
        %swap3A_728 = arith.constant 16 : index
        %swap3A_729 = tpu.vector_load %arg7[%swap3A_727, %swap3A_728] {strides = array<i32>} : memref<2x64xi32, #tpu.memory_space<vmem>>, vector<1x16xi32>,
        %swap3A_730 = vector.shape_cast %swap3A_729 : vector<1x16xi32> to vector<16xi32>
        %swap3A_731 = vector.shape_cast %shift_right_logical3A_725 : vector<16xi32> to vector<1x16xi32>
        tpu.vector_store %arg7[%swap3A_727, %swap3A_728], %swap3A_731 {strides = array<i32>} : memref<2x64xi32, #tpu.memory_space<vmem>>, vector<1x16xi32>,
        %add3A_732 = arith.constant 32 : i32
        %add3A_733 = arith.addi %mul3A_683, %add3A_732 : i32
        %get3A_734 = arith.index_cast %select_n3A_665 : i32 to index
        %get3A_735 = arith.index_cast %add3A_733 : i32 to index
        %get3A_736 = tpu.vector_load %arg5[%get3A_734, %get3A_735] {strides = array<i32>} : memref<80x128xi32, #tpu.memory_space<vmem>>, vector<1x16xi32>,
        %get3A_737 = vector.shape_cast %get3A_736 : vector<1x16xi32> to vector<16xi32>
        %and3A_738 = arith.constant 65535 : i32
        %and3A_739 = vector.broadcast %and3A_738 : i32 to vector<16xi32>
        %and3A_740 = arith.andi %get3A_737, %and3A_739 : vector<16xi32>
        %swap3A_741 = arith.constant 0 : i32
        %swap3A_742 = arith.index_cast %swap3A_741 : i32 to index
        %swap3A_743 = arith.constant 32 : index
        %swap3A_744 = tpu.vector_load %arg7[%swap3A_742, %swap3A_743] {strides = array<i32>} : memref<2x64xi32, #tpu.memory_space<vmem>>, vector<1x16xi32>,
        %swap3A_745 = vector.shape_cast %swap3A_744 : vector<1x16xi32> to vector<16xi32>
        %swap3A_746 = vector.shape_cast %and3A_740 : vector<16xi32> to vector<1x16xi32>
        tpu.vector_store %arg7[%swap3A_742, %swap3A_743], %swap3A_746 {strides = array<i32>} : memref<2x64xi32, #tpu.memory_space<vmem>>, vector<1x16xi32>,
        %shift_right_logical3A_747 = arith.constant 16 : i32
        %shift_right_logical3A_748 = vector.broadcast %shift_right_logical3A_747 : i32 to vector<16xi32>
        %shift_right_logical3A_749 = arith.shrui %get3A_737, %shift_right_logical3A_748 : vector<16xi32>
        %swap3A_750 = arith.constant 1 : i32
        %swap3A_751 = arith.index_cast %swap3A_750 : i32 to index
        %swap3A_752 = arith.constant 32 : index
        %swap3A_753 = tpu.vector_load %arg7[%swap3A_751, %swap3A_752] {strides = array<i32>} : memref<2x64xi32, #tpu.memory_space<vmem>>, vector<1x16xi32>,
        %swap3A_754 = vector.shape_cast %swap3A_753 : vector<1x16xi32> to vector<16xi32>
        %swap3A_755 = vector.shape_cast %shift_right_logical3A_749 : vector<16xi32> to vector<1x16xi32>
        tpu.vector_store %arg7[%swap3A_751, %swap3A_752], %swap3A_755 {strides = array<i32>} : memref<2x64xi32, #tpu.memory_space<vmem>>, vector<1x16xi32>,
        %add3A_756 = arith.constant 48 : i32
        %add3A_757 = arith.addi %mul3A_683, %add3A_756 : i32
        %get3A_758 = arith.index_cast %select_n3A_665 : i32 to index
        %get3A_759 = arith.index_cast %add3A_757 : i32 to index
        %get3A_760 = tpu.vector_load %arg5[%get3A_758, %get3A_759] {strides = array<i32>} : memref<80x128xi32, #tpu.memory_space<vmem>>, vector<1x16xi32>,
        %get3A_761 = vector.shape_cast %get3A_760 : vector<1x16xi32> to vector<16xi32>
        %and3A_762 = arith.constant 65535 : i32
        %and3A_763 = vector.broadcast %and3A_762 : i32 to vector<16xi32>
        %and3A_764 = arith.andi %get3A_761, %and3A_763 : vector<16xi32>
        %swap3A_765 = arith.constant 0 : i32
        %swap3A_766 = arith.index_cast %swap3A_765 : i32 to index
        %swap3A_767 = arith.constant 48 : index
        %swap3A_768 = tpu.vector_load %arg7[%swap3A_766, %swap3A_767] {strides = array<i32>} : memref<2x64xi32, #tpu.memory_space<vmem>>, vector<1x16xi32>,
        %swap3A_769 = vector.shape_cast %swap3A_768 : vector<1x16xi32> to vector<16xi32>
        %swap3A_770 = vector.shape_cast %and3A_764 : vector<16xi32> to vector<1x16xi32>
        tpu.vector_store %arg7[%swap3A_766, %swap3A_767], %swap3A_770 {strides = array<i32>} : memref<2x64xi32, #tpu.memory_space<vmem>>, vector<1x16xi32>,
        %shift_right_logical3A_771 = arith.constant 16 : i32
        %shift_right_logical3A_772 = vector.broadcast %shift_right_logical3A_771 : i32 to vector<16xi32>
        %shift_right_logical3A_773 = arith.shrui %get3A_761, %shift_right_logical3A_772 : vector<16xi32>
        %swap3A_774 = arith.constant 1 : i32
        %swap3A_775 = arith.index_cast %swap3A_774 : i32 to index
        %swap3A_776 = arith.constant 48 : index
        %swap3A_777 = tpu.vector_load %arg7[%swap3A_775, %swap3A_776] {strides = array<i32>} : memref<2x64xi32, #tpu.memory_space<vmem>>, vector<1x16xi32>,
        %swap3A_778 = vector.shape_cast %swap3A_777 : vector<1x16xi32> to vector<16xi32>
        %swap3A_779 = vector.shape_cast %shift_right_logical3A_773 : vector<16xi32> to vector<1x16xi32>
        tpu.vector_store %arg7[%swap3A_775, %swap3A_776], %swap3A_779 {strides = array<i32>} : memref<2x64xi32, #tpu.memory_space<vmem>>, vector<1x16xi32>,
        %dma_start3A_780 = arith.constant 0 : i32
        %dma_start3A_781 = arith.constant 0 : i32
        %dma_start3A_782 = tpu.memref_slice %arg7[%dma_start3A_780, %dma_start3A_781] : memref<2x64xi32, #tpu.memory_space<vmem>> -> memref<1x64xi32, #tpu.memory_space<vmem>>
        %dma_start3A_783 = tpu.memref_squeeze %dma_start3A_782 : memref<1x64xi32, #tpu.memory_space<vmem>> -> memref<64xi32, #tpu.memory_space<vmem>>
        %dma_start3A_784 = arith.constant 0 : i32
        %dma_start3A_785 = arith.constant 0 : i32
        %dma_start3A_786 = tpu.memref_slice %arg2[%dma_start3A_784, %dma_start3A_785] : memref<10000x128xf32, #tpu.memory_space<hbm>> -> memref<10000x128xf32, #tpu.memory_space<hbm>>
        tpu.enqueue_indirect_dma source(%dma_start3A_786 : memref<10000x128xf32, #tpu.memory_space<hbm>>) target(%arg11 : memref<64x128xf32, #tpu.memory_space<vmem>>) offsets(%dma_start3A_783 : memref<64xi32, #tpu.memory_space<vmem>>) semaphore(%arg16 : memref<!tpu.dma_semaphore, #tpu.memory_space<semaphore_mem>>)
      } else {
      }
      %add3A_612 = arith.constant 2 : i32
      %add3A_613 = arith.addi %mul3A_444, %add3A_612 : i32
      %dma_wait3A_614 = arith.constant 0 : i32
      %dma_wait3A_615 = arith.constant 0 : i32
      %dma_wait3A_616 = tpu.memref_slice %arg8[%dma_wait3A_614, %dma_wait3A_615] : memref<2x64xi32, #tpu.memory_space<vmem>> -> memref<1x64xi32, #tpu.memory_space<vmem>>
      %dma_wait3A_617 = tpu.memref_squeeze %dma_wait3A_616 : memref<1x64xi32, #tpu.memory_space<vmem>> -> memref<64xi32, #tpu.memory_space<vmem>>
      %dma_wait3A_618 = arith.constant 0 : i32
      %dma_wait3A_619 = arith.constant 0 : i32
      %dma_wait3A_620 = tpu.memref_slice %arg2[%dma_wait3A_618, %dma_wait3A_619] : memref<10000x128xf32, #tpu.memory_space<hbm>> -> memref<10000x128xf32, #tpu.memory_space<hbm>>
      tpu.wait_indirect_dma semaphore(%arg17 : memref<!tpu.dma_semaphore, #tpu.memory_space<semaphore_mem>>) src(%dma_wait3A_620 : memref<10000x128xf32, #tpu.memory_space<hbm>>) dst(%arg12 : memref<64x128xf32, #tpu.memory_space<vmem>>)
      %run_scoped3A_621 = arith.constant 1 : i32
      "tpu.region"() ({
        %run_scoped3A_640 = tpu.sem_alloc : memref<!tpu.dma_semaphore, #tpu.memory_space<semaphore_mem>>
        %dma_start3A_641 = arith.constant 0 : i32
        %dma_start3A_642 = tpu.memref_slice %arg8[%run_scoped3A_621, %dma_start3A_641] : memref<2x64xi32, #tpu.memory_space<vmem>> -> memref<1x64xi32, #tpu.memory_space<vmem>>
        %dma_start3A_643 = tpu.memref_squeeze %dma_start3A_642 : memref<1x64xi32, #tpu.memory_space<vmem>> -> memref<64xi32, #tpu.memory_space<vmem>>
        %dma_start3A_644 = arith.constant 0 : i32
        %dma_start3A_645 = arith.constant 0 : i32
        %dma_start3A_646 = tpu.memref_slice %arg14[%dma_start3A_644, %dma_start3A_645] : memref<10112x128xf32, #tpu.memory_space<vmem_shared>> -> memref<10112x128xf32, #tpu.memory_space<vmem_shared>>
        tpu.enqueue_indirect_dma source(%arg12 : memref<64x128xf32, #tpu.memory_space<vmem>>) target(%dma_start3A_646 : memref<10112x128xf32, #tpu.memory_space<vmem_shared>>) offsets(%dma_start3A_643 : memref<64xi32, #tpu.memory_space<vmem>>) semaphore(%run_scoped3A_640 : memref<!tpu.dma_semaphore, #tpu.memory_space<semaphore_mem>>) {add = true}
        %dma_wait3A_647 = arith.constant 0 : i32
        %dma_wait3A_648 = tpu.memref_slice %arg8[%run_scoped3A_621, %dma_wait3A_647] : memref<2x64xi32, #tpu.memory_space<vmem>> -> memref<1x64xi32, #tpu.memory_space<vmem>>
        %dma_wait3A_649 = tpu.memref_squeeze %dma_wait3A_648 : memref<1x64xi32, #tpu.memory_space<vmem>> -> memref<64xi32, #tpu.memory_space<vmem>>
        %dma_wait3A_650 = arith.constant 0 : i32
        %dma_wait3A_651 = arith.constant 0 : i32
        %dma_wait3A_652 = tpu.memref_slice %arg14[%dma_wait3A_650, %dma_wait3A_651] : memref<10112x128xf32, #tpu.memory_space<vmem_shared>> -> memref<10112x128xf32, #tpu.memory_space<vmem_shared>>
        tpu.wait_indirect_dma semaphore(%run_scoped3A_640 : memref<!tpu.dma_semaphore, #tpu.memory_space<semaphore_mem>>) src(%arg12 : memref<64x128xf32, #tpu.memory_space<vmem>>) dst(%dma_wait3A_652 : memref<10112x128xf32, #tpu.memory_space<vmem_shared>>)
        tpu.yield
      }) : () -> ()
      %add3A_622 = arith.constant 6 : i32
      %add3A_623 = arith.addi %mul3A_444, %add3A_622 : i32
      %lt3A_624 = arith.constant 160 : i32
      %lt3A_625 = arith.cmpi slt, %add3A_623, %lt3A_624 : i32
      %convert_element_type3A_626 = arith.extui %lt3A_625 : i1 to i32
      %cond3A_627 = arith.constant 0 : i32
      %cond3A_628 = arith.cmpi ne, %convert_element_type3A_626, %cond3A_627 : i32
      scf.if %cond3A_628 {
        %add3A_640 = arith.constant 6 : i32
        %add3A_641 = arith.addi %mul3A_444, %add3A_640 : i32
        %jit3A_642 = arith.constant 2 : i32
        %div3A_643 = arith.divsi %add3A_641, %jit3A_642 : i32
        %sign3A_644 = arith.constant 0 : i32
        %sign3A_645 = arith.cmpi sgt, %add3A_641, %sign3A_644 : i32
        %sign3A_646 = arith.extui %sign3A_645 : i1 to i32
        %sign3A_647 = arith.constant 0 : i32
        %sign3A_648 = arith.cmpi slt, %add3A_641, %sign3A_647 : i32
        %sign3A_649 = arith.extui %sign3A_648 : i1 to i32
        %sign3A_650 = arith.subi %sign3A_646, %sign3A_649 : i32
        %sign3A_651 = arith.constant 0 : i32
        %sign3A_652 = arith.cmpi sgt, %jit3A_642, %sign3A_651 : i32
        %sign3A_653 = arith.extui %sign3A_652 : i1 to i32
        %sign3A_654 = arith.constant 0 : i32
        %sign3A_655 = arith.cmpi slt, %jit3A_642, %sign3A_654 : i32
        %sign3A_656 = arith.extui %sign3A_655 : i1 to i32
        %sign3A_657 = arith.subi %sign3A_653, %sign3A_656 : i32
        %ne3A_658 = arith.cmpi ne, %sign3A_650, %sign3A_657 : i32
        %rem3A_659 = arith.remsi %add3A_641, %jit3A_642 : i32
        %ne3A_660 = arith.constant 0 : i32
        %ne3A_661 = arith.cmpi ne, %rem3A_659, %ne3A_660 : i32
        %and3A_662 = arith.andi %ne3A_658, %ne3A_661 : i1
        %sub3A_663 = arith.constant 1 : i32
        %sub3A_664 = arith.subi %div3A_643, %sub3A_663 : i32
        %select_n3A_665 = arith.select %and3A_662, %sub3A_664, %div3A_643 : i32
        %jit3A_666 = arith.constant 2 : i32
        %eq3A_667 = arith.constant 0 : i32
        %eq3A_668 = arith.cmpi eq, %jit3A_666, %eq3A_667 : i32
        %jit3A_669 = arith.constant 1 : i32
        %select_n3A_670 = arith.select %eq3A_668, %jit3A_669, %jit3A_666 : i32
        %rem3A_671 = arith.remsi %add3A_641, %select_n3A_670 : i32
        %ne3A_672 = arith.constant 0 : i32
        %ne3A_673 = arith.cmpi ne, %rem3A_671, %ne3A_672 : i32
        %lt3A_674 = arith.constant 0 : i32
        %lt3A_675 = arith.cmpi slt, %rem3A_671, %lt3A_674 : i32
        %lt3A_676 = arith.constant 0 : i32
        %lt3A_677 = arith.cmpi slt, %select_n3A_670, %lt3A_676 : i32
        %ne3A_678 = arith.xori %lt3A_675, %lt3A_677 : i1
        %and3A_679 = arith.andi %ne3A_678, %ne3A_673 : i1
        %add3A_680 = arith.addi %rem3A_671, %select_n3A_670 : i32
        %select_n3A_681 = arith.select %and3A_679, %add3A_680, %rem3A_671 : i32
        %mul3A_682 = arith.constant 64 : i32
        %mul3A_683 = arith.muli %select_n3A_681, %mul3A_682 : i32
        %add3A_684 = arith.constant 0 : i32
        %add3A_685 = arith.addi %mul3A_683, %add3A_684 : i32
        %get3A_686 = arith.index_cast %select_n3A_665 : i32 to index
        %get3A_687 = arith.index_cast %add3A_685 : i32 to index
        %get3A_688 = tpu.vector_load %arg5[%get3A_686, %get3A_687] {strides = array<i32>} : memref<80x128xi32, #tpu.memory_space<vmem>>, vector<1x16xi32>,
        %get3A_689 = vector.shape_cast %get3A_688 : vector<1x16xi32> to vector<16xi32>
        %and3A_690 = arith.constant 65535 : i32
        %and3A_691 = vector.broadcast %and3A_690 : i32 to vector<16xi32>
        %and3A_692 = arith.andi %get3A_689, %and3A_691 : vector<16xi32>
        %swap3A_693 = arith.constant 0 : i32
        %swap3A_694 = arith.index_cast %swap3A_693 : i32 to index
        %swap3A_695 = arith.constant 0 : index
        %swap3A_696 = tpu.vector_load %arg8[%swap3A_694, %swap3A_695] {strides = array<i32>} : memref<2x64xi32, #tpu.memory_space<vmem>>, vector<1x16xi32>,
        %swap3A_697 = vector.shape_cast %swap3A_696 : vector<1x16xi32> to vector<16xi32>
        %swap3A_698 = vector.shape_cast %and3A_692 : vector<16xi32> to vector<1x16xi32>
        tpu.vector_store %arg8[%swap3A_694, %swap3A_695], %swap3A_698 {strides = array<i32>} : memref<2x64xi32, #tpu.memory_space<vmem>>, vector<1x16xi32>,
        %shift_right_logical3A_699 = arith.constant 16 : i32
        %shift_right_logical3A_700 = vector.broadcast %shift_right_logical3A_699 : i32 to vector<16xi32>
        %shift_right_logical3A_701 = arith.shrui %get3A_689, %shift_right_logical3A_700 : vector<16xi32>
        %swap3A_702 = arith.constant 1 : i32
        %swap3A_703 = arith.index_cast %swap3A_702 : i32 to index
        %swap3A_704 = arith.constant 0 : index
        %swap3A_705 = tpu.vector_load %arg8[%swap3A_703, %swap3A_704] {strides = array<i32>} : memref<2x64xi32, #tpu.memory_space<vmem>>, vector<1x16xi32>,
        %swap3A_706 = vector.shape_cast %swap3A_705 : vector<1x16xi32> to vector<16xi32>
        %swap3A_707 = vector.shape_cast %shift_right_logical3A_701 : vector<16xi32> to vector<1x16xi32>
        tpu.vector_store %arg8[%swap3A_703, %swap3A_704], %swap3A_707 {strides = array<i32>} : memref<2x64xi32, #tpu.memory_space<vmem>>, vector<1x16xi32>,
        %add3A_708 = arith.constant 16 : i32
        %add3A_709 = arith.addi %mul3A_683, %add3A_708 : i32
        %get3A_710 = arith.index_cast %select_n3A_665 : i32 to index
        %get3A_711 = arith.index_cast %add3A_709 : i32 to index
        %get3A_712 = tpu.vector_load %arg5[%get3A_710, %get3A_711] {strides = array<i32>} : memref<80x128xi32, #tpu.memory_space<vmem>>, vector<1x16xi32>,
        %get3A_713 = vector.shape_cast %get3A_712 : vector<1x16xi32> to vector<16xi32>
        %and3A_714 = arith.constant 65535 : i32
        %and3A_715 = vector.broadcast %and3A_714 : i32 to vector<16xi32>
        %and3A_716 = arith.andi %get3A_713, %and3A_715 : vector<16xi32>
        %swap3A_717 = arith.constant 0 : i32
        %swap3A_718 = arith.index_cast %swap3A_717 : i32 to index
        %swap3A_719 = arith.constant 16 : index
        %swap3A_720 = tpu.vector_load %arg8[%swap3A_718, %swap3A_719] {strides = array<i32>} : memref<2x64xi32, #tpu.memory_space<vmem>>, vector<1x16xi32>,
        %swap3A_721 = vector.shape_cast %swap3A_720 : vector<1x16xi32> to vector<16xi32>
        %swap3A_722 = vector.shape_cast %and3A_716 : vector<16xi32> to vector<1x16xi32>
        tpu.vector_store %arg8[%swap3A_718, %swap3A_719], %swap3A_722 {strides = array<i32>} : memref<2x64xi32, #tpu.memory_space<vmem>>, vector<1x16xi32>,
        %shift_right_logical3A_723 = arith.constant 16 : i32
        %shift_right_logical3A_724 = vector.broadcast %shift_right_logical3A_723 : i32 to vector<16xi32>
        %shift_right_logical3A_725 = arith.shrui %get3A_713, %shift_right_logical3A_724 : vector<16xi32>
        %swap3A_726 = arith.constant 1 : i32
        %swap3A_727 = arith.index_cast %swap3A_726 : i32 to index
        %swap3A_728 = arith.constant 16 : index
        %swap3A_729 = tpu.vector_load %arg8[%swap3A_727, %swap3A_728] {strides = array<i32>} : memref<2x64xi32, #tpu.memory_space<vmem>>, vector<1x16xi32>,
        %swap3A_730 = vector.shape_cast %swap3A_729 : vector<1x16xi32> to vector<16xi32>
        %swap3A_731 = vector.shape_cast %shift_right_logical3A_725 : vector<16xi32> to vector<1x16xi32>
        tpu.vector_store %arg8[%swap3A_727, %swap3A_728], %swap3A_731 {strides = array<i32>} : memref<2x64xi32, #tpu.memory_space<vmem>>, vector<1x16xi32>,
        %add3A_732 = arith.constant 32 : i32
        %add3A_733 = arith.addi %mul3A_683, %add3A_732 : i32
        %get3A_734 = arith.index_cast %select_n3A_665 : i32 to index
        %get3A_735 = arith.index_cast %add3A_733 : i32 to index
        %get3A_736 = tpu.vector_load %arg5[%get3A_734, %get3A_735] {strides = array<i32>} : memref<80x128xi32, #tpu.memory_space<vmem>>, vector<1x16xi32>,
        %get3A_737 = vector.shape_cast %get3A_736 : vector<1x16xi32> to vector<16xi32>
        %and3A_738 = arith.constant 65535 : i32
        %and3A_739 = vector.broadcast %and3A_738 : i32 to vector<16xi32>
        %and3A_740 = arith.andi %get3A_737, %and3A_739 : vector<16xi32>
        %swap3A_741 = arith.constant 0 : i32
        %swap3A_742 = arith.index_cast %swap3A_741 : i32 to index
        %swap3A_743 = arith.constant 32 : index
        %swap3A_744 = tpu.vector_load %arg8[%swap3A_742, %swap3A_743] {strides = array<i32>} : memref<2x64xi32, #tpu.memory_space<vmem>>, vector<1x16xi32>,
        %swap3A_745 = vector.shape_cast %swap3A_744 : vector<1x16xi32> to vector<16xi32>
        %swap3A_746 = vector.shape_cast %and3A_740 : vector<16xi32> to vector<1x16xi32>
        tpu.vector_store %arg8[%swap3A_742, %swap3A_743], %swap3A_746 {strides = array<i32>} : memref<2x64xi32, #tpu.memory_space<vmem>>, vector<1x16xi32>,
        %shift_right_logical3A_747 = arith.constant 16 : i32
        %shift_right_logical3A_748 = vector.broadcast %shift_right_logical3A_747 : i32 to vector<16xi32>
        %shift_right_logical3A_749 = arith.shrui %get3A_737, %shift_right_logical3A_748 : vector<16xi32>
        %swap3A_750 = arith.constant 1 : i32
        %swap3A_751 = arith.index_cast %swap3A_750 : i32 to index
        %swap3A_752 = arith.constant 32 : index
        %swap3A_753 = tpu.vector_load %arg8[%swap3A_751, %swap3A_752] {strides = array<i32>} : memref<2x64xi32, #tpu.memory_space<vmem>>, vector<1x16xi32>,
        %swap3A_754 = vector.shape_cast %swap3A_753 : vector<1x16xi32> to vector<16xi32>
        %swap3A_755 = vector.shape_cast %shift_right_logical3A_749 : vector<16xi32> to vector<1x16xi32>
        tpu.vector_store %arg8[%swap3A_751, %swap3A_752], %swap3A_755 {strides = array<i32>} : memref<2x64xi32, #tpu.memory_space<vmem>>, vector<1x16xi32>,
        %add3A_756 = arith.constant 48 : i32
        %add3A_757 = arith.addi %mul3A_683, %add3A_756 : i32
        %get3A_758 = arith.index_cast %select_n3A_665 : i32 to index
        %get3A_759 = arith.index_cast %add3A_757 : i32 to index
        %get3A_760 = tpu.vector_load %arg5[%get3A_758, %get3A_759] {strides = array<i32>} : memref<80x128xi32, #tpu.memory_space<vmem>>, vector<1x16xi32>,
        %get3A_761 = vector.shape_cast %get3A_760 : vector<1x16xi32> to vector<16xi32>
        %and3A_762 = arith.constant 65535 : i32
        %and3A_763 = vector.broadcast %and3A_762 : i32 to vector<16xi32>
        %and3A_764 = arith.andi %get3A_761, %and3A_763 : vector<16xi32>
        %swap3A_765 = arith.constant 0 : i32
        %swap3A_766 = arith.index_cast %swap3A_765 : i32 to index
        %swap3A_767 = arith.constant 48 : index
        %swap3A_768 = tpu.vector_load %arg8[%swap3A_766, %swap3A_767] {strides = array<i32>} : memref<2x64xi32, #tpu.memory_space<vmem>>, vector<1x16xi32>,
        %swap3A_769 = vector.shape_cast %swap3A_768 : vector<1x16xi32> to vector<16xi32>
        %swap3A_770 = vector.shape_cast %and3A_764 : vector<16xi32> to vector<1x16xi32>
        tpu.vector_store %arg8[%swap3A_766, %swap3A_767], %swap3A_770 {strides = array<i32>} : memref<2x64xi32, #tpu.memory_space<vmem>>, vector<1x16xi32>,
        %shift_right_logical3A_771 = arith.constant 16 : i32
        %shift_right_logical3A_772 = vector.broadcast %shift_right_logical3A_771 : i32 to vector<16xi32>
        %shift_right_logical3A_773 = arith.shrui %get3A_761, %shift_right_logical3A_772 : vector<16xi32>
        %swap3A_774 = arith.constant 1 : i32
        %swap3A_775 = arith.index_cast %swap3A_774 : i32 to index
        %swap3A_776 = arith.constant 48 : index
        %swap3A_777 = tpu.vector_load %arg8[%swap3A_775, %swap3A_776] {strides = array<i32>} : memref<2x64xi32, #tpu.memory_space<vmem>>, vector<1x16xi32>,
        %swap3A_778 = vector.shape_cast %swap3A_777 : vector<1x16xi32> to vector<16xi32>
        %swap3A_779 = vector.shape_cast %shift_right_logical3A_773 : vector<16xi32> to vector<1x16xi32>
        tpu.vector_store %arg8[%swap3A_775, %swap3A_776], %swap3A_779 {strides = array<i32>} : memref<2x64xi32, #tpu.memory_space<vmem>>, vector<1x16xi32>,
        %dma_start3A_780 = arith.constant 0 : i32
        %dma_start3A_781 = arith.constant 0 : i32
        %dma_start3A_782 = tpu.memref_slice %arg8[%dma_start3A_780, %dma_start3A_781] : memref<2x64xi32, #tpu.memory_space<vmem>> -> memref<1x64xi32, #tpu.memory_space<vmem>>
        %dma_start3A_783 = tpu.memref_squeeze %dma_start3A_782 : memref<1x64xi32, #tpu.memory_space<vmem>> -> memref<64xi32, #tpu.memory_space<vmem>>
        %dma_start3A_784 = arith.constant 0 : i32
        %dma_start3A_785 = arith.constant 0 : i32
        %dma_start3A_786 = tpu.memref_slice %arg2[%dma_start3A_784, %dma_start3A_785] : memref<10000x128xf32, #tpu.memory_space<hbm>> -> memref<10000x128xf32, #tpu.memory_space<hbm>>
        tpu.enqueue_indirect_dma source(%dma_start3A_786 : memref<10000x128xf32, #tpu.memory_space<hbm>>) target(%arg12 : memref<64x128xf32, #tpu.memory_space<vmem>>) offsets(%dma_start3A_783 : memref<64xi32, #tpu.memory_space<vmem>>) semaphore(%arg17 : memref<!tpu.dma_semaphore, #tpu.memory_space<semaphore_mem>>)
      } else {
      }
      %add3A_629 = arith.constant 3 : i32
      %add3A_630 = arith.addi %mul3A_444, %add3A_629 : i32
      %dma_wait3A_631 = arith.constant 0 : i32
      %dma_wait3A_632 = arith.constant 0 : i32
      %dma_wait3A_633 = tpu.memref_slice %arg9[%dma_wait3A_631, %dma_wait3A_632] : memref<2x64xi32, #tpu.memory_space<vmem>> -> memref<1x64xi32, #tpu.memory_space<vmem>>
      %dma_wait3A_634 = tpu.memref_squeeze %dma_wait3A_633 : memref<1x64xi32, #tpu.memory_space<vmem>> -> memref<64xi32, #tpu.memory_space<vmem>>
      %dma_wait3A_635 = arith.constant 0 : i32
      %dma_wait3A_636 = arith.constant 0 : i32
      %dma_wait3A_637 = tpu.memref_slice %arg2[%dma_wait3A_635, %dma_wait3A_636] : memref<10000x128xf32, #tpu.memory_space<hbm>> -> memref<10000x128xf32, #tpu.memory_space<hbm>>
      tpu.wait_indirect_dma semaphore(%arg18 : memref<!tpu.dma_semaphore, #tpu.memory_space<semaphore_mem>>) src(%dma_wait3A_637 : memref<10000x128xf32, #tpu.memory_space<hbm>>) dst(%arg13 : memref<64x128xf32, #tpu.memory_space<vmem>>)
      %run_scoped3A_638 = arith.constant 1 : i32
      "tpu.region"() ({
        %run_scoped3A_640 = tpu.sem_alloc : memref<!tpu.dma_semaphore, #tpu.memory_space<semaphore_mem>>
        %dma_start3A_641 = arith.constant 0 : i32
        %dma_start3A_642 = tpu.memref_slice %arg9[%run_scoped3A_638, %dma_start3A_641] : memref<2x64xi32, #tpu.memory_space<vmem>> -> memref<1x64xi32, #tpu.memory_space<vmem>>
        %dma_start3A_643 = tpu.memref_squeeze %dma_start3A_642 : memref<1x64xi32, #tpu.memory_space<vmem>> -> memref<64xi32, #tpu.memory_space<vmem>>
        %dma_start3A_644 = arith.constant 0 : i32
        %dma_start3A_645 = arith.constant 0 : i32
        %dma_start3A_646 = tpu.memref_slice %arg14[%dma_start3A_644, %dma_start3A_645] : memref<10112x128xf32, #tpu.memory_space<vmem_shared>> -> memref<10112x128xf32, #tpu.memory_space<vmem_shared>>
        tpu.enqueue_indirect_dma source(%arg13 : memref<64x128xf32, #tpu.memory_space<vmem>>) target(%dma_start3A_646 : memref<10112x128xf32, #tpu.memory_space<vmem_shared>>) offsets(%dma_start3A_643 : memref<64xi32, #tpu.memory_space<vmem>>) semaphore(%run_scoped3A_640 : memref<!tpu.dma_semaphore, #tpu.memory_space<semaphore_mem>>) {add = true}
        %dma_wait3A_647 = arith.constant 0 : i32
        %dma_wait3A_648 = tpu.memref_slice %arg9[%run_scoped3A_638, %dma_wait3A_647] : memref<2x64xi32, #tpu.memory_space<vmem>> -> memref<1x64xi32, #tpu.memory_space<vmem>>
        %dma_wait3A_649 = tpu.memref_squeeze %dma_wait3A_648 : memref<1x64xi32, #tpu.memory_space<vmem>> -> memref<64xi32, #tpu.memory_space<vmem>>
        %dma_wait3A_650 = arith.constant 0 : i32
        %dma_wait3A_651 = arith.constant 0 : i32
        %dma_wait3A_652 = tpu.memref_slice %arg14[%dma_wait3A_650, %dma_wait3A_651] : memref<10112x128xf32, #tpu.memory_space<vmem_shared>> -> memref<10112x128xf32, #tpu.memory_space<vmem_shared>>
        tpu.wait_indirect_dma semaphore(%run_scoped3A_640 : memref<!tpu.dma_semaphore, #tpu.memory_space<semaphore_mem>>) src(%arg13 : memref<64x128xf32, #tpu.memory_space<vmem>>) dst(%dma_wait3A_652 : memref<10112x128xf32, #tpu.memory_space<vmem_shared>>)
        tpu.yield
      }) : () -> ()
      %scan3A_639 = arith.constant 0 : i32
      scf.yield %scan3A_639 : i32
    }
    %scan3A_439 = arith.constant 40 : i32
    "tpu.trace_stop"() : () -> ()
    "tpu.trace_start"() <{level = 10 : i32, message = "agg_bar"}> : () -> ()
    %barrier3A_440 = arith.constant 0 : index
    tpu.barrier barrier_id(%barrier3A_440)
    "tpu.trace_stop"() : () -> ()
    "tpu.trace_start"() <{level = 10 : i32, message = "agg_out"}> : () -> ()
    "tpu.region"() ({
      %run_scoped3A = tpu.sem_alloc : memref<!tpu.dma_semaphore, #tpu.memory_space<semaphore_mem>>
      %dma_start3A_441 = arith.constant 0 : i32
      %dma_start3A_442 = tpu.memref_slice %arg4[%arg0, %mul3A_301, %dma_start3A_441] : memref<2x10112x128xf32, #tpu.memory_space<hbm>> -> memref<1x632x128xf32, #tpu.memory_space<hbm>>
      %dma_start3A_443 = tpu.memref_squeeze %dma_start3A_442 : memref<1x632x128xf32, #tpu.memory_space<hbm>> -> memref<632x128xf32, #tpu.memory_space<hbm>>
      %dma_start3A_444 = arith.constant 0 : i32
      %dma_start3A_445 = tpu.memref_slice %arg14[%mul3A_301, %dma_start3A_444] : memref<10112x128xf32, #tpu.memory_space<vmem_shared>> -> memref<632x128xf32, #tpu.memory_space<vmem_shared>>
      tpu.enqueue_dma source(%dma_start3A_445 : memref<632x128xf32, #tpu.memory_space<vmem_shared>>) target(%dma_start3A_443 : memref<632x128xf32, #tpu.memory_space<hbm>>) target_semaphore(%run_scoped3A : memref<!tpu.dma_semaphore, #tpu.memory_space<semaphore_mem>>)
      %dma_wait3A_446 = arith.constant 0 : i32
      %dma_wait3A_447 = tpu.memref_slice %arg4[%arg0, %mul3A_301, %dma_wait3A_446] : memref<2x10112x128xf32, #tpu.memory_space<hbm>> -> memref<1x632x128xf32, #tpu.memory_space<hbm>>
      %dma_wait3A_448 = tpu.memref_squeeze %dma_wait3A_447 : memref<1x632x128xf32, #tpu.memory_space<hbm>> -> memref<632x128xf32, #tpu.memory_space<hbm>>
      %dma_wait3A_449 = arith.constant 0 : i32
      %dma_wait3A_450 = tpu.memref_slice %arg14[%mul3A_301, %dma_wait3A_449] : memref<10112x128xf32, #tpu.memory_space<vmem_shared>> -> memref<632x128xf32, #tpu.memory_space<vmem_shared>>
      tpu.wait_dma2 semaphore(%run_scoped3A : memref<!tpu.dma_semaphore, #tpu.memory_space<semaphore_mem>>) src(%dma_wait3A_450 : memref<632x128xf32, #tpu.memory_space<vmem_shared>>) dst(%dma_wait3A_448 : memref<632x128xf32, #tpu.memory_space<hbm>>)
      tpu.yield
    }) : () -> ()
    "tpu.trace_stop"() : () -> ()
    return
  }
}

module attributes {stable_mosaic.version = 14 : i64} {
  func.func @_scale_body(%arg0: memref<10000x128xf32, #tpu.memory_space<vmem>>, %arg1: memref<2x10240xf32, #tpu.memory_space<vmem>>, %arg2: memref<10000x128xf32, #tpu.memory_space<vmem>>, %arg3: memref<1x10000xf32, #tpu.memory_space<vmem>>) attributes {dimension_semantics = [], scalar_prefetch = 0 : i64, scratch_operands = 0 : i64, tpu.core_type = #tpu.core_type<tc>} {
    %get3A = arith.constant 0 : index
    %get3A_0 = arith.constant 0 : index
    %get3A_1 = vector.load %arg1[%get3A, %get3A_0] : memref<2x10240xf32, #tpu.memory_space<vmem>>, vector<1x10000xf32>
    %get3A_2 = arith.constant 1 : index
    %get3A_3 = arith.constant 0 : index
    %get3A_4 = vector.load %arg1[%get3A_2, %get3A_3] : memref<2x10240xf32, #tpu.memory_space<vmem>>, vector<1x10000xf32>
    %add3A = arith.addf %get3A_1, %get3A_4 : vector<1x10000xf32>
    %add3A_5 = arith.constant 1.000000e+00 : f32
    %add3A_6 = vector.broadcast %add3A_5 : f32 to vector<1x10000xf32>
    %add3A_7 = arith.addf %add3A, %add3A_6 : vector<1x10000xf32>
    %rsqrt3A = math.rsqrt %add3A_7 : vector<1x10000xf32>
    %swap3A = arith.constant 0 : index
    %swap3A_8 = arith.constant 0 : index
    %swap3A_9 = vector.load %arg3[%swap3A, %swap3A_8] : memref<1x10000xf32, #tpu.memory_space<vmem>>, vector<1x10000xf32>
    tpu.vector_store %arg3[%swap3A, %swap3A_8], %rsqrt3A {strides = array<i32>} : memref<1x10000xf32, #tpu.memory_space<vmem>>, vector<1x10000xf32>,
    %transpose3A = tpu.transpose %rsqrt3A, [1, 0] : vector<1x10000xf32> -> vector<10000x1xf32>
    %get3A_10 = arith.constant 0 : index
    %get3A_11 = arith.constant 0 : index
    %get3A_12 = vector.load %arg0[%get3A_10, %get3A_11] : memref<10000x128xf32, #tpu.memory_space<vmem>>, vector<10000x128xf32>
    %mul3A = vector.broadcast %transpose3A : vector<10000x1xf32> to vector<10000x128xf32>
    %mul3A_13 = arith.mulf %mul3A, %get3A_12 : vector<10000x128xf32>
    %swap3A_14 = arith.constant 0 : index
    %swap3A_15 = arith.constant 0 : index
    %swap3A_16 = vector.load %arg2[%swap3A_14, %swap3A_15] : memref<10000x128xf32, #tpu.memory_space<vmem>>, vector<10000x128xf32>
    tpu.vector_store %arg2[%swap3A_14, %swap3A_15], %mul3A_13 {strides = array<i32>} : memref<10000x128xf32, #tpu.memory_space<vmem>>, vector<10000x128xf32>,
    return
  }
}

module attributes {stable_mosaic.version = 14 : i64} {
  func.func @_xw_body(%arg0: memref<10000x128xf32, #tpu.memory_space<vmem>>, %arg1: memref<128x128xf32, #tpu.memory_space<vmem>>, %arg2: memref<10000x128xf32, #tpu.memory_space<vmem>>) attributes {dimension_semantics = [], scalar_prefetch = 0 : i64, scratch_operands = 0 : i64, tpu.core_type = #tpu.core_type<tc>} {
    %get3A = arith.constant 0 : index
    %get3A_0 = arith.constant 0 : index
    %get3A_1 = vector.load %arg0[%get3A, %get3A_0] : memref<10000x128xf32, #tpu.memory_space<vmem>>, vector<10000x128xf32>
    %get3A_2 = arith.constant 0 : index
    %get3A_3 = arith.constant 0 : index
    %get3A_4 = vector.load %arg1[%get3A_2, %get3A_3] : memref<128x128xf32, #tpu.memory_space<vmem>>, vector<128x128xf32>
    %dot_general3A = arith.constant dense<0.000000e+00> : vector<10000x128xf32>
    %dot_general3A_5 = tpu.matmul %get3A_1, %get3A_4, %dot_general3A {dimension_numbers = #tpu.dot_dimension_numbers<[1], [0], [0], [1], [0, 0, 1, 1], [], []>, transpose_lhs_hint = false} : vector<10000x128xf32>, vector<128x128xf32>, vector<10000x128xf32> -> vector<10000x128xf32>
    %swap3A = arith.constant 0 : index
    %swap3A_6 = arith.constant 0 : index
    %swap3A_7 = vector.load %arg2[%swap3A, %swap3A_6] : memref<10000x128xf32, #tpu.memory_space<vmem>>, vector<10000x128xf32>
    tpu.vector_store %arg2[%swap3A, %swap3A_6], %dot_general3A_5 {strides = array<i32>} : memref<10000x128xf32, #tpu.memory_space<vmem>>, vector<10000x128xf32>,
    return
  }
}

module attributes {stable_mosaic.version = 14 : i64} {
  func.func @_fin_body(%arg0: memref<2x10112x128xf32, #tpu.memory_space<vmem>>, %arg1: memref<10000x128xf32, #tpu.memory_space<vmem>>, %arg2: memref<1x10000xf32, #tpu.memory_space<vmem>>, %arg3: memref<128xf32, #tpu.memory_space<vmem>>, %arg4: memref<10000x128xf32, #tpu.memory_space<vmem>>) attributes {dimension_semantics = [], scalar_prefetch = 0 : i64, scratch_operands = 0 : i64, tpu.core_type = #tpu.core_type<tc>} {
    %get3A = arith.constant 0 : index
    %get3A_0 = arith.constant 0 : index
    %get3A_1 = arith.constant 0 : index
    %get3A_2 = vector.load %arg0[%get3A, %get3A_0, %get3A_1] : memref<2x10112x128xf32, #tpu.memory_space<vmem>>, vector<1x10000x128xf32>
    %get3A_3 = vector.shape_cast %get3A_2 : vector<1x10000x128xf32> to vector<10000x128xf32>
    %get3A_4 = arith.constant 1 : index
    %get3A_5 = arith.constant 0 : index
    %get3A_6 = arith.constant 0 : index
    %get3A_7 = vector.load %arg0[%get3A_4, %get3A_5, %get3A_6] : memref<2x10112x128xf32, #tpu.memory_space<vmem>>, vector<1x10000x128xf32>
    %get3A_8 = vector.shape_cast %get3A_7 : vector<1x10000x128xf32> to vector<10000x128xf32>
    %add3A = arith.addf %get3A_3, %get3A_8 : vector<10000x128xf32>
    %get3A_9 = arith.constant 0 : index
    %get3A_10 = arith.constant 0 : index
    %get3A_11 = vector.load %arg1[%get3A_9, %get3A_10] : memref<10000x128xf32, #tpu.memory_space<vmem>>, vector<10000x128xf32>
    %add3A_12 = arith.addf %add3A, %get3A_11 : vector<10000x128xf32>
    %get3A_13 = arith.constant 0 : index
    %get3A_14 = arith.constant 0 : index
    %get3A_15 = vector.load %arg2[%get3A_13, %get3A_14] : memref<1x10000xf32, #tpu.memory_space<vmem>>, vector<1x10000xf32>
    %transpose3A = tpu.transpose %get3A_15, [1, 0] : vector<1x10000xf32> -> vector<10000x1xf32>
    %mul3A = vector.broadcast %transpose3A : vector<10000x1xf32> to vector<10000x128xf32>
    %mul3A_16 = arith.mulf %mul3A, %add3A_12 : vector<10000x128xf32>
    %get3A_17 = arith.constant 0 : index
    %get3A_18 = vector.load %arg3[%get3A_17] : memref<128xf32, #tpu.memory_space<vmem>>, vector<128xf32>
    %broadcast_in_dim3A = vector.shape_cast %get3A_18 : vector<128xf32> to vector<1x128xf32>
    %add3A_19 = vector.broadcast %broadcast_in_dim3A : vector<1x128xf32> to vector<10000x128xf32>
    %add3A_20 = arith.addf %mul3A_16, %add3A_19 : vector<10000x128xf32>
    %max3A = arith.constant 0.000000e+00 : f32
    %max3A_21 = vector.broadcast %max3A : f32 to vector<10000x128xf32>
    %max3A_22 = arith.maximumf %add3A_20, %max3A_21 : vector<10000x128xf32>
    %swap3A = arith.constant 0 : index
    %swap3A_23 = arith.constant 0 : index
    %swap3A_24 = vector.load %arg4[%swap3A, %swap3A_23] : memref<10000x128xf32, #tpu.memory_space<vmem>>, vector<10000x128xf32>
    tpu.vector_store %arg4[%swap3A, %swap3A_23], %max3A_22 {strides = array<i32>} : memref<10000x128xf32, #tpu.memory_space<vmem>>, vector<10000x128xf32>,
    return
  }
}

module attributes {stable_mosaic.version = 14 : i64} {
  func.func @_pack_body(%arg0: memref<2x320000xi32, #tpu.memory_space<vmem>>, %arg1: memref<2560x128xi32, #tpu.memory_space<vmem>>) attributes {dimension_semantics = [], scalar_prefetch = 0 : i64, scratch_operands = 0 : i64, tpu.core_type = #tpu.core_type<tc>} {
    %get3A = arith.constant 0 : index
    %get3A_0 = arith.constant 0 : index
    %get3A_1 = vector.load %arg0[%get3A, %get3A_0] : memref<2x320000xi32, #tpu.memory_space<vmem>>, vector<1x320000xi32>
    %reshape3A = vector.shape_cast %get3A_1 : vector<1x320000xi32> to vector<2500x128xi32>
    %get3A_2 = arith.constant 1 : index
    %get3A_3 = arith.constant 0 : index
    %get3A_4 = vector.load %arg0[%get3A_2, %get3A_3] : memref<2x320000xi32, #tpu.memory_space<vmem>>, vector<1x320000xi32>
    %reshape3A_5 = vector.shape_cast %get3A_4 : vector<1x320000xi32> to vector<2500x128xi32>
    %shift_left3A = arith.constant 16 : i32
    %shift_left3A_6 = vector.broadcast %shift_left3A : i32 to vector<2500x128xi32>
    %shift_left3A_7 = arith.shli %reshape3A_5, %shift_left3A_6 : vector<2500x128xi32>
    %or3A = arith.ori %shift_left3A_7, %reshape3A : vector<2500x128xi32>
    %swap3A = arith.constant 0 : index
    %swap3A_8 = arith.constant 0 : index
    %swap3A_9 = vector.load %arg1[%swap3A, %swap3A_8] : memref<2560x128xi32, #tpu.memory_space<vmem>>, vector<2500x128xi32>
    tpu.vector_store %arg1[%swap3A, %swap3A_8], %or3A {strides = array<i32>} : memref<2560x128xi32, #tpu.memory_space<vmem>>, vector<2500x128xi32>,
    %iota3A = tpu.iota {dimensions = array<i32: 0>} : vector<60x128xi32>
    %iota3A_10 = tpu.iota {dimensions = array<i32: 1>} : vector<60x128xi32>
    %mul3A = arith.constant 128 : i32
    %mul3A_11 = vector.broadcast %mul3A : i32 to vector<60x128xi32>
    %mul3A_12 = arith.muli %iota3A, %mul3A_11 : vector<60x128xi32>
    %add3A = arith.addi %mul3A_12, %iota3A_10 : vector<60x128xi32>
    %jit3A = arith.constant 10000 : i32
    %eq3A = arith.constant 0 : i32
    %eq3A_13 = arith.cmpi eq, %jit3A, %eq3A : i32
    %jit3A_14 = arith.constant 1 : i32
    %select_n3A = arith.select %eq3A_13, %jit3A_14, %jit3A : i32
    %rem3A = vector.broadcast %select_n3A : i32 to vector<60x128xi32>
    %rem3A_15 = arith.remsi %add3A, %rem3A : vector<60x128xi32>
    %ne3A = arith.constant 0 : i32
    %ne3A_16 = vector.broadcast %ne3A : i32 to vector<60x128xi32>
    %ne3A_17 = arith.cmpi ne, %rem3A_15, %ne3A_16 : vector<60x128xi32>
    %lt3A = arith.constant 0 : i32
    %lt3A_18 = vector.broadcast %lt3A : i32 to vector<60x128xi32>
    %lt3A_19 = arith.cmpi slt, %rem3A_15, %lt3A_18 : vector<60x128xi32>
    %lt3A_20 = arith.constant 0 : i32
    %lt3A_21 = arith.cmpi slt, %select_n3A, %lt3A_20 : i32
    %ne3A_22 = vector.broadcast %lt3A_21 : i1 to vector<60x128xi1>
    %ne3A_23 = vector.broadcast %ne3A_22 : vector<60x128xi1> to vector<60x128xi1>
    %ne3A_24 = arith.xori %lt3A_19, %ne3A_23 : vector<60x128xi1>
    %and3A = arith.andi %ne3A_24, %ne3A_17 : vector<60x128xi1>
    %add3A_25 = vector.broadcast %select_n3A : i32 to vector<60x128xi32>
    %add3A_26 = arith.addi %rem3A_15, %add3A_25 : vector<60x128xi32>
    %select_n3A_27 = arith.select %and3A, %add3A_26, %rem3A_15 : vector<60x128xi1>, vector<60x128xi32>
    %jit3A_28 = arith.constant 112 : i32
    %eq3A_29 = arith.constant 0 : i32
    %eq3A_30 = arith.cmpi eq, %jit3A_28, %eq3A_29 : i32
    %jit3A_31 = arith.constant 1 : i32
    %select_n3A_32 = arith.select %eq3A_30, %jit3A_31, %jit3A_28 : i32
    %rem3A_33 = vector.broadcast %select_n3A_32 : i32 to vector<60x128xi32>
    %rem3A_34 = arith.remsi %add3A, %rem3A_33 : vector<60x128xi32>
    %ne3A_35 = arith.constant 0 : i32
    %ne3A_36 = vector.broadcast %ne3A_35 : i32 to vector<60x128xi32>
    %ne3A_37 = arith.cmpi ne, %rem3A_34, %ne3A_36 : vector<60x128xi32>
    %lt3A_38 = arith.constant 0 : i32
    %lt3A_39 = vector.broadcast %lt3A_38 : i32 to vector<60x128xi32>
    %lt3A_40 = arith.cmpi slt, %rem3A_34, %lt3A_39 : vector<60x128xi32>
    %lt3A_41 = arith.constant 0 : i32
    %lt3A_42 = arith.cmpi slt, %select_n3A_32, %lt3A_41 : i32
    %ne3A_43 = vector.broadcast %lt3A_42 : i1 to vector<60x128xi1>
    %ne3A_44 = vector.broadcast %ne3A_43 : vector<60x128xi1> to vector<60x128xi1>
    %ne3A_45 = arith.xori %lt3A_40, %ne3A_44 : vector<60x128xi1>
    %and3A_46 = arith.andi %ne3A_45, %ne3A_37 : vector<60x128xi1>
    %add3A_47 = vector.broadcast %select_n3A_32 : i32 to vector<60x128xi32>
    %add3A_48 = arith.addi %rem3A_34, %add3A_47 : vector<60x128xi32>
    %select_n3A_49 = arith.select %and3A_46, %add3A_48, %rem3A_34 : vector<60x128xi1>, vector<60x128xi32>
    %add3A_50 = arith.constant 10000 : i32
    %add3A_51 = vector.broadcast %add3A_50 : i32 to vector<60x128xi32>
    %add3A_52 = arith.addi %add3A_51, %select_n3A_49 : vector<60x128xi32>
    %shift_left3A_53 = arith.constant 16 : i32
    %shift_left3A_54 = vector.broadcast %shift_left3A_53 : i32 to vector<60x128xi32>
    %shift_left3A_55 = arith.shli %add3A_52, %shift_left3A_54 : vector<60x128xi32>
    %or3A_56 = arith.ori %shift_left3A_55, %select_n3A_27 : vector<60x128xi32>
    %swap3A_57 = arith.constant 2500 : index
    %swap3A_58 = arith.constant 0 : index
    %swap3A_59 = vector.load %arg1[%swap3A_57, %swap3A_58] : memref<2560x128xi32, #tpu.memory_space<vmem>>, vector<60x128xi32>
    tpu.vector_store %arg1[%swap3A_57, %swap3A_58], %or3A_56 {strides = array<i32>} : memref<2560x128xi32, #tpu.memory_space<vmem>>, vector<60x128xi32>,
    return
  }
}

</mosaic_0001>

<sc_bundles>
// kernel: kernel.11.cloned.1.call-start
scs
__scs_entry_jumppad:
0x0: {  	(pc) =	sbr.rel $0x88, $3  }
0x1: {  	(tag) =	ssettag $0x0;
	lr =	simm.s32 $0x1  }
0x2: {  	[smem:$0x3F9D] =	sst lr;
	_ =	strace $0xD0000000  }
0x3: {  	_ = 	snop  }
0x4: {  	_ = 	snop  }
0x5: {  	_ = 	snop  }
0x6: {  	_ = 	snop  }
0x7: {  	_ = 	snop  }
__scs_overlays_trampoline_lowered:
0x8: {  	[smem:$0x3FAC] =	sst s0  }
0x9: {  	[smem:$0x3FAD] =	sst s1  }
0xa: {  	[smem:$0x3FAE] =	sst s2  }
0xb: {  	[smem:$0x3FAF] =	sst s3  }
0xc: {  	[smem:$0x3FB0] =	sst s4  }
0xd: {  	[smem:$0x3FB1] =	sst s5  }
0xe: {  	[smem:$0x3FB2] =	sst s6  }
0xf: {  	[smem:$0x3FB3] =	sst s7  }
0x10: {  	[smem:$0x3FB4] =	sst s8  }
0x11: {  	[smem:$0x3FB5] =	sst s9;
	s0 =	simm.s32 @!p0 $0x0  }
0x12: {  	s1 =	sld [smem:$0x3F9B];
	s0 =	simm.s32 @p0 $0x1  }
0x13: {  	[smem:$0x3FB6] =	sst s0;
	s0 =	simm.s32 @!p1 $0x0  }
0x14: {  	s2 =	sld [smem:$0x3F9A];
	s0 =	simm.s32 @p1 $0x1  }
0x15: {  	[smem:$0x3FB7] =	sst s0;
	s0 =	simm.s32 @!p2 $0x0  }
0x16: {  	s3 =	sld [smem:$0x3FDB];
	s0 =	simm.s32 @p2 $0x1  }
0x17: {  	s4 =	simm.s32 $0x1BF5;
	[smem:$0x3FB9] =	sst s0  }
0x18: {  	s0 =	sld [smem:$0x3F9C];
	_ =	swait.ge [sflag:s4], $0x0  }
0x19: {  	s7 =	sld [smem:$0x3F9D]  }
0x1a: {  	s8 =	sadd.s32 $0xFFFFE003, lr  }
0x1b: {  	s9 =	sadd.s32 $0xFFFFFEF7, lr;
	s5 =	simm.s32 $0xFFFFFFFF;
	p2 =	slt.u32 s8, $0xFFFFF086  }
0x1c: {  	p1 =	slt.u32 s9, $0xF7A;
	s5 =	simm.s32 @!p2 $0x0  }
0x1d: {  	s5 =	simm.s32 @p1 $0x1;
	p0 =	seq.s32 s7, s2  }
0x1e: {  	s7 =	smul.u32 @!p0 $0xF7A, s2;
	p2 =	seq.s32 @!p0 s5, $0x0  }
0x1f: {  	s9 =	smul.u32 $0xF7A, s1;
	s8 =	simm.s32 @!p0 $0x1BF5;
	p2 =	por !p2, p0  }
0x20: {  	[sflag:s8] =	ssyncset.s32 @!p0 $0xFFFFF086;
	s6 =	sadd.s32 @!p0 s3, s7;
	s7 =	simm.s32 @!p0 $0x108  }
0x21: {  	s3 =	sadd.s32 s3, s9;
	s6 =	sadd.s32 @!p0 $0x88, s6;
	s7 =	simm.s32 @p2 $0x1082  }
0x22: {  	[simem:s7], [sflag:s8] =	dma.local @!p0 [hbm:s6], $0xF7A  }
0x23: {  	s9 =	sor.u32 $0xD0000000, s2;
	s6 =	simm.s32 $0x108;
	_ =	swait.ge @!p0 [sflag:s8], $0x0  }
0x24: {  	s3 =	sadd.s32 $0x88, s3;
	s6 =	simm.s32 @!p1 $0x1082;
	[sflag:s4] =	ssyncset.s32 $0xFFFFF086  }
0x25: {  	[simem:s6], [sflag:s4] =	dma.local [hbm:s3], $0xF7A  }
0x26: {  	[smem:$0x3F9D] =	sst s1;
	(tag) =	ssettag s2;
	_ =	strace s9  }
0x27: {  	s1 =	sld [smem:$0x3FAD]  }
0x28: {  	s2 =	sld [smem:$0x3FAE]  }
0x29: {  	s4 =	sld [smem:$0x3FB0]  }
0x2a: {  	p0 =	seq.s32 s5, $0x0;
	s5 =	sld [smem:$0x3FB1]  }
0x2b: {  	s6 =	sld [smem:$0x3FB2]  }
0x2c: {  	s7 =	sld [smem:$0x3FB3]  }
0x2d: {  	s3 =	simm.s32 $0x108;
	s8 =	sld [smem:$0x3FB4]  }
0x2e: {  	s3 =	simm.s32 @!p0 $0x1082;
	s9 =	sld [smem:$0x3FB5]  }
0x2f: {  	lr =	sadd.s32 s0, s3;
	s0 =	sld [smem:$0x3FAC]  }
0x30: {  	s3 =	sld [smem:$0x3FAF]  }
0x31: {  	[smem:$0x3FB8] =	sst s10  }
0x32: {  	s10 =	sld [smem:$0x3FB6];
	_ =	sdelay $0x3  }
0x33: {  	p0 =	seq.s32 s10, $0x1;
	s10 =	sld [smem:$0x3FB8];
	_ =	sdelay $0x3  }
0x34: {  	[smem:$0x3FB8] =	sst s10  }
0x35: {  	s10 =	sld [smem:$0x3FB7];
	_ =	sdelay $0x3  }
0x36: {  	p1 =	seq.s32 s10, $0x1;
	s10 =	sld [smem:$0x3FB8];
	_ =	sdelay $0x3  }
0x37: {  	[smem:$0x3FB8] =	sst s10  }
0x38: {  	s10 =	sld [smem:$0x3FB9]  }
0x39: {  	_ = 	snop;
	(pc) =	sbr.ind lr, $3  }
0x3a: {  	_ = 	snop  }
0x3b: {  	_ = 	snop  }
0x3c: {  	p2 =	seq.s32 s10, $0x1;
	s10 =	sld [smem:$0x3FB8]  }
0x3d: {  	_ =	shalt  }
0x3e: {  	_ =	shalt  }
0x3f: {  	_ =	shalt  }
0x40: {  	_ =	shalt  }
0x41: {  	_ =	shalt  }
0x42: {  	_ =	shalt  }
0x43: {  	_ =	shalt  }
0x44: {  	_ =	shalt  }
0x45: {  	_ =	shalt  }
0x46: {  	_ =	shalt  }
0x47: {  	_ =	shalt  }
0x48: {  	_ =	shalt  }
0x49: {  	_ =	shalt  }
0x4a: {  	_ =	shalt  }
0x4b: {  	_ =	shalt  }
0x4c: {  	_ =	shalt  }
0x4d: {  	_ =	shalt  }
0x4e: {  	_ =	shalt  }
0x4f: {  	_ =	shalt  }
0x50: {  	_ =	shalt  }
0x51: {  	_ =	shalt  }
0x52: {  	_ =	shalt  }
0x53: {  	_ =	shalt  }
0x54: {  	_ =	shalt  }
0x55: {  	_ =	shalt  }
0x56: {  	_ =	shalt  }
0x57: {  	_ =	shalt  }
0x58: {  	_ =	shalt  }
0x59: {  	_ =	shalt  }
0x5a: {  	_ =	shalt  }
0x5b: {  	_ =	shalt  }
0x5c: {  	_ =	shalt  }
0x5d: {  	_ =	shalt  }
0x5e: {  	_ =	shalt  }
0x5f: {  	_ =	shalt  }
0x60: {  	_ =	shalt  }
0x61: {  	_ =	shalt  }
0x62: {  	_ =	shalt  }
0x63: {  	_ =	shalt  }
0x64: {  	_ =	shalt  }
0x65: {  	_ =	shalt  }
0x66: {  	_ =	shalt  }
0x67: {  	_ =	shalt  }
0x68: {  	_ =	shalt  }
0x69: {  	_ =	shalt  }
0x6a: {  	_ =	shalt  }
0x6b: {  	_ =	shalt  }
0x6c: {  	_ =	shalt  }
0x6d: {  	_ =	shalt  }
0x6e: {  	_ =	shalt  }
0x6f: {  	_ =	shalt  }
0x70: {  	_ =	shalt  }
0x71: {  	_ =	shalt  }
0x72: {  	_ =	shalt  }
0x73: {  	_ =	shalt  }
0x74: {  	_ =	shalt  }
0x75: {  	_ =	shalt  }
0x76: {  	_ =	shalt  }
0x77: {  	_ =	shalt  }
0x78: {  	_ =	shalt  }
0x79: {  	_ =	shalt  }
0x7a: {  	_ =	shalt  }
0x7b: {  	_ =	shalt  }
0x7c: {  	_ =	shalt  }
0x7d: {  	_ =	shalt  }
0x7e: {  	_ =	shalt  }
0x7f: {  	_ =	shalt  }
0x80: {  	_ =	shalt  }
0x81: {  	_ =	shalt  }
0x82: {  	_ =	shalt  }
0x83: {  	_ =	shalt  }
0x84: {  	_ =	shalt  }
0x85: {  	_ =	shalt  }
0x86: {  	_ =	shalt  }
0x87: {  	_ =	shalt  }
.Lfunc_end0:
.L_simem_size_0:
called_computation.1_lowered:
.L_overlay_start_0:
0x88: {  	s2 =	sld [smem:$0x3FD9]  }
0x89: {  	s3 =	sld [smem:$0x3FFE];
	_ =	sdelay $0x1  }
0x8a: {  	s1 =	srdreg.scid  }
0x8b: {  	s0 =	sand.u32 $0x1, s1  }
0x8c: {  	s17 =	sshll.u32 s0, $0xA;
	s2 =	sadd.s32 s3, s2  }
0x8d: {  	s2 =	sadd.s32 s2, s17  }
0x8e: {  	[smem:$0x3FC4] =	sst s2  }
0x8f: {  	_ = 	snop  }
0x90: {  	s2 =	sld [smem:$0x3FD0];
	(tm) =	ssettm $0x1  }
0x91: {  	s18 =	sld [smem:$0x3FFB];
	_ =	sdelay $0x3  }
0x92: {  	_ =	strace s18  }
0x93: {  	s3 =	sld [smem:$0x3FFC];
	_ =	sdelay $0x3  }
0x94: {  	_ =	strace s3  }
0x95: {  	s3 =	sld [smem:$0x3FFD];
	_ =	sdelay $0x3  }
0x96: {  	_ =	strace s3  }
0x97: {  	_ =	strace $0x8FFFFFFF  }
0x98: {  	s19 =	sld [smem:$0x3FDB];
	_ =	sdelay $0x1  }
0x99: {  	s4 =	simm.s32 $_scs_section_size  }
0x9a: {  	s5 =	simm.s32 $_size__tile_overlayer_lowered;
	s6 =	simm.s32 $_tile_overlayer_lowered  }
0x9b: {  	s22 =	simm.s32 $0x1BFF;
	s21 =	sshll.u32 s6, $0x1;
	s3 =	sadd.s32 s4, s19  }
0x9c: {  	s7 =	simm.s32 $0x0;
	s20 =	sshll.u32 s5, $0x1;
	s5 =	sadd.s32 s21, s3  }
0x9d: {  	[timem:s7], [sflag:s22] =	dma.local [hbm:s5], s20  }
0x9e: {  	_ =	swait.ge [sflag:s22], s20  }
0x9f: {  	s4 =	ssub.s32 $0x0, s20;
	[sflag:s22] =	ssyncset.done $0x0  }
0xa0: {  	[sflag:s22] =	ssyncadd.s32 s4;
	_ =	sdelay $0x1  }
0xa1: {  	s23 =	simm.s32 $0x1B8B  }
0xa2: {  	_ =	swait.ge [sflag:s23], $0x1  }
0xa3: {  	[sflag:s23] =	ssyncset.done $0x0  }
0xa4: {  	s25 =	simm.s32 $0x1B8E;
	s24 =	sld [smem:$0x3FFE];
	[sflag:s23] =	ssyncadd.s32 $0xFFFFFFFF  }
0xa5: {  	s26 =	simm.s32 $execute0_lowered;
	[smem:$0x3FD2] =	sst s25  }
0xa6: {  	s5 =	sshll.u32 s26, $0x1;
	_ =	strace $0x80000049;
	[dreg:$0x1] =	wrdreg $0xFFFFFFFF  }
0xa7: {  	s28 =	simm.s32 $_size_execute0_lowered;
	s3 =	sadd.s32 s3, s5;
	[dreg:$0x0] =	wrdreg $0x0  }
0xa8: {  	s5 =	sshll.u32 s28, $0x1;
	[dreg:$0x2] =	wrdreg s3  }
0xa9: {  	[dreg:$0x3] =	wrdreg s5  }
0xaa: {  	[dreg:$0x4] =	wrdreg $0xC0  }
0xab: {  	_ =	task [dreg:s7], $0x5FFFF  }
0xac: {  	[dreg:$0x1] =	wrdreg $0xFFFFFFFF  }
0xad: {  	[dreg:$0x0] =	wrdreg $0x60  }
0xae: {  	[dreg:$0x2] =	wrdreg s2  }
0xaf: {  	[dreg:$0x3] =	wrdreg s24  }
0xb0: {  	[dreg:$0x4] =	wrdreg $0xAC000  }
0xb1: {  	[dreg:$0x5] =	wrdreg $0x9  }
0xb2: {  	_ =	task.clear_ibuf [dreg:s7], $0x6FFFF;
	_ =	strace $0x90000049  }
0xb3: {  	s29 =	simm.s32 $0x9;
	_ =	strace $0x8000004F  }
0xb4: {  	_ =	swait.ge [sflag:s29], $0x1  }
0xb5: {  	[sflag:s29] =	ssyncadd.s32 $0xFFFFFFFF  }
0xb6: {  	_ =	strace $0x9000004F  }
0xb7: {  	_ =	sfence  }
0xb8: {  	s30 =	sld [smem:$0x0];
	_ =	sdelay $0x2  }
0xb9: {  	s31 =	sshll.u32 s1, $0xD;
	s1 =	sshrl.u32 s1, $0x2  }
0xba: {  	s3 =	sand.u32 $0x4000, s31;
	s1 =	sadd.s32 s1, s30  }
0xbb: {  	s0 =	sor.u32 s3, s0;
	s1 =	sshll.u32 s1, $0x11  }
0xbc: {  	s0 =	sor.u32 s1, s0  }
0xbd: {  	s0 =	sadd.s32 $0x8F2B, s0  }
0xbe: {  	[sflag:s0] =	ssyncadd.remote.s32 $0x1  }
0xbf: {  	_ =	sfence.sel $0xFFFF  }
0xc0: {  	[dreg:$0x0] =	wrdreg $0xFFFFFFFF;
	(pc) =	sbr.abs _section_cstart, $3  }
0xc1: {  	[dreg:$0x1] =	wrdreg $0xFFFFFFFF  }
0xc2: {  	_ =	task.clear_ibuf [dreg:s7], $0x2FFFF;
	_ =	strace $0x9FFFFFFF  }
0xc3: {  	(tm) =	ssettm $0x7FFFFFFF  }
tec
execute0_lowered:
.L_overlay_start_1:
0x0: {  	(tag) =	ssettag $0x1  }
0x1: {  	s0 =	srdreg.scid;
	s2 =	rddreg [dreg:$0x0]  }
0x2: {  	s7 =	stileid.u32;
	s4 =	rddreg [dreg:$0x1]  }
0x3: {  	s3 =	rddreg [dreg:$0x2];
	s8 =	simm.s32 $0x0;
	s18 =	simm.s32 $0x5  }
0x4: {  	s19 =	simm.s32 $0x40;
	s28 =	simm.s32 $0x4;
	s29 =	simm.s32 $0x2B00  }
0x5: {  	s30 =	simm.s32 $0x1;
	s31 =	simm.s32 $0x2880;
	s6 =	smul.u32 $0x13C00, s7  }
0x6: {  	s0 =	sand.u32 $0x1, s0;
	s1 =	sshll.u32 s7, $0x1;
	s7 =	smul.u32 $0x4F000, s7  }
0x7: {  	[smem:$0x7FF] =	sst s8;
	s1 =	sor.u32 s0, s1;
	s5 =	smul.u32 $0x13C000, s0  }
0x8: {  	_ =	strace $0x8000004A;
	s0 =	ssub.s32 $0x2, s0;
	s1 =	smul.u32 $0x500, s1  }
0x9: {  	s20 =	sshrl.u32 s7, $0x2;
	s21 =	sshrl.u32 s0, $0x1;
	s5 =	sadd.s32 s6, s5  }
0xa: {  	s0 =	ssub.s32 s0, s21;
	s21 =	simm.s32 $0x2C00;
	s5 =	sshrl.u32 s5, $0x3  }
0xb: {  	s1 =	sadd.s32 s1, s4;
	s17 =	smax.u32 s0, $0x1;
	s4 =	sadd.s32 s5, s4  }
0xc: {  	s5 =	sadd.s32 s20, s3;
	s1 =	sadd.s32 $0x1C00, s1;
	s20 =	simm.s32 $0x2B80  }
0xd: {  	[dreg:$0x4] =	wrdreg s1;
	s22 =	sadd.s32 $0x2000, s5;
	s23 =	sadd.s32 $0x4000, s5  }
0xe: {  	s24 =	sadd.s32 $0x6000, s5;
	s25 =	sadd.s32 $0x8000, s5;
	[dreg:$0x5] =	wrdreg s22  }
0xf: {  	s26 =	sadd.s32 $0xA000, s5;
	s12 =	sadd.s32 $0xC000, s5;
	[dreg:$0x6] =	wrdreg s23  }
0x10: {  	s13 =	sadd.s32 $0xE000, s5;
	s14 =	sadd.s32 $0x10000, s5;
	[dreg:$0x7] =	wrdreg s24  }
0x11: {  	s15 =	sadd.s32 $0x12000, s5;
	s16 =	sadd.s32 $0xBC00, s4;
	[dreg:$0x8] =	wrdreg s25  }
0x12: {  	s1 =	simm.s32 $0x3;
	s4 =	simm.s32 $0x2A80;
	[dreg:$0x9] =	wrdreg s26  }
0x13: {  	v0 =	vimm.f32 $0.0e+00;
	s25 =	simm.s32 $0x6C00;
	s26 =	simm.s32 $0x8C00;
	s22 =	simm.s32 $0x0  }
.LBB2_1:
0x14: {  	_ =	strace $0x8000004B  }
0x15: {  	s0 =	simm.s32 $0x0;
	s6 =	rddreg [dreg:$0x4]  }
0x16: {  	[tilespmem:s0], [sflag:$0x5] =	stream.linear.gather [hbm4b:s6+s0], $0x2800, $0x200038;
	[tilespmem:$0x1E800] =	vst v63  }
0x17: {  	_ =	swait.ge [sflag:s18], $0x2800  }
0x18: {  	[sflag:s18] =	ssyncset.done $0x0  }
0x19: {  	[sflag:s18] =	ssyncadd.s32 $0xFFFFD800  }
0x1a: {  	v1 =	vld [tilespmem:$0x0];
	_ =	sdelay $0x1  }
0x1b: {  	v2 =	vld [tilespmem:$0x10];
	_ =	sdelay $0x1  }
0x1c: {  	v3 =	vld [tilespmem:$0x20]  }
0x1d: {  	v4 =	vand.u32 $0xFFFF, v1  }
0x1e: {  	v59 =	vld [tilespmem:$0x30];
	v1 =	vshrl.u32 v1, $0x10;
	[tilespmem:$0x2800] =	vst v4  }
0x1f: {  	[tilespmem:$0x2880] =	vst v1;
	v1 =	vand.u32 $0xFFFF, v2  }
0x20: {  	[tilespmem:$0x2810] =	vst v1;
	v1 =	vshrl.u32 v2, $0x10  }
0x21: {  	[tilespmem:$0x2890] =	vst v1;
	v1 =	vand.u32 $0xFFFF, v3  }
0x22: {  	[tilespmem:$0x2820] =	vst v1;
	v1 =	vshrl.u32 v3, $0x10  }
0x23: {  	[tilespmem:$0x28A0] =	vst v1;
	v1 =	vand.u32 $0xFFFF, v59  }
0x24: {  	[tilespmem:$0x2830] =	vst v1;
	v1 =	vshrl.u32 v59, $0x10  }
0x25: {  	s10 =	simm.s32 $0x2800;
	[tilespmem:$0x28B0] =	vst v1  }
0x26: {  	[tilespmem:s21], [sflag:$0x1] =	stream.indirect.gather [hbm4b:s2+s19], $0x80, s10, s19, $0x2000b8;
	[tilespmem:$0x1E800] =	vst v63  }
0x27: {  	v1 =	vld [tilespmem:$0x40];
	_ =	sdelay $0x1  }
0x28: {  	v2 =	vld [tilespmem:$0x50];
	_ =	sdelay $0x1  }
0x29: {  	v3 =	vld [tilespmem:$0x60]  }
0x2a: {  	v60 =	vand.u32 $0xFFFF, v1  }
0x2b: {  	v61 =	vld [tilespmem:$0x70];
	v1 =	vshrl.u32 v1, $0x10;
	[tilespmem:$0x2900] =	vst v60  }
0x2c: {  	[tilespmem:$0x2980] =	vst v1;
	v1 =	vand.u32 $0xFFFF, v2  }
0x2d: {  	[tilespmem:$0x2910] =	vst v1;
	v1 =	vshrl.u32 v2, $0x10  }
0x2e: {  	[tilespmem:$0x2990] =	vst v1;
	v1 =	vand.u32 $0xFFFF, v3  }
0x2f: {  	[tilespmem:$0x2920] =	vst v1;
	v1 =	vshrl.u32 v3, $0x10  }
0x30: {  	[tilespmem:$0x29A0] =	vst v1;
	v1 =	vand.u32 $0xFFFF, v61  }
0x31: {  	[tilespmem:$0x2930] =	vst v1;
	v1 =	vshrl.u32 v61, $0x10  }
0x32: {  	s11 =	simm.s32 $0x2900;
	s23 =	simm.s32 $0x4C00;
	[tilespmem:$0x29B0] =	vst v1  }
0x33: {  	[tilespmem:s23], [sflag:$0x2] =	stream.indirect.gather [hbm4b:s2+s19], $0x80, s11, s19, $0x2000b8;
	[tilespmem:$0x1E800] =	vst v63  }
0x34: {  	v1 =	vld [tilespmem:$0x80];
	_ =	sdelay $0x1  }
0x35: {  	v2 =	vld [tilespmem:$0x90];
	_ =	sdelay $0x1  }
0x36: {  	v3 =	vld [tilespmem:$0xA0]  }
0x37: {  	v62 =	vand.u32 $0xFFFF, v1  }
0x38: {  	v63 =	vld [tilespmem:$0xB0];
	v1 =	vshrl.u32 v1, $0x10;
	[tilespmem:$0x2A00] =	vst v62  }
0x39: {  	[tilespmem:$0x2A80] =	vst v1;
	v1 =	vand.u32 $0xFFFF, v2  }
0x3a: {  	[tilespmem:$0x2A10] =	vst v1;
	v1 =	vshrl.u32 v2, $0x10  }
0x3b: {  	[tilespmem:$0x2A90] =	vst v1;
	v1 =	vand.u32 $0xFFFF, v3  }
0x3c: {  	[tilespmem:$0x2A20] =	vst v1;
	v1 =	vshrl.u32 v3, $0x10  }
0x3d: {  	[tilespmem:$0x2AA0] =	vst v1;
	v1 =	vand.u32 $0xFFFF, v63  }
0x3e: {  	[tilespmem:$0x2A30] =	vst v1;
	v1 =	vshrl.u32 v63, $0x10  }
0x3f: {  	s24 =	simm.s32 $0x2A00;
	s0 =	simm.s32 $0x0;
	s6 =	simm.s32 $0x200;
	[tilespmem:$0x2AB0] =	vst v1  }
0x40: {  	[tilespmem:s25], [sflag:$0x3] =	stream.indirect.gather [hbm4b:s2+s19], $0x80, s24, s19, $0x2000b8;
	[tilespmem:$0x1E800] =	vst v63  }
.LBB2_2:
0x41: {  	p0 =	sne.s32 s6, $0x7E00;
	[tilespmem:s0+$0x8C70] =	vst v0  }
0x42: {  	[tilespmem:s0+$0x8C00] =	vst v0  }
0x43: {  	[tilespmem:s0+$0x8C10] =	vst v0  }
.Ltmp0:
0x44: {  	[tilespmem:s0+$0x8C20] =	vst v0;
	(pc) =	sbr.rel @p0 .LBB2_2-.Ltmp0, $4  }
0x45: {  	[tilespmem:s0+$0x8C30] =	vst v0  }
0x46: {  	[tilespmem:s0+$0x8C40] =	vst v0  }
0x47: {  	[tilespmem:s0+$0x8C50] =	vst v0  }
0x48: {  	[tilespmem:s0+$0x8C60] =	vst v0;
	s0 =	sshra.s32 s6, $0x2;
	s6 =	sadd.s32 $0x200, s6  }
0x49: {  	[tilespmem:s0+$0x8C70] =	vst v0  }
0x4a: {  	[tilespmem:s0+$0x8C00] =	vst v0  }
0x4b: {  	[tilespmem:s0+$0x8C10] =	vst v0  }
0x4c: {  	[tilespmem:s0+$0x8C20] =	vst v0  }
0x4d: {  	[tilespmem:s0+$0x8C30] =	vst v0  }
0x4e: {  	[tilespmem:s0+$0x8C40] =	vst v0  }
0x4f: {  	[tilespmem:s0+$0x8C50] =	vst v0  }
0x50: {  	[tilespmem:s0+$0x8C60] =	vst v0  }
0x51: {  	[spmem:s5] =	stream.linear.scatter [tilespmem:s26], [sflag:$0x4], $0x2000, $0x200038;
	[tilespmem:$0x1E800] =	vst v63  }
0x52: {  	s8 =	rddreg [dreg:$0x5]  }
0x53: {  	[spmem:s8] =	stream.linear.scatter [tilespmem:s26], [sflag:$0x4], $0x2000, $0x200038;
	[tilespmem:$0x1E800] =	vst v63  }
0x54: {  	s9 =	rddreg [dreg:$0x6]  }
0x55: {  	[spmem:s9] =	stream.linear.scatter [tilespmem:s26], [sflag:$0x4], $0x2000, $0x200038;
	[tilespmem:$0x1E800] =	vst v63  }
0x56: {  	s10 =	rddreg [dreg:$0x7]  }
0x57: {  	[spmem:s10] =	stream.linear.scatter [tilespmem:s26], [sflag:$0x4], $0x2000, $0x200038;
	[tilespmem:$0x1E800] =	vst v63  }
0x58: {  	s11 =	rddreg [dreg:$0x8]  }
0x59: {  	[spmem:s11] =	stream.linear.scatter [tilespmem:s26], [sflag:$0x4], $0x2000, $0x200038;
	[tilespmem:$0x1E800] =	vst v63  }
0x5a: {  	s23 =	rddreg [dreg:$0x9]  }
0x5b: {  	[spmem:s23] =	stream.linear.scatter [tilespmem:s26], [sflag:$0x4], $0x2000, $0x200038;
	[tilespmem:$0x1E800] =	vst v63  }
0x5c: {  	_ = 	snop  }
0x5d: {  	[spmem:s12] =	stream.linear.scatter [tilespmem:s26], [sflag:$0x4], $0x2000, $0x200038;
	[tilespmem:$0x1E800] =	vst v63  }
0x5e: {  	_ = 	snop  }
0x5f: {  	[spmem:s13] =	stream.linear.scatter [tilespmem:s26], [sflag:$0x4], $0x2000, $0x200038;
	[tilespmem:$0x1E800] =	vst v63  }
0x60: {  	_ = 	snop  }
0x61: {  	[spmem:s14] =	stream.linear.scatter [tilespmem:s26], [sflag:$0x4], $0x2000, $0x200038;
	[tilespmem:$0x1E800] =	vst v63  }
0x62: {  	_ = 	snop  }
0x63: {  	[spmem:s15] =	stream.linear.scatter [tilespmem:s26], [sflag:$0x4], $0x1C00, $0x200038;
	[tilespmem:$0x1E800] =	vst v63  }
0x64: {  	_ =	swait.ge [sflag:s28], $0x2000  }
0x65: {  	[sflag:s28] =	ssyncset.done $0x0  }
0x66: {  	[sflag:s28] =	ssyncadd.s32 $0xFFFFE000  }
0x67: {  	_ =	swait.ge [sflag:s28], $0x2000  }
0x68: {  	[sflag:s28] =	ssyncset.done $0x0  }
0x69: {  	[sflag:s28] =	ssyncadd.s32 $0xFFFFE000  }
0x6a: {  	_ =	swait.ge [sflag:s28], $0x2000  }
0x6b: {  	[sflag:s28] =	ssyncset.done $0x0  }
0x6c: {  	[sflag:s28] =	ssyncadd.s32 $0xFFFFE000  }
0x6d: {  	_ =	swait.ge [sflag:s28], $0x2000  }
0x6e: {  	[sflag:s28] =	ssyncset.done $0x0  }
0x6f: {  	[sflag:s28] =	ssyncadd.s32 $0xFFFFE000  }
0x70: {  	_ =	swait.ge [sflag:s28], $0x2000  }
0x71: {  	[sflag:s28] =	ssyncset.done $0x0  }
0x72: {  	[sflag:s28] =	ssyncadd.s32 $0xFFFFE000  }
0x73: {  	_ =	swait.ge [sflag:s28], $0x2000  }
0x74: {  	[sflag:s28] =	ssyncset.done $0x0  }
0x75: {  	[sflag:s28] =	ssyncadd.s32 $0xFFFFE000  }
0x76: {  	_ =	swait.ge [sflag:s28], $0x2000  }
0x77: {  	[sflag:s28] =	ssyncset.done $0x0  }
0x78: {  	[sflag:s28] =	ssyncadd.s32 $0xFFFFE000  }
0x79: {  	_ =	swait.ge [sflag:s28], $0x2000  }
0x7a: {  	[sflag:s28] =	ssyncset.done $0x0  }
0x7b: {  	[sflag:s28] =	ssyncadd.s32 $0xFFFFE000  }
0x7c: {  	_ =	swait.ge [sflag:s28], $0x2000  }
0x7d: {  	[sflag:s28] =	ssyncset.done $0x0  }
0x7e: {  	[sflag:s28] =	ssyncadd.s32 $0xFFFFE000  }
0x7f: {  	_ =	swait.ge [sflag:s28], $0x1C00  }
0x80: {  	[sflag:s28] =	ssyncset.done $0x0  }
0x81: {  	[sflag:s28] =	ssyncadd.s32 $0xFFFFE400  }
0x82: {  	[bflag:$0x0] =	sbarrier.arrive $0xFFFF  }
0x83: {  	_ =	strace $0x9000004B  }
0x84: {  	s24 =	simm.s32 $0x0;
	_ =	strace $0x8000004C  }
0x85: {  	v1 =	vld [tilespmem:s24+$0xC0];
	_ =	sdelay $0x4  }
0x86: {  	v2 =	vand.u32 $0xFFFF, v1  }
0x87: {  	v1 =	vshrl.u32 v1, $0x10;
	[tilespmem:$0x2B00] =	vst v2  }
0x88: {  	[tilespmem:$0x2B80] =	vst v1  }
0x89: {  	v1 =	vld [tilespmem:s24+$0xD0];
	_ =	sdelay $0x4  }
0x8a: {  	v2 =	vand.u32 $0xFFFF, v1  }
0x8b: {  	v1 =	vshrl.u32 v1, $0x10;
	[tilespmem:$0x2B10] =	vst v2  }
0x8c: {  	[tilespmem:$0x2B90] =	vst v1  }
0x8d: {  	v1 =	vld [tilespmem:s24+$0xE0];
	_ =	sdelay $0x4  }
0x8e: {  	v2 =	vand.u32 $0xFFFF, v1  }
0x8f: {  	v1 =	vshrl.u32 v1, $0x10;
	[tilespmem:$0x2B20] =	vst v2  }
0x90: {  	[tilespmem:$0x2BA0] =	vst v1  }
0x91: {  	v1 =	vld [tilespmem:s24+$0xF0];
	_ =	sdelay $0x4  }
0x92: {  	v2 =	vand.u32 $0xFFFF, v1  }
0x93: {  	v1 =	vshrl.u32 v1, $0x10;
	[tilespmem:$0x2B30] =	vst v2  }
0x94: {  	[tilespmem:$0x2BB0] =	vst v1  }
0x95: {  	[tilespmem:s26], [sflag:$0x4] =	stream.indirect.gather [hbm4b:s2+s19], $0x80, s29, s19, $0x2000b8;
	[tilespmem:$0x1E800] =	vst v63  }
0x96: {  	_ =	swait.ge [sflag:s30], $0x2000  }
0x97: {  	[sflag:s30] =	ssyncset.done $0x0  }
0x98: {  	[sflag:s30] =	ssyncadd.s32 $0xFFFFE000  }
0x99: {  	[spmem:s3] =	stream.indirect.scatter.add.f32 [tilespmem:s21], [sflag:$0x5], $0x80, s31, s19, $0x2000b8;
	[tilespmem:$0x1E800] =	vst v63  }
0x9a: {  	_ =	swait.ge [sflag:s18], $0x2000  }
0x9b: {  	p0 =	por $0x0, $0x0;
	[sflag:s18] =	ssyncset.done $0x0  }
0x9c: {  	s0 =	simm.s32 @p0 $0x2;
	[sflag:s18] =	ssyncadd.s32 $0xFFFFE000  }
0x9d: {  	_ =	swait.ge @p0 [sflag:s0], $0x2000  }
0x9e: {  	s6 =	simm.s32 @p0 $0x4C00;
	s7 =	simm.s32 @p0 $0x40;
	[sflag:s0] =	ssyncset.done @p0 $0x0  }
0x9f: {  	s8 =	simm.s32 @p0 $0x2980;
	s23 =	simm.s32 @p0 $0x5;
	[sflag:s0] =	ssyncadd.s32 @p0 $0xFFFFE000  }
0xa0: {  	[spmem:s3] =	stream.indirect.scatter.add.f32 @p0 [tilespmem:s6], [sflag:$0x5], $0x80, s8, s7, $0x2000b8;
	[tilespmem:$0x1E800] =	vst v63  }
0xa1: {  	_ =	swait.ge @p0 [sflag:s23], $0x2000  }
0xa2: {  	[sflag:s23] =	ssyncset.done @p0 $0x0  }
0xa3: {  	s24 =	simm.s32 @!p0 $0x0;
	[sflag:s23] =	ssyncadd.s32 @p0 $0xFFFFE000  }
0xa4: {  	v1 =	vld @!p0 [tilespmem:s24+$0x100];
	_ =	sdelay $0x4  }
0xa5: {  	v2 =	vand.u32 @!p0 $0xFFFF, v1  }
0xa6: {  	v1 =	vshrl.u32 @!p0 v1, $0x10;
	[tilespmem:$0x2800] =	vst @!p0 v2  }
0xa7: {  	[tilespmem:$0x2880] =	vst @!p0 v1  }
0xa8: {  	v1 =	vld @!p0 [tilespmem:s24+$0x110];
	_ =	sdelay $0x4  }
0xa9: {  	v2 =	vand.u32 @!p0 $0xFFFF, v1  }
0xaa: {  	v1 =	vshrl.u32 @!p0 v1, $0x10;
	[tilespmem:$0x2810] =	vst @!p0 v2  }
0xab: {  	[tilespmem:$0x2890] =	vst @!p0 v1  }
0xac: {  	v1 =	vld @!p0 [tilespmem:s24+$0x120];
	_ =	sdelay $0x4  }
0xad: {  	v2 =	vand.u32 @!p0 $0xFFFF, v1  }
0xae: {  	v1 =	vshrl.u32 @!p0 v1, $0x10;
	[tilespmem:$0x2820] =	vst @!p0 v2  }
0xaf: {  	[tilespmem:$0x28A0] =	vst @!p0 v1  }
0xb0: {  	v1 =	vld @!p0 [tilespmem:s24+$0x130];
	_ =	sdelay $0x4  }
0xb1: {  	v2 =	vand.u32 @!p0 $0xFFFF, v1  }
0xb2: {  	s0 =	simm.s32 @!p0 $0x40;
	v1 =	vshrl.u32 @!p0 v1, $0x10;
	[tilespmem:$0x2830] =	vst @!p0 v2  }
0xb3: {  	s6 =	simm.s32 @!p0 $0x2800;
	s7 =	simm.s32 @!p0 $0x2C00;
	s8 =	simm.s32 @!p0 $0x2;
	[tilespmem:$0x28B0] =	vst @!p0 v1  }
0xb4: {  	[tilespmem:s7], [sflag:$0x1] =	stream.indirect.gather @!p0 [hbm4b:s2+s0], $0x80, s6, s0, $0x2000b8;
	[tilespmem:$0x1E800] =	vst v63  }
0xb5: {  	_ =	swait.ge @!p0 [sflag:s8], $0x2000  }
0xb6: {  	s6 =	simm.s32 @!p0 $0x2980;
	[sflag:s8] =	ssyncset.done @!p0 $0x0  }
0xb7: {  	s7 =	simm.s32 @!p0 $0x4C00;
	[sflag:s8] =	ssyncadd.s32 @!p0 $0xFFFFE000;
	s8 =	simm.s32 @!p0 $0x5  }
0xb8: {  	[spmem:s3] =	stream.indirect.scatter.add.f32 @!p0 [tilespmem:s7], [sflag:$0x5], $0x80, s6, s0, $0x2000b8;
	[tilespmem:$0x1E800] =	vst v63  }
0xb9: {  	_ =	swait.ge @!p0 [sflag:s8], $0x2000  }
0xba: {  	[sflag:s8] =	ssyncset.done @!p0 $0x0  }
0xbb: {  	[sflag:s8] =	ssyncadd.s32 @!p0 $0xFFFFE000  }
0xbc: {  	v1 =	vld @!p0 [tilespmem:s24+$0x140];
	_ =	sdelay $0x4  }
0xbd: {  	v2 =	vand.u32 @!p0 $0xFFFF, v1  }
0xbe: {  	v1 =	vshrl.u32 @!p0 v1, $0x10;
	[tilespmem:$0x2900] =	vst @!p0 v2  }
0xbf: {  	[tilespmem:$0x2980] =	vst @!p0 v1  }
0xc0: {  	v1 =	vld @!p0 [tilespmem:s24+$0x150];
	_ =	sdelay $0x4  }
0xc1: {  	v2 =	vand.u32 @!p0 $0xFFFF, v1  }
0xc2: {  	v1 =	vshrl.u32 @!p0 v1, $0x10;
	[tilespmem:$0x2910] =	vst @!p0 v2  }
0xc3: {  	[tilespmem:$0x2990] =	vst @!p0 v1  }
0xc4: {  	v1 =	vld @!p0 [tilespmem:s24+$0x160];
	_ =	sdelay $0x4  }
0xc5: {  	v2 =	vand.u32 @!p0 $0xFFFF, v1  }
0xc6: {  	v1 =	vshrl.u32 @!p0 v1, $0x10;
	[tilespmem:$0x2920] =	vst @!p0 v2  }
0xc7: {  	[tilespmem:$0x29A0] =	vst @!p0 v1  }
0xc8: {  	v1 =	vld @!p0 [tilespmem:s24+$0x170];
	_ =	sdelay $0x4  }
0xc9: {  	v2 =	vand.u32 @!p0 $0xFFFF, v1  }
0xca: {  	v1 =	vshrl.u32 @!p0 v1, $0x10;
	[tilespmem:$0x2930] =	vst @!p0 v2  }
0xcb: {  	s6 =	simm.s32 @!p0 $0x2900;
	[tilespmem:$0x29B0] =	vst @!p0 v1  }
0xcc: {  	[tilespmem:s7], [sflag:$0x2] =	stream.indirect.gather @!p0 [hbm4b:s2+s0], $0x80, s6, s0, $0x2000b8;
	[tilespmem:$0x1E800] =	vst v63  }
0xcd: {  	_ =	swait.ge [sflag:s1], $0x2000  }
0xce: {  	[sflag:s1] =	ssyncset.done $0x0  }
0xcf: {  	[sflag:s1] =	ssyncadd.s32 $0xFFFFE000  }
0xd0: {  	[spmem:s3] =	stream.indirect.scatter.add.f32 [tilespmem:s25], [sflag:$0x5], $0x80, s4, s19, $0x2000b8;
	[tilespmem:$0x1E800] =	vst v63  }
0xd1: {  	_ =	swait.ge [sflag:s18], $0x2000  }
0xd2: {  	[sflag:s18] =	ssyncset.done $0x0  }
0xd3: {  	[sflag:s18] =	ssyncadd.s32 $0xFFFFE000  }
0xd4: {  	v1 =	vld @!p0 [tilespmem:s24+$0x180];
	_ =	sdelay $0x4  }
0xd5: {  	v2 =	vand.u32 @!p0 $0xFFFF, v1  }
0xd6: {  	v1 =	vshrl.u32 @!p0 v1, $0x10;
	[tilespmem:$0x2A00] =	vst @!p0 v2  }
0xd7: {  	[tilespmem:$0x2A80] =	vst @!p0 v1  }
0xd8: {  	v1 =	vld @!p0 [tilespmem:s24+$0x190];
	_ =	sdelay $0x4  }
0xd9: {  	v2 =	vand.u32 @!p0 $0xFFFF, v1  }
0xda: {  	v1 =	vshrl.u32 @!p0 v1, $0x10;
	[tilespmem:$0x2A10] =	vst @!p0 v2  }
0xdb: {  	[tilespmem:$0x2A90] =	vst @!p0 v1  }
0xdc: {  	v1 =	vld @!p0 [tilespmem:s24+$0x1A0];
	_ =	sdelay $0x4  }
0xdd: {  	v2 =	vand.u32 @!p0 $0xFFFF, v1  }
0xde: {  	s23 =	simm.s32 $0x400;
	s8 =	simm.s32 @!p0 $0x6C00;
	s7 =	simm.s32 @!p0 $0x2A00;
	v1 =	vshrl.u32 @!p0 v1, $0x10;
	[tilespmem:$0x2A20] =	vst @!p0 v2  }
.LBB2_4:
0xdf: {  	[tilespmem:$0x2AA0] =	vst @!p0 v1;
	s6 =	smov.u32 s23;
	s23 =	sadd.s32 $0x400, s23  }
0xe0: {  	p1 =	sne.s32 s23, $0xA000;
	v1 =	vld @!p0 [tilespmem:s24+$0x1B0];
	_ =	sdelay $0x4  }
0xe1: {  	v2 =	vand.u32 @!p0 $0xFFFF, v1;
	v1 =	vshrl.u32 @!p0 v1, $0x10  }
0xe2: {  	[tilespmem:$0x2A30] =	vst @!p0 v2  }
0xe3: {  	[tilespmem:$0x2AB0] =	vst @!p0 v1  }
0xe4: {  	[tilespmem:s8], [sflag:$0x3] =	stream.indirect.gather @!p0 [hbm4b:s2+s0], $0x80, s7, s0, $0x2000b8;
	[tilespmem:$0x1E800] =	vst v63  }
0xe5: {  	_ =	swait.ge [sflag:s28], $0x2000  }
0xe6: {  	[sflag:s28] =	ssyncset.done $0x0  }
0xe7: {  	[sflag:s28] =	ssyncadd.s32 $0xFFFFE000  }
0xe8: {  	[spmem:s3] =	stream.indirect.scatter.add.f32 [tilespmem:s26], [sflag:$0x5], $0x80, s20, s19, $0x2000b8;
	[tilespmem:$0x1E800] =	vst v63  }
0xe9: {  	_ =	swait.ge [sflag:s18], $0x2000  }
0xea: {  	[sflag:s18] =	ssyncset.done $0x0  }
0xeb: {  	s0 =	sshra.s32 s6, $0x2;
	[sflag:s18] =	ssyncadd.s32 $0xFFFFE000  }
0xec: {  	v1 =	vld [tilespmem:s0+$0xC0];
	_ =	sdelay $0x4  }
0xed: {  	v2 =	vand.u32 $0xFFFF, v1;
	v1 =	vshrl.u32 v1, $0x10  }
0xee: {  	[tilespmem:$0x2B00] =	vst v2  }
0xef: {  	[tilespmem:$0x2B80] =	vst v1  }
0xf0: {  	v1 =	vld [tilespmem:s0+$0xD0];
	_ =	sdelay $0x4  }
0xf1: {  	v2 =	vand.u32 $0xFFFF, v1;
	v1 =	vshrl.u32 v1, $0x10  }
0xf2: {  	[tilespmem:$0x2B10] =	vst v2  }
0xf3: {  	[tilespmem:$0x2B90] =	vst v1  }
0xf4: {  	v1 =	vld [tilespmem:s0+$0xE0];
	_ =	sdelay $0x4  }
0xf5: {  	v2 =	vand.u32 $0xFFFF, v1;
	v1 =	vshrl.u32 v1, $0x10  }
0xf6: {  	[tilespmem:$0x2B20] =	vst v2  }
0xf7: {  	[tilespmem:$0x2BA0] =	vst v1  }
0xf8: {  	v1 =	vld [tilespmem:s0+$0xF0];
	_ =	sdelay $0x4  }
0xf9: {  	v2 =	vand.u32 $0xFFFF, v1;
	v1 =	vshrl.u32 v1, $0x10  }
0xfa: {  	[tilespmem:$0x2B30] =	vst v2  }
0xfb: {  	[tilespmem:$0x2BB0] =	vst v1  }
0xfc: {  	[tilespmem:s26], [sflag:$0x4] =	stream.indirect.gather [hbm4b:s2+s19], $0x80, s29, s19, $0x2000b8;
	[tilespmem:$0x1E800] =	vst v63  }
0xfd: {  	_ =	swait.ge [sflag:s30], $0x2000  }
0xfe: {  	p0 =	seq.s32 s6, $0x9C00;
	[sflag:s30] =	ssyncset.done $0x0  }
0xff: {  	s0 =	simm.s32 @p0 $0x2;
	[sflag:s30] =	ssyncadd.s32 $0xFFFFE000  }
0x100: {  	[spmem:s3] =	stream.indirect.scatter.add.f32 [tilespmem:s21], [sflag:$0x5], $0x80, s31, s19, $0x2000b8;
	[tilespmem:$0x1E800] =	vst v63  }
0x101: {  	s7 =	simm.s32 @p0 $0x4C00;
	_ =	swait.ge [sflag:s18], $0x2000  }
0x102: {  	s8 =	simm.s32 @p0 $0x40;
	s9 =	simm.s32 @p0 $0x2980;
	[sflag:s18] =	ssyncset.done $0x0  }
0x103: {  	s10 =	simm.s32 @p0 $0x5;
	[sflag:s18] =	ssyncadd.s32 $0xFFFFE000  }
0x104: {  	_ =	swait.ge @p0 [sflag:s0], $0x2000  }
0x105: {  	[sflag:s0] =	ssyncset.done @p0 $0x0  }
0x106: {  	s24 =	sshra.s32 @!p0 s6, $0x2;
	[sflag:s0] =	ssyncadd.s32 @p0 $0xFFFFE000  }
0x107: {  	[spmem:s3] =	stream.indirect.scatter.add.f32 @p0 [tilespmem:s7], [sflag:$0x5], $0x80, s9, s8, $0x2000b8;
	[tilespmem:$0x1E800] =	vst v63  }
0x108: {  	_ =	swait.ge @p0 [sflag:s10], $0x2000  }
0x109: {  	[sflag:s10] =	ssyncset.done @p0 $0x0  }
0x10a: {  	[sflag:s10] =	ssyncadd.s32 @p0 $0xFFFFE000  }
0x10b: {  	v1 =	vld @!p0 [tilespmem:s24+$0x100];
	_ =	sdelay $0x4  }
0x10c: {  	v2 =	vand.u32 @!p0 $0xFFFF, v1;
	v1 =	vshrl.u32 @!p0 v1, $0x10  }
0x10d: {  	[tilespmem:$0x2800] =	vst @!p0 v2  }
0x10e: {  	[tilespmem:$0x2880] =	vst @!p0 v1  }
0x10f: {  	v1 =	vld @!p0 [tilespmem:s24+$0x110];
	_ =	sdelay $0x4  }
0x110: {  	v2 =	vand.u32 @!p0 $0xFFFF, v1;
	v1 =	vshrl.u32 @!p0 v1, $0x10  }
0x111: {  	[tilespmem:$0x2810] =	vst @!p0 v2  }
0x112: {  	[tilespmem:$0x2890] =	vst @!p0 v1  }
0x113: {  	v1 =	vld @!p0 [tilespmem:s24+$0x120];
	_ =	sdelay $0x4  }
0x114: {  	v2 =	vand.u32 @!p0 $0xFFFF, v1;
	v1 =	vshrl.u32 @!p0 v1, $0x10  }
0x115: {  	[tilespmem:$0x2820] =	vst @!p0 v2  }
0x116: {  	s0 =	simm.s32 @!p0 $0x40;
	s7 =	simm.s32 @!p0 $0x2800;
	s8 =	simm.s32 @!p0 $0x2C00;
	[tilespmem:$0x28A0] =	vst @!p0 v1  }
0x117: {  	s9 =	simm.s32 @!p0 $0x2;
	v1 =	vld @!p0 [tilespmem:s24+$0x130];
	_ =	sdelay $0x2  }
0x118: {  	s6 =	simm.s32 @!p0 $0x4C00;
	s10 =	simm.s32 @!p0 $0x2980  }
0x119: {  	s11 =	simm.s32 @!p0 $0x5  }
0x11a: {  	v2 =	vand.u32 @!p0 $0xFFFF, v1;
	v1 =	vshrl.u32 @!p0 v1, $0x10  }
0x11b: {  	[tilespmem:$0x2830] =	vst @!p0 v2  }
0x11c: {  	[tilespmem:$0x28B0] =	vst @!p0 v1  }
0x11d: {  	[tilespmem:s8], [sflag:$0x1] =	stream.indirect.gather @!p0 [hbm4b:s2+s0], $0x80, s7, s0, $0x2000b8;
	[tilespmem:$0x1E800] =	vst v63  }
0x11e: {  	_ =	swait.ge @!p0 [sflag:s9], $0x2000  }
0x11f: {  	[sflag:s9] =	ssyncset.done @!p0 $0x0  }
0x120: {  	[sflag:s9] =	ssyncadd.s32 @!p0 $0xFFFFE000  }
0x121: {  	[spmem:s3] =	stream.indirect.scatter.add.f32 @!p0 [tilespmem:s6], [sflag:$0x5], $0x80, s10, s0, $0x2000b8;
	[tilespmem:$0x1E800] =	vst v63  }
0x122: {  	_ =	swait.ge @!p0 [sflag:s11], $0x2000  }
0x123: {  	[sflag:s11] =	ssyncset.done @!p0 $0x0  }
0x124: {  	[sflag:s11] =	ssyncadd.s32 @!p0 $0xFFFFE000  }
0x125: {  	v1 =	vld @!p0 [tilespmem:s24+$0x140];
	_ =	sdelay $0x4  }
0x126: {  	v2 =	vand.u32 @!p0 $0xFFFF, v1;
	v1 =	vshrl.u32 @!p0 v1, $0x10  }
0x127: {  	[tilespmem:$0x2900] =	vst @!p0 v2  }
0x128: {  	[tilespmem:$0x2980] =	vst @!p0 v1  }
0x129: {  	v1 =	vld @!p0 [tilespmem:s24+$0x150];
	_ =	sdelay $0x4  }
0x12a: {  	v2 =	vand.u32 @!p0 $0xFFFF, v1;
	v1 =	vshrl.u32 @!p0 v1, $0x10  }
0x12b: {  	[tilespmem:$0x2910] =	vst @!p0 v2  }
0x12c: {  	[tilespmem:$0x2990] =	vst @!p0 v1  }
0x12d: {  	v1 =	vld @!p0 [tilespmem:s24+$0x160];
	_ =	sdelay $0x2  }
0x12e: {  	s7 =	simm.s32 @!p0 $0x2900;
	_ =	sdelay $0x1  }
0x12f: {  	v2 =	vand.u32 @!p0 $0xFFFF, v1;
	v1 =	vshrl.u32 @!p0 v1, $0x10  }
0x130: {  	[tilespmem:$0x2920] =	vst @!p0 v2  }
0x131: {  	[tilespmem:$0x29A0] =	vst @!p0 v1  }
0x132: {  	v1 =	vld @!p0 [tilespmem:s24+$0x170];
	_ =	sdelay $0x4  }
0x133: {  	v2 =	vand.u32 @!p0 $0xFFFF, v1;
	v1 =	vshrl.u32 @!p0 v1, $0x10  }
0x134: {  	[tilespmem:$0x2930] =	vst @!p0 v2  }
0x135: {  	[tilespmem:$0x29B0] =	vst @!p0 v1  }
0x136: {  	[tilespmem:s6], [sflag:$0x2] =	stream.indirect.gather @!p0 [hbm4b:s2+s0], $0x80, s7, s0, $0x2000b8;
	[tilespmem:$0x1E800] =	vst v63  }
0x137: {  	_ =	swait.ge [sflag:s1], $0x2000  }
0x138: {  	[sflag:s1] =	ssyncset.done $0x0  }
0x139: {  	[sflag:s1] =	ssyncadd.s32 $0xFFFFE000  }
0x13a: {  	[spmem:s3] =	stream.indirect.scatter.add.f32 [tilespmem:s25], [sflag:$0x5], $0x80, s4, s19, $0x2000b8;
	[tilespmem:$0x1E800] =	vst v63  }
0x13b: {  	_ =	swait.ge [sflag:s18], $0x2000  }
0x13c: {  	[sflag:s18] =	ssyncset.done $0x0  }
0x13d: {  	[sflag:s18] =	ssyncadd.s32 $0xFFFFE000  }
0x13e: {  	v1 =	vld @!p0 [tilespmem:s24+$0x180];
	_ =	sdelay $0x4  }
0x13f: {  	v2 =	vand.u32 @!p0 $0xFFFF, v1;
	v1 =	vshrl.u32 @!p0 v1, $0x10  }
0x140: {  	[tilespmem:$0x2A00] =	vst @!p0 v2  }
0x141: {  	[tilespmem:$0x2A80] =	vst @!p0 v1  }
0x142: {  	v1 =	vld @!p0 [tilespmem:s24+$0x190];
	_ =	sdelay $0x4  }
0x143: {  	v2 =	vand.u32 @!p0 $0xFFFF, v1;
	v1 =	vshrl.u32 @!p0 v1, $0x10  }
0x144: {  	[tilespmem:$0x2A10] =	vst @!p0 v2  }
0x145: {  	s8 =	simm.s32 @!p0 $0x6C00;
	s7 =	simm.s32 @!p0 $0x2A00;
	[tilespmem:$0x2A90] =	vst @!p0 v1  }
0x146: {  	v1 =	vld @!p0 [tilespmem:s24+$0x1A0];
	_ =	sdelay $0x1  }
.Ltmp1:
0x147: {  	(pc) =	sbr.rel @p1 .LBB2_4-.Ltmp1, $3  }
0x148: {  	_ =	sdelay $0x1  }
0x149: {  	v2 =	vand.u32 @!p0 $0xFFFF, v1;
	v1 =	vshrl.u32 @!p0 v1, $0x10  }
0x14a: {  	[tilespmem:$0x2A20] =	vst @!p0 v2  }
0x14b: {  	[tilespmem:$0x2AA0] =	vst @!p0 v1  }
0x14c: {  	v1 =	vld @!p0 [tilespmem:s24+$0x1B0];
	_ =	sdelay $0x4  }
0x14d: {  	v2 =	vand.u32 @!p0 $0xFFFF, v1  }
0x14e: {  	v1 =	vshrl.u32 @!p0 v1, $0x10;
	[tilespmem:$0x2A30] =	vst @!p0 v2  }
0x14f: {  	[tilespmem:$0x2AB0] =	vst @!p0 v1  }
0x150: {  	[tilespmem:s8], [sflag:$0x3] =	stream.indirect.gather @!p0 [hbm4b:s2+s0], $0x80, s7, s0, $0x2000b8;
	[tilespmem:$0x1E800] =	vst v63  }
0x151: {  	_ =	swait.ge [sflag:s28], $0x2000  }
0x152: {  	[sflag:s28] =	ssyncset.done $0x0  }
0x153: {  	[sflag:s28] =	ssyncadd.s32 $0xFFFFE000  }
0x154: {  	[spmem:s3] =	stream.indirect.scatter.add.f32 [tilespmem:s26], [sflag:$0x5], $0x80, s20, s19, $0x2000b8;
	[tilespmem:$0x1E800] =	vst v63  }
0x155: {  	_ =	swait.ge [sflag:s18], $0x2000  }
0x156: {  	[sflag:s18] =	ssyncset.done $0x0  }
0x157: {  	[sflag:s18] =	ssyncadd.s32 $0xFFFFE000  }
0x158: {  	_ =	strace $0x9000004C  }
0x159: {  	_ =	strace $0x8000004D  }
0x15a: {  	s6 =	sshrl.u32 s5, $0x3;
	s24 =	stileid.u32;
	[bflag:$0x0] =	sbarrier.arrive $0xFFFF  }
0x15b: {  	s22 =	sadd.s32 $0x1, s22;
	s0 =	sshll.u32 s24, $0x6;
	_ =	strace $0x9000004D  }
0x15c: {  	p0 =	sne.s32 s22, s17;
	s0 =	sor.u32 $0x1C05, s0;
	_ =	strace $0x8000004E  }
0x15d: {  	[hbm:s16], [sflag:s0] =	dma.local [spmem:s6], $0x2780  }
.Ltmp2:
0x15e: {  	_ = 	snop;
	(pc) =	sbr.rel @p0 .LBB2_1-.Ltmp2, $4  }
0x15f: {  	_ =	swait.ge [sflag:s18], $0x2780  }
0x160: {  	[sflag:s18] =	ssyncset.done $0x0  }
0x161: {  	[sflag:s18] =	ssyncadd.s32 $0xFFFFD880  }
0x162: {  	_ =	strace $0x9000004E  }
0x163: {  	_ =	sfence.sel $0x180000  }
0x164: {  	[bflag:$0x0] =	sbarrier.arrive $0xFFFF  }
0x165: {  	_ =	strace $0x9000004A  }
0x166: {  	s0 =	stileid.u32;
	[bflag:$0x2] =	sbarrier.arrive $0xFFFF  }
0x167: {  	p0 =	sne.s32 s0, $0x0;
	s0 =	rddreg [dreg:$0x3]  }
0x168: {  	s0 =	sadd.s32 @!p0 $0x100000, s0  }
0x169: {  	[sflag:s0] =	ssyncadd.tile.s32 @!p0 $0x1;
	_ =	shalt  }
.Lfunc_end2:
_tile_overlayer_lowered:
.L_overlay_start_2:
0x16a: {  	(tag) =	ssettag $0x2  }
0x16b: {  	s0 =	rddreg [dreg:$0x0];
	s2 =	stileid.u32  }
0x16c: {  	s1 =	rddreg [dreg:$0x1];
	p0 =	sne.s32 s2, $0x0  }
0x16d: {  	s3 =	rddreg [dreg:$0x2];
	[bflag:$0x3] =	sbarrier.arrive $0xFFFF;
	s2 =	simm.s32 @!p0 $0x1C05  }
0x16e: {  	[timem:s3], [sflag:s2] =	dma.local @!p0 [hbm:s0], s1  }
0x16f: {  	s0 =	simm.s32 @!p0 $0x5  }
0x170: {  	_ =	swait.ge @!p0 [sflag:s0], s1  }
0x171: {  	s1 =	ssub.s32 @!p0 $0x0, s1;
	[sflag:s0] =	ssyncset.done @!p0 $0x0  }
0x172: {  	[sflag:s0] =	ssyncadd.s32 @!p0 s1  }
0x173: {  	[bflag:$0x3] =	sbarrier.arrive $0xFFFF  }
0x174: {  	_ =	shalt  }

// kernel: kernel.8.cloned.1.call-start
scs
__scs_entry_jumppad:
0x0: {  	(pc) =	sbr.rel $0x88, $3  }
0x1: {  	(tag) =	ssettag $0x0;
	lr =	simm.s32 $0x1  }
0x2: {  	[smem:$0x3F9D] =	sst lr;
	_ =	strace $0xD0000000  }
0x3: {  	_ = 	snop  }
0x4: {  	_ = 	snop  }
0x5: {  	_ = 	snop  }
0x6: {  	_ = 	snop  }
0x7: {  	_ = 	snop  }
__scs_overlays_trampoline_lowered:
0x8: {  	[smem:$0x3FAC] =	sst s0  }
0x9: {  	[smem:$0x3FAD] =	sst s1  }
0xa: {  	[smem:$0x3FAE] =	sst s2  }
0xb: {  	[smem:$0x3FAF] =	sst s3  }
0xc: {  	[smem:$0x3FB0] =	sst s4  }
0xd: {  	[smem:$0x3FB1] =	sst s5  }
0xe: {  	[smem:$0x3FB2] =	sst s6  }
0xf: {  	[smem:$0x3FB3] =	sst s7  }
0x10: {  	[smem:$0x3FB4] =	sst s8  }
0x11: {  	[smem:$0x3FB5] =	sst s9;
	s0 =	simm.s32 @!p0 $0x0  }
0x12: {  	s1 =	sld [smem:$0x3F9B];
	s0 =	simm.s32 @p0 $0x1  }
0x13: {  	[smem:$0x3FB6] =	sst s0;
	s0 =	simm.s32 @!p1 $0x0  }
0x14: {  	s2 =	sld [smem:$0x3F9A];
	s0 =	simm.s32 @p1 $0x1  }
0x15: {  	[smem:$0x3FB7] =	sst s0;
	s0 =	simm.s32 @!p2 $0x0  }
0x16: {  	s3 =	sld [smem:$0x3FDB];
	s0 =	simm.s32 @p2 $0x1  }
0x17: {  	s4 =	simm.s32 $0x1BF5;
	[smem:$0x3FB9] =	sst s0  }
0x18: {  	s0 =	sld [smem:$0x3F9C];
	_ =	swait.ge [sflag:s4], $0x0  }
0x19: {  	s7 =	sld [smem:$0x3F9D]  }
0x1a: {  	s8 =	sadd.s32 $0xFFFFE003, lr  }
0x1b: {  	s9 =	sadd.s32 $0xFFFFFEF7, lr;
	s5 =	simm.s32 $0xFFFFFFFF;
	p2 =	slt.u32 s8, $0xFFFFF086  }
0x1c: {  	p1 =	slt.u32 s9, $0xF7A;
	s5 =	simm.s32 @!p2 $0x0  }
0x1d: {  	s5 =	simm.s32 @p1 $0x1;
	p0 =	seq.s32 s7, s2  }
0x1e: {  	s7 =	smul.u32 @!p0 $0xF7A, s2;
	p2 =	seq.s32 @!p0 s5, $0x0  }
0x1f: {  	s9 =	smul.u32 $0xF7A, s1;
	s8 =	simm.s32 @!p0 $0x1BF5;
	p2 =	por !p2, p0  }
0x20: {  	[sflag:s8] =	ssyncset.s32 @!p0 $0xFFFFF086;
	s6 =	sadd.s32 @!p0 s3, s7;
	s7 =	simm.s32 @!p0 $0x108  }
0x21: {  	s3 =	sadd.s32 s3, s9;
	s6 =	sadd.s32 @!p0 $0x88, s6;
	s7 =	simm.s32 @p2 $0x1082  }
0x22: {  	[simem:s7], [sflag:s8] =	dma.local @!p0 [hbm:s6], $0xF7A  }
0x23: {  	s9 =	sor.u32 $0xD0000000, s2;
	s6 =	simm.s32 $0x108;
	_ =	swait.ge @!p0 [sflag:s8], $0x0  }
0x24: {  	s3 =	sadd.s32 $0x88, s3;
	s6 =	simm.s32 @!p1 $0x1082;
	[sflag:s4] =	ssyncset.s32 $0xFFFFF086  }
0x25: {  	[simem:s6], [sflag:s4] =	dma.local [hbm:s3], $0xF7A  }
0x26: {  	[smem:$0x3F9D] =	sst s1;
	(tag) =	ssettag s2;
	_ =	strace s9  }
0x27: {  	s1 =	sld [smem:$0x3FAD]  }
0x28: {  	s2 =	sld [smem:$0x3FAE]  }
0x29: {  	s4 =	sld [smem:$0x3FB0]  }
0x2a: {  	p0 =	seq.s32 s5, $0x0;
	s5 =	sld [smem:$0x3FB1]  }
0x2b: {  	s6 =	sld [smem:$0x3FB2]  }
0x2c: {  	s7 =	sld [smem:$0x3FB3]  }
0x2d: {  	s3 =	simm.s32 $0x108;
	s8 =	sld [smem:$0x3FB4]  }
0x2e: {  	s3 =	simm.s32 @!p0 $0x1082;
	s9 =	sld [smem:$0x3FB5]  }
0x2f: {  	lr =	sadd.s32 s0, s3;
	s0 =	sld [smem:$0x3FAC]  }
0x30: {  	s3 =	sld [smem:$0x3FAF]  }
0x31: {  	[smem:$0x3FB8] =	sst s10  }
0x32: {  	s10 =	sld [smem:$0x3FB6];
	_ =	sdelay $0x3  }
0x33: {  	p0 =	seq.s32 s10, $0x1;
	s10 =	sld [smem:$0x3FB8];
	_ =	sdelay $0x3  }
0x34: {  	[smem:$0x3FB8] =	sst s10  }
0x35: {  	s10 =	sld [smem:$0x3FB7];
	_ =	sdelay $0x3  }
0x36: {  	p1 =	seq.s32 s10, $0x1;
	s10 =	sld [smem:$0x3FB8];
	_ =	sdelay $0x3  }
0x37: {  	[smem:$0x3FB8] =	sst s10  }
0x38: {  	s10 =	sld [smem:$0x3FB9]  }
0x39: {  	_ = 	snop;
	(pc) =	sbr.ind lr, $3  }
0x3a: {  	_ = 	snop  }
0x3b: {  	_ = 	snop  }
0x3c: {  	p2 =	seq.s32 s10, $0x1;
	s10 =	sld [smem:$0x3FB8]  }
0x3d: {  	_ =	shalt  }
0x3e: {  	_ =	shalt  }
0x3f: {  	_ =	shalt  }
0x40: {  	_ =	shalt  }
0x41: {  	_ =	shalt  }
0x42: {  	_ =	shalt  }
0x43: {  	_ =	shalt  }
0x44: {  	_ =	shalt  }
0x45: {  	_ =	shalt  }
0x46: {  	_ =	shalt  }
0x47: {  	_ =	shalt  }
0x48: {  	_ =	shalt  }
0x49: {  	_ =	shalt  }
0x4a: {  	_ =	shalt  }
0x4b: {  	_ =	shalt  }
0x4c: {  	_ =	shalt  }
0x4d: {  	_ =	shalt  }
0x4e: {  	_ =	shalt  }
0x4f: {  	_ =	shalt  }
0x50: {  	_ =	shalt  }
0x51: {  	_ =	shalt  }
0x52: {  	_ =	shalt  }
0x53: {  	_ =	shalt  }
0x54: {  	_ =	shalt  }
0x55: {  	_ =	shalt  }
0x56: {  	_ =	shalt  }
0x57: {  	_ =	shalt  }
0x58: {  	_ =	shalt  }
0x59: {  	_ =	shalt  }
0x5a: {  	_ =	shalt  }
0x5b: {  	_ =	shalt  }
0x5c: {  	_ =	shalt  }
0x5d: {  	_ =	shalt  }
0x5e: {  	_ =	shalt  }
0x5f: {  	_ =	shalt  }
0x60: {  	_ =	shalt  }
0x61: {  	_ =	shalt  }
0x62: {  	_ =	shalt  }
0x63: {  	_ =	shalt  }
0x64: {  	_ =	shalt  }
0x65: {  	_ =	shalt  }
0x66: {  	_ =	shalt  }
0x67: {  	_ =	shalt  }
0x68: {  	_ =	shalt  }
0x69: {  	_ =	shalt  }
0x6a: {  	_ =	shalt  }
0x6b: {  	_ =	shalt  }
0x6c: {  	_ =	shalt  }
0x6d: {  	_ =	shalt  }
0x6e: {  	_ =	shalt  }
0x6f: {  	_ =	shalt  }
0x70: {  	_ =	shalt  }
0x71: {  	_ =	shalt  }
0x72: {  	_ =	shalt  }
0x73: {  	_ =	shalt  }
0x74: {  	_ =	shalt  }
0x75: {  	_ =	shalt  }
0x76: {  	_ =	shalt  }
0x77: {  	_ =	shalt  }
0x78: {  	_ =	shalt  }
0x79: {  	_ =	shalt  }
0x7a: {  	_ =	shalt  }
0x7b: {  	_ =	shalt  }
0x7c: {  	_ =	shalt  }
0x7d: {  	_ =	shalt  }
0x7e: {  	_ =	shalt  }
0x7f: {  	_ =	shalt  }
0x80: {  	_ =	shalt  }
0x81: {  	_ =	shalt  }
0x82: {  	_ =	shalt  }
0x83: {  	_ =	shalt  }
0x84: {  	_ =	shalt  }
0x85: {  	_ =	shalt  }
0x86: {  	_ =	shalt  }
0x87: {  	_ =	shalt  }
.Lfunc_end0:
.L_simem_size_0:
called_computation_lowered:
.L_overlay_start_0:
0x88: {  	s2 =	sld [smem:$0x3FD9]  }
0x89: {  	s3 =	sld [smem:$0x3FFE];
	_ =	sdelay $0x1  }
0x8a: {  	s1 =	srdreg.scid  }
0x8b: {  	s0 =	sand.u32 $0x1, s1  }
0x8c: {  	s17 =	sshll.u32 s0, $0xA;
	s2 =	sadd.s32 s3, s2  }
0x8d: {  	s2 =	sadd.s32 s2, s17  }
0x8e: {  	[smem:$0x3FC4] =	sst s2  }
0x8f: {  	_ = 	snop  }
0x90: {  	s2 =	sld [smem:$0x3FD0];
	(tm) =	ssettm $0x1  }
0x91: {  	s18 =	sld [smem:$0x3FFB];
	_ =	sdelay $0x3  }
0x92: {  	_ =	strace s18  }
0x93: {  	s3 =	sld [smem:$0x3FFC];
	_ =	sdelay $0x3  }
0x94: {  	_ =	strace s3  }
0x95: {  	s3 =	sld [smem:$0x3FFD];
	_ =	sdelay $0x3  }
0x96: {  	_ =	strace s3  }
0x97: {  	_ =	strace $0x8FFFFFFF  }
0x98: {  	s19 =	sld [smem:$0x3FDB];
	_ =	sdelay $0x1  }
0x99: {  	s4 =	simm.s32 $_scs_section_size  }
0x9a: {  	s5 =	simm.s32 $_size__tile_overlayer_lowered;
	s6 =	simm.s32 $_tile_overlayer_lowered  }
0x9b: {  	s22 =	simm.s32 $0x1BFF;
	s21 =	sshll.u32 s6, $0x1;
	s3 =	sadd.s32 s4, s19  }
0x9c: {  	s7 =	simm.s32 $0x0;
	s20 =	sshll.u32 s5, $0x1;
	s5 =	sadd.s32 s21, s3  }
0x9d: {  	[timem:s7], [sflag:s22] =	dma.local [hbm:s5], s20  }
0x9e: {  	_ =	swait.ge [sflag:s22], s20  }
0x9f: {  	s4 =	ssub.s32 $0x0, s20;
	[sflag:s22] =	ssyncset.done $0x0  }
0xa0: {  	[sflag:s22] =	ssyncadd.s32 s4;
	_ =	sdelay $0x1  }
0xa1: {  	s23 =	simm.s32 $0x1B8B  }
0xa2: {  	_ =	swait.ge [sflag:s23], $0x1  }
0xa3: {  	[sflag:s23] =	ssyncset.done $0x0  }
0xa4: {  	s25 =	simm.s32 $0x1B8E;
	s24 =	sld [smem:$0x3FFE];
	[sflag:s23] =	ssyncadd.s32 $0xFFFFFFFF  }
0xa5: {  	s26 =	simm.s32 $execute0_lowered;
	[smem:$0x3FD2] =	sst s25  }
0xa6: {  	s5 =	sshll.u32 s26, $0x1;
	_ =	strace $0x80000046;
	[dreg:$0x1] =	wrdreg $0xFFFFFFFF  }
0xa7: {  	s28 =	simm.s32 $_size_execute0_lowered;
	s3 =	sadd.s32 s3, s5;
	[dreg:$0x0] =	wrdreg $0x0  }
0xa8: {  	s5 =	sshll.u32 s28, $0x1;
	[dreg:$0x2] =	wrdreg s3  }
0xa9: {  	[dreg:$0x3] =	wrdreg s5  }
0xaa: {  	[dreg:$0x4] =	wrdreg $0xC0  }
0xab: {  	_ =	task [dreg:s7], $0x5FFFF  }
0xac: {  	[dreg:$0x1] =	wrdreg $0xFFFFFFFF  }
0xad: {  	[dreg:$0x0] =	wrdreg $0x60  }
0xae: {  	[dreg:$0x2] =	wrdreg s24  }
0xaf: {  	[dreg:$0x3] =	wrdreg s2  }
0xb0: {  	[dreg:$0x4] =	wrdreg $0x53000  }
0xb1: {  	[dreg:$0x5] =	wrdreg $0x9  }
0xb2: {  	_ =	task.clear_ibuf [dreg:s7], $0x6FFFF;
	_ =	strace $0x90000046  }
0xb3: {  	s29 =	simm.s32 $0x9;
	_ =	strace $0x80000048  }
0xb4: {  	_ =	swait.ge [sflag:s29], $0x1  }
0xb5: {  	[sflag:s29] =	ssyncadd.s32 $0xFFFFFFFF  }
0xb6: {  	_ =	strace $0x90000048  }
0xb7: {  	_ =	sfence  }
0xb8: {  	s30 =	sld [smem:$0x0];
	_ =	sdelay $0x2  }
0xb9: {  	s31 =	sshll.u32 s1, $0xD;
	s1 =	sshrl.u32 s1, $0x2  }
0xba: {  	s3 =	sand.u32 $0x4000, s31;
	s1 =	sadd.s32 s1, s30  }
0xbb: {  	s0 =	sor.u32 s3, s0;
	s1 =	sshll.u32 s1, $0x11  }
0xbc: {  	s0 =	sor.u32 s1, s0  }
0xbd: {  	s0 =	sadd.s32 $0x8F2B, s0  }
0xbe: {  	[sflag:s0] =	ssyncadd.remote.s32 $0x1  }
0xbf: {  	_ =	sfence.sel $0xFFFF  }
0xc0: {  	[dreg:$0x0] =	wrdreg $0xFFFFFFFF;
	(pc) =	sbr.abs _section_cstart, $3  }
0xc1: {  	[dreg:$0x1] =	wrdreg $0xFFFFFFFF  }
0xc2: {  	_ =	task.clear_ibuf [dreg:s7], $0x2FFFF;
	_ =	strace $0x9FFFFFFF  }
0xc3: {  	(tm) =	ssettm $0x7FFFFFFF  }
tec
execute0_lowered:
.L_overlay_start_1:
0x0: {  	(tag) =	ssettag $0x1  }
0x1: {  	s4 =	rddreg [dreg:$0x0]  }
0x2: {  	s6 =	rddreg [dreg:$0x1];
	s1 =	srdreg.scid  }
0x3: {  	s0 =	stileid.u32;
	s2 =	rddreg [dreg:$0x2]  }
0x4: {  	s3 =	simm.s32 $0x0;
	s11 =	simm.s32 $0x5280;
	s12 =	simm.s32 $0x1  }
0x5: {  	s15 =	simm.s32 $0x20;
	s16 =	simm.s32 $0x10;
	s17 =	simm.s32 $0x0  }
0x6: {  	s5 =	sand.u32 $0x1, s1;
	s1 =	rddreg [dreg:$0x3];
	s8 =	smul.u32 $0x500, s0  }
0x7: {  	s7 =	sshll.u32 s0, $0x1;
	[smem:$0x7FF] =	sst s3;
	s10 =	smul.u32 $0xA00, s0  }
0x8: {  	s13 =	sshll.u32 s0, $0x6;
	s7 =	sor.u32 s5, s7;
	_ =	strace $0x80000047  }
0x9: {  	s9 =	ssub.s32 $0x2, s5;
	s5 =	sshll.u32 s5, $0x7;
	s13 =	sor.u32 $0x1C02, s13  }
0xa: {  	s7 =	smul.u32 $0x500, s7;
	s28 =	sshrl.u32 s9, $0x1;
	s5 =	sor.u32 s5, s8  }
0xb: {  	s30 =	sshrl.u32 s10, $0x2;
	s8 =	simm.s32 $0x5000;
	s10 =	simm.s32 $0x80  }
0xc: {  	s29 =	ssub.s32 s9, s28;
	s31 =	sshrl.u32 s5, $0x3;
	s9 =	simm.s32 $0x2  }
0xd: {  	s7 =	sadd.s32 s7, s4;
	s4 =	sadd.s32 s30, s2;
	s6 =	sadd.s32 s6, s31  }
0xe: {  	v0 =	vimm.f32 $0.0e+00;
	v1 =	vimm.f32 $1.000000000e+00;
	s5 =	sadd.s32 $0x1C00, s7;
	s7 =	smax.u32 s29, $0x1;
	s14 =	sshrl.u32 s4, $0x3  }
.LBB2_1:
0xf: {  	[tilespmem:$0x5000] =	vst v0  }
0x10: {  	[tilespmem:$0x5010] =	vst v0  }
0x11: {  	[tilespmem:$0x5020] =	vst v0  }
0x12: {  	[tilespmem:$0x5030] =	vst v0  }
0x13: {  	[tilespmem:$0x5040] =	vst v0  }
0x14: {  	[tilespmem:$0x5050] =	vst v0  }
0x15: {  	[tilespmem:$0x5060] =	vst v0  }
0x16: {  	[tilespmem:$0x5070] =	vst v0  }
0x17: {  	[tilespmem:$0x5080] =	vst v0  }
0x18: {  	[tilespmem:$0x5090] =	vst v0  }
0x19: {  	[tilespmem:$0x50A0] =	vst v0  }
0x1a: {  	[tilespmem:$0x50B0] =	vst v0  }
0x1b: {  	[tilespmem:$0x50C0] =	vst v0  }
0x1c: {  	[tilespmem:$0x50D0] =	vst v0  }
0x1d: {  	[tilespmem:$0x50E0] =	vst v0  }
0x1e: {  	[tilespmem:$0x50F0] =	vst v0  }
0x1f: {  	[tilespmem:$0x5100] =	vst v0  }
0x20: {  	[tilespmem:$0x5110] =	vst v0  }
0x21: {  	[tilespmem:$0x5120] =	vst v0  }
0x22: {  	[tilespmem:$0x5130] =	vst v0  }
0x23: {  	[tilespmem:$0x5140] =	vst v0  }
0x24: {  	[tilespmem:$0x5150] =	vst v0  }
0x25: {  	[tilespmem:$0x5160] =	vst v0  }
0x26: {  	[tilespmem:$0x5170] =	vst v0  }
0x27: {  	[tilespmem:$0x5180] =	vst v0  }
0x28: {  	[tilespmem:$0x5190] =	vst v0  }
0x29: {  	[tilespmem:$0x51A0] =	vst v0  }
0x2a: {  	[tilespmem:$0x51B0] =	vst v0  }
0x2b: {  	[tilespmem:$0x51C0] =	vst v0  }
0x2c: {  	[tilespmem:$0x51D0] =	vst v0  }
0x2d: {  	[tilespmem:$0x51E0] =	vst v0  }
0x2e: {  	[tilespmem:$0x51F0] =	vst v0  }
0x2f: {  	[tilespmem:$0x5200] =	vst v0  }
0x30: {  	[tilespmem:$0x5210] =	vst v0  }
0x31: {  	[tilespmem:$0x5220] =	vst v0  }
0x32: {  	[tilespmem:$0x5230] =	vst v0  }
0x33: {  	[tilespmem:$0x5240] =	vst v0  }
0x34: {  	[tilespmem:$0x5250] =	vst v0  }
0x35: {  	[tilespmem:$0x5260] =	vst v0  }
0x36: {  	[tilespmem:$0x5270] =	vst v0  }
0x37: {  	[tilespmem:$0x5280] =	vst v1  }
0x38: {  	[tilespmem:$0x5290] =	vst v1  }
0x39: {  	[tilespmem:$0x52A0] =	vst v1  }
0x3a: {  	[tilespmem:$0x52B0] =	vst v1  }
0x3b: {  	[tilespmem:$0x52C0] =	vst v1  }
0x3c: {  	[tilespmem:$0x52D0] =	vst v1  }
0x3d: {  	[tilespmem:$0x52E0] =	vst v1  }
0x3e: {  	[tilespmem:$0x52F0] =	vst v1  }
0x3f: {  	[spmem:s4] =	stream.linear.scatter [tilespmem:s8], [sflag:$0x2], $0x280, $0x38;
	[tilespmem:$0x5580] =	vst v63  }
0x40: {  	_ =	swait.ge [sflag:s9], $0x280  }
0x41: {  	[sflag:s9] =	ssyncset.done $0x0  }
0x42: {  	[sflag:s9] =	ssyncadd.s32 $0xFFFFFD80  }
0x43: {  	[tilespmem:s3], [sflag:$0x2] =	stream.linear.gather [hbm4b:s5+s3], $0x2800, $0x38;
	[tilespmem:$0x5580] =	vst v63  }
0x44: {  	_ =	swait.ge [sflag:s9], $0x2800  }
0x45: {  	[sflag:s9] =	ssyncset.done $0x0  }
0x46: {  	s19 =	simm.s32 $0x0;
	[sflag:s9] =	ssyncadd.s32 $0xFFFFD800  }
0x47: {  	v3 =	vld [tilespmem:s19+$0x70]  }
0x48: {  	v6 =	vld [tilespmem:s19+$0x0]  }
0x49: {  	v7 =	vld [tilespmem:s19+$0x10]  }
0x4a: {  	v5 =	vld [tilespmem:s19+$0x20]  }
0x4b: {  	v4 =	vld [tilespmem:s19+$0x30]  }
0x4c: {  	v2 =	vld [tilespmem:s19+$0x40];
	v8 =	vshrl.u32 v3, $0x10  }
0x4d: {  	v3 =	vld [tilespmem:s19+$0x50];
	v6 =	vshrl.u32 v6, $0x10;
	[tilespmem:s19+$0x2870] =	vst v8  }
0x4e: {  	s18 =	simm.s32 $0x80;
	s20 =	simm.s32 $0x400;
	v7 =	vshrl.u32 v7, $0x10;
	[tilespmem:s19+$0x2800] =	vst v6;
	v6 =	vld [tilespmem:s19+$0x60]  }
.LBB2_2:
0x4f: {  	p0 =	sne.s32 s20, $0x9E00;
	v8 =	vld [tilespmem:s18+$0x70];
	[tilespmem:s19+$0x2810] =	vst v7;
	v5 =	vshrl.u32 v5, $0x10  }
0x50: {  	v7 =	vld [tilespmem:s18+$0x0];
	[tilespmem:s19+$0x2820] =	vst v5;
	v4 =	vshrl.u32 v4, $0x10  }
0x51: {  	v9 =	vld [tilespmem:s18+$0x10];
	[tilespmem:s19+$0x2830] =	vst v4;
	v2 =	vshrl.u32 v2, $0x10  }
.Ltmp0:
0x52: {  	v5 =	vld [tilespmem:s18+$0x20];
	[tilespmem:s19+$0x2840] =	vst v2;
	v2 =	vshrl.u32 v3, $0x10;
	(pc) =	sbr.rel @p0 .LBB2_2-.Ltmp0, $4  }
0x53: {  	v4 =	vld [tilespmem:s18+$0x30];
	[tilespmem:s19+$0x2850] =	vst v2;
	v3 =	vshrl.u32 v6, $0x10  }
0x54: {  	v2 =	vld [tilespmem:s18+$0x40];
	v6 =	vshrl.u32 v8, $0x10;
	[tilespmem:s19+$0x2860] =	vst v3;
	s19 =	smov.u32 s18  }
0x55: {  	v7 =	vshrl.u32 v7, $0x10;
	v3 =	vld [tilespmem:s19+$0x50];
	[tilespmem:s19+$0x2870] =	vst v6  }
0x56: {  	s18 =	sshra.s32 s20, $0x2;
	s20 =	sadd.s32 $0x200, s20;
	[tilespmem:s19+$0x2800] =	vst v7;
	v7 =	vshrl.u32 v9, $0x10;
	v6 =	vld [tilespmem:s19+$0x60]  }
0x57: {  	v8 =	vld [tilespmem:s18+$0x70];
	[tilespmem:s19+$0x2810] =	vst v7;
	v5 =	vshrl.u32 v5, $0x10  }
0x58: {  	v7 =	vld [tilespmem:s18+$0x0];
	[tilespmem:s19+$0x2820] =	vst v5;
	v4 =	vshrl.u32 v4, $0x10  }
0x59: {  	v5 =	vld [tilespmem:s18+$0x10];
	[tilespmem:s19+$0x2830] =	vst v4;
	v2 =	vshrl.u32 v2, $0x10  }
0x5a: {  	v4 =	vld [tilespmem:s18+$0x20];
	[tilespmem:s19+$0x2840] =	vst v2;
	v2 =	vshrl.u32 v3, $0x10  }
0x5b: {  	v3 =	vld [tilespmem:s18+$0x30];
	[tilespmem:s19+$0x2850] =	vst v2;
	v2 =	vshrl.u32 v6, $0x10  }
0x5c: {  	v61 =	vld [tilespmem:s18+$0x40];
	[tilespmem:s19+$0x2860] =	vst v2;
	v2 =	vshrl.u32 v8, $0x10  }
0x5d: {  	v62 =	vld [tilespmem:s18+$0x50];
	v7 =	vshrl.u32 v7, $0x10;
	[tilespmem:s18+$0x2870] =	vst v2  }
0x5e: {  	v63 =	vld [tilespmem:s18+$0x60];
	[tilespmem:s18+$0x2800] =	vst v7;
	v2 =	vshrl.u32 v5, $0x10  }
0x5f: {  	[tilespmem:s18+$0x2810] =	vst v2;
	v2 =	vshrl.u32 v4, $0x10  }
0x60: {  	[tilespmem:s18+$0x2820] =	vst v2;
	v2 =	vshrl.u32 v3, $0x10  }
0x61: {  	[tilespmem:s18+$0x2830] =	vst v2;
	v2 =	vshrl.u32 v61, $0x10  }
0x62: {  	[tilespmem:s18+$0x2840] =	vst v2;
	v2 =	vshrl.u32 v62, $0x10  }
0x63: {  	[tilespmem:s18+$0x2850] =	vst v2;
	v2 =	vshrl.u32 v63, $0x10  }
0x64: {  	[tilespmem:s18+$0x2860] =	vst v2  }
0x65: {  	s18 =	simm.s32 $0x0;
	[bflag:$0x0] =	sbarrier.arrive $0xFFFF  }
.LBB2_4:
0x66: {  	p0 =	sne.s32 s18, $0x9E00  }
.Ltmp1:
0x67: {  	_ = 	snop;
	(pc) =	sbr.rel @p0 .LBB2_4-.Ltmp1, $4  }
0x68: {  	_ = 	snop  }
0x69: {  	s19 =	sshra.s32 s18, $0x2  }
0x6a: {  	s18 =	sadd.s32 $0x200, s18;
	s19 =	sadd.s32 $0x2800, s19  }
0x6b: {  	[spmem:s2] =	stream.indirect.scatter.add.f32 [tilespmem:s11], [sflag:$0x1], $0x1, s19, s10, $0xb8;
	[tilespmem:$0x5580] =	vst v63  }
0x6c: {  	_ =	swait.ge [sflag:s12], $0x80  }
0x6d: {  	s18 =	simm.s32 $0x4F;
	[sflag:s12] =	ssyncset.done $0x0  }
.LBB2_6:
0x6e: {  	p0 =	sne.s32 s18, $0x1;
	s18 =	sadd.s32 $0xFFFFFFFF, s18;
	[sflag:s12] =	ssyncadd.s32 $0xFFFFFF80  }
.Ltmp2:
0x6f: {  	(pc) =	sbr.rel @p0 .LBB2_6-.Ltmp2, $3  }
0x70: {  	_ =	sdelay $0x1  }
0x71: {  	_ =	swait.ge [sflag:s12], $0x80  }
0x72: {  	[sflag:s12] =	ssyncset.done $0x0  }
0x73: {  	s17 =	sadd.s32 $0x1, s17  }
0x74: {  	[sflag:s12] =	ssyncadd.s32 $0xFFFFFF80;
	p0 =	sne.s32 s17, s7  }
.Ltmp3:
0x75: {  	[bflag:$0x0] =	sbarrier.arrive $0xFFFF;
	(pc) =	sbr.rel @p0 .LBB2_1-.Ltmp3, $4  }
0x76: {  	[hbm:s6@s15], [sflag:s13] =	dma.strided [spmem:s14@s16], $0x50, s12, $0x10   }
0x77: {  	_ =	swait.ge [sflag:s9], $0x50  }
0x78: {  	[sflag:s9] =	ssyncset.done $0x0  }
0x79: {  	[sflag:s9] =	ssyncadd.s32 $0xFFFFFFB0  }
0x7a: {  	_ =	sfence.sel $0x180000  }
0x7b: {  	[bflag:$0x0] =	sbarrier.arrive $0xFFFF  }
0x7c: {  	p0 =	sne.s32 s0, $0x0;
	_ =	strace $0x90000047  }
0x7d: {  	s0 =	sadd.s32 @!p0 $0x100000, s1;
	[bflag:$0x2] =	sbarrier.arrive $0xFFFF  }
0x7e: {  	[sflag:s0] =	ssyncadd.tile.s32 @!p0 $0x1;
	_ =	shalt  }
.Lfunc_end2:
_tile_overlayer_lowered:
.L_overlay_start_2:
0x7f: {  	(tag) =	ssettag $0x2  }
0x80: {  	s0 =	rddreg [dreg:$0x0];
	s2 =	stileid.u32  }
0x81: {  	s1 =	rddreg [dreg:$0x1];
	p0 =	sne.s32 s2, $0x0  }
0x82: {  	s3 =	rddreg [dreg:$0x2];
	[bflag:$0x3] =	sbarrier.arrive $0xFFFF;
	s2 =	simm.s32 @!p0 $0x1C02  }
0x83: {  	[timem:s3], [sflag:s2] =	dma.local @!p0 [hbm:s0], s1  }
0x84: {  	s0 =	simm.s32 @!p0 $0x2  }
0x85: {  	_ =	swait.ge @!p0 [sflag:s0], s1  }
0x86: {  	s1 =	ssub.s32 @!p0 $0x0, s1;
	[sflag:s0] =	ssyncset.done @!p0 $0x0  }
0x87: {  	[sflag:s0] =	ssyncadd.s32 @!p0 s1  }
0x88: {  	[bflag:$0x3] =	sbarrier.arrive $0xFFFF  }
0x89: {  	_ =	shalt  }

</sc_bundles>
